<compile_context>
chip_gen: v7x
topology: tpu7x:2x2x1
jax: 0.10.2.dev20260603
libtpu: 0.0.44.dev20260713+nightly
codegen_flags: <defaults>
</compile_context>

<pallas_src>
import functools

import jax
import jax.numpy as jnp
from jax import lax
from jax.experimental import pallas as pl
from jax.experimental.pallas import tpu as pltpu
from jax.experimental.pallas import tpu_sc as plsc

N = 10000
E = 320000
D = 128
G = 16

NC = 2
NS = 16
NW = NC * NS
EPT = E // NW
CH = 125
NCH = EPT // CH
NBUF = 2
NIDX = 4
NP = 10240
RPS = NP // NS

BLK = 2000
NBLK = N // BLK

_mesh = plsc.VectorSubcoreMesh(core_axis_name="c", subcore_axis_name="s")


@functools.partial(
    pl.kernel,
    out_type=jax.ShapeDtypeStruct((NC, NP, D), jnp.float32),
    mesh=_mesh,
    scratch_types=(
        [pltpu.VMEM((2, CH), jnp.int32)] * NIDX
        + [pltpu.VMEM((CH, D), jnp.float32)] * NBUF
        + [pltpu.VMEM_SHARED((NP, D), jnp.float32)]
        + [pltpu.SemaphoreType.DMA] * (NIDX + NBUF)
    ),
)
def _edge_scatter(g_hbm, eidx_hbm, zero_hbm, out_hbm, *rest):
    idx = rest[:NIDX]
    rows = rest[NIDX:NIDX + NBUF]
    acc_sh = rest[NIDX + NBUF]
    sem_i = rest[NIDX + NBUF + 1:NIDX + NBUF + 1 + NIDX]
    sem_g = rest[NIDX + NBUF + 1 + NIDX:]
    cid = lax.axis_index("c")
    sid = lax.axis_index("s")
    wid = sid * NC + cid
    rows0 = sid * RPS
    pltpu.sync_copy(zero_hbm.at[pl.ds(rows0, RPS)], acc_sh.at[pl.ds(rows0, RPS)])

    for k in range(NIDX):
        pltpu.async_copy(eidx_hbm.at[wid, k], idx[k], sem_i[k])
    for b in range(NBUF):
        pltpu.make_async_copy(eidx_hbm.at[wid, b], idx[b], sem_i[b]).wait()
        pltpu.async_copy(g_hbm.at[idx[b].at[0]], rows[b], sem_g[b])
    plsc.subcore_barrier()

    def body(grp, carry):
        base = grp * NIDX
        for j in range(NIDX):
            c = base + j
            b = j % NBUF
            k = j % NIDX
            pltpu.make_async_copy(g_hbm.at[idx[k].at[0]], rows[b],
                                  sem_g[b]).wait()
            pltpu.sync_copy(rows[b], acc_sh.at[idx[k].at[1]], add=True)
            ni = c + NIDX

            @pl.when(ni < NCH)
            def _():
                pltpu.async_copy(eidx_hbm.at[wid, ni], idx[k], sem_i[k])

            ng = c + NBUF

            @pl.when(ng < NCH)
            def _():
                kg = (j + NBUF) % NIDX
                pltpu.make_async_copy(eidx_hbm.at[wid, ng], idx[kg],
                                      sem_i[kg]).wait()
                pltpu.async_copy(g_hbm.at[idx[kg].at[0]], rows[b], sem_g[b])

        return carry

    lax.fori_loop(0, NCH // NIDX, body, 0)
    plsc.subcore_barrier()
    pltpu.sync_copy(acc_sh.at[pl.ds(rows0, RPS)],
                    out_hbm.at[cid, pl.ds(rows0, RPS)])


def _pre_body(dp_ref, x_ref, w_ref, g_ref, dinv_ref):
    deg = dp_ref[0, :, :1] + dp_ref[1, :, :1] + 1.0
    dv = lax.rsqrt(deg)
    dinv_ref[...] = dv
    g_ref[...] = jnp.dot(x_ref[...] * dv, w_ref[...],
                         preferred_element_type=jnp.float32)


def _pre(degp, x, w):
    return pl.pallas_call(
        _pre_body,
        grid=(NBLK,),
        in_specs=[
            pl.BlockSpec((NC, BLK, D), lambda i: (0, i, 0)),
            pl.BlockSpec((BLK, D), lambda i: (i, 0)),
            pl.BlockSpec((D, D), lambda i: (0, 0)),
        ],
        out_specs=[
            pl.BlockSpec((BLK, D), lambda i: (i, 0)),
            pl.BlockSpec((BLK, 1), lambda i: (i, 0)),
        ],
        out_shape=[
            jax.ShapeDtypeStruct((N, D), jnp.float32),
            jax.ShapeDtypeStruct((N, 1), jnp.float32),
        ],
    )(degp, x, w)


def _mid_body(acc_ref, g_ref, dinv_ref, b_ref, w_ref, out_ref):
    s = acc_ref[0] + acc_ref[1] + g_ref[...]
    p = jnp.maximum(dinv_ref[...] * s + b_ref[...], 0.0)
    out_ref[...] = jnp.dot(dinv_ref[...] * p, w_ref[...],
                           preferred_element_type=jnp.float32)


def _mid(acc, g, dinv, b, w):
    return pl.pallas_call(
        _mid_body,
        grid=(NBLK,),
        in_specs=[
            pl.BlockSpec((NC, BLK, D), lambda i: (0, i, 0)),
            pl.BlockSpec((BLK, D), lambda i: (i, 0)),
            pl.BlockSpec((BLK, 1), lambda i: (i, 0)),
            pl.BlockSpec((1, D), lambda i: (0, 0)),
            pl.BlockSpec((D, D), lambda i: (0, 0)),
        ],
        out_specs=pl.BlockSpec((BLK, D), lambda i: (i, 0)),
        out_shape=jax.ShapeDtypeStruct((N, D), jnp.float32),
    )(acc, g, dinv, b, w)


def _final_body(acc_ref, g_ref, dinv_ref, b_ref, batch_ref, out_ref,
                sums_ref, cnt_ref):
    i = pl.program_id(0)
    s = acc_ref[0] + acc_ref[1] + g_ref[...]
    p = jnp.maximum(dinv_ref[...] * s + b_ref[...], 0.0)
    bt = batch_ref[0, 0, :]
    onehot = (bt[:, None] == lax.broadcasted_iota(jnp.int32, (1, G), 1)
              ).astype(jnp.float32)
    psum = lax.dot_general(onehot, p, (((0,), (0,)), ((), ())),
                           preferred_element_type=jnp.float32)
    pcnt = jnp.sum(onehot, axis=0)[:, None]

    @pl.when(i == 0)
    def _():
        sums_ref[...] = psum
        cnt_ref[...] = pcnt

    @pl.when(i > 0)
    def _():
        sums_ref[...] += psum
        cnt_ref[...] += pcnt

    @pl.when(i == NBLK - 1)
    def _():
        out_ref[...] = sums_ref[...] / jnp.maximum(cnt_ref[...], 1.0)


def _final(acc, g, dinv, b, batch3):
    return pl.pallas_call(
        _final_body,
        grid=(NBLK,),
        in_specs=[
            pl.BlockSpec((NC, BLK, D), lambda i: (0, i, 0)),
            pl.BlockSpec((BLK, D), lambda i: (i, 0)),
            pl.BlockSpec((BLK, 1), lambda i: (i, 0)),
            pl.BlockSpec((1, D), lambda i: (0, 0)),
            pl.BlockSpec((1, 1, BLK), lambda i: (i, 0, 0)),
        ],
        out_specs=pl.BlockSpec((G, D), lambda i: (0, 0)),
        out_shape=jax.ShapeDtypeStruct((G, D), jnp.float32),
        scratch_shapes=[
            pltpu.VMEM((G, D), jnp.float32),
            pltpu.VMEM((G, 1), jnp.float32),
        ],
    )(acc, g, dinv, b, batch3)


def kernel(x, edge_index, batch, W1, b1, W2, b2, W3, b3):
    src = edge_index[0].astype(jnp.int32).reshape(NW, NCH, 1, CH)
    dst = edge_index[1].astype(jnp.int32).reshape(NW, NCH, 1, CH)
    eidx = jnp.concatenate([src, dst], axis=2)
    zeros_nd = jnp.zeros((NP, D), jnp.float32)
    ones_nd = jnp.ones((N, D), jnp.float32)
    batch3 = batch.astype(jnp.int32).reshape(NBLK, 1, BLK)

    degp = _edge_scatter(ones_nd, eidx, zeros_nd)
    g1, dinv = _pre(degp, x, W1)
    acc1 = _edge_scatter(g1, eidx, zeros_nd)
    g2 = _mid(acc1, g1, dinv, b1.reshape(1, D), W2)
    acc2 = _edge_scatter(g2, eidx, zeros_nd)
    g3 = _mid(acc2, g2, dinv, b2.reshape(1, D), W3)
    acc3 = _edge_scatter(g3, eidx, zeros_nd)
    return _final(acc3, g3, dinv, b3.reshape(1, D), batch3)

# --- scband reference (transcript-rebuilt; emitter-appended) ---
"""Pipeline reference for scband-model-65773129171099 (READ-ONLY COPY).

The authoritative reference and input builder live on the scoring server;
editing this copy changes nothing except your own understanding.
"""

import jax, jax.numpy as jnp
import numpy as np

N = 10000
E = 320000
D = 128
H = 128
G = 16


def gcn_conv(x, edge_index, W, b):
    # PyG GCNConv: x' = D^{-1/2} (A + I) D^{-1/2} (x W) + b
    num_nodes = x.shape[0]
    src = edge_index[0]
    dst = edge_index[1]
    loop = jnp.arange(num_nodes, dtype=src.dtype)
    src = jnp.concatenate([src, loop])
    dst = jnp.concatenate([dst, loop])
    deg = jnp.zeros((num_nodes,), dtype=x.dtype).at[dst].add(1.0)
    dinv = jnp.where(deg > 0, jax.lax.rsqrt(deg), 0.0)
    norm = dinv[src] * dinv[dst]
    h = x @ W
    msg = h[src] * norm[:, None]
    out = jnp.zeros((num_nodes, W.shape[1]), dtype=x.dtype).at[dst].add(msg)
    return out + b


def setup_inputs(seed: int = 0) -> dict:
    key = jax.random.key(seed)
    ks = jax.random.split(key, 10)
    x = jax.random.normal(ks[0], (N, D), dtype=jnp.float32)
    edge_index = jax.random.randint(ks[1], (2, E), 0, N)
    batch = jnp.sort(jax.random.randint(ks[2], (N,), 0, G))
    s_in = 1.0 / np.sqrt(D)
    s_h = 1.0 / np.sqrt(H)
    W1 = jax.random.normal(ks[3], (D, H), dtype=jnp.float32) * s_in
    b1 = jnp.zeros((H,), dtype=jnp.float32)
    W2 = jax.random.normal(ks[4], (H, H), dtype=jnp.float32) * s_h
    b2 = jnp.zeros((H,), dtype=jnp.float32)
    W3 = jax.random.normal(ks[5], (H, H), dtype=jnp.float32) * s_h
    b3 = jnp.zeros((H,), dtype=jnp.float32)
    return {"x": x, "edge_index": edge_index, "batch": batch,
            "W1": W1, "b1": b1, "W2": W2, "b2": b2, "W3": W3, "b3": b3}


def reference(x, edge_index, batch, W1, b1, W2, b2, W3, b3):
    h = jax.nn.relu(gcn_conv(x, edge_index, W1, b1))
    h = jax.nn.relu(gcn_conv(h, edge_index, W2, b2))
    h = jax.nn.relu(gcn_conv(h, edge_index, W3, b3))
    sums = jax.ops.segment_sum(h, batch, num_segments=G)
    cnt = jax.ops.segment_sum(jnp.ones((N, 1), dtype=h.dtype), batch, num_segments=G)
    return sums / jnp.maximum(cnt, 1.0)

if __name__ == "__main__":
    import jax
    _d = setup_inputs()
    print(jax.jit(kernel)(*tuple(_d.values())))

</pallas_src>

<mosaic_0001>
#map = affine_map<(d0, d1) -> (0, 0)>
#map1 = affine_map<(d0, d1) -> (0, 0, 0, 0)>
#map2 = affine_map<(d0, d1) -> (0, 0, 0)>
module attributes {stable_mosaic.version = 14 : i64} {
  func.func @_edge_scatter(%arg0: i32, %arg1: i32, %arg2: memref<10000x128xf32, #tpu.memory_space<hbm>>, %arg3: memref<32x80x2x125xi32, #tpu.memory_space<hbm>>, %arg4: memref<10240x128xf32, #tpu.memory_space<hbm>>, %arg5: memref<2x10240x128xf32, #tpu.memory_space<hbm>>, %arg6: memref<2x125xi32, #tpu.memory_space<vmem>>, %arg7: memref<2x125xi32, #tpu.memory_space<vmem>>, %arg8: memref<2x125xi32, #tpu.memory_space<vmem>>, %arg9: memref<2x125xi32, #tpu.memory_space<vmem>>, %arg10: memref<125x128xf32, #tpu.memory_space<vmem>>, %arg11: memref<125x128xf32, #tpu.memory_space<vmem>>, %arg12: memref<10240x128xf32, #tpu.memory_space<vmem_shared>>, %arg13: memref<!tpu.dma_semaphore, #tpu.memory_space<semaphore_mem>>, %arg14: memref<!tpu.dma_semaphore, #tpu.memory_space<semaphore_mem>>, %arg15: memref<!tpu.dma_semaphore, #tpu.memory_space<semaphore_mem>>, %arg16: memref<!tpu.dma_semaphore, #tpu.memory_space<semaphore_mem>>, %arg17: memref<!tpu.dma_semaphore, #tpu.memory_space<semaphore_mem>>, %arg18: memref<!tpu.dma_semaphore, #tpu.memory_space<semaphore_mem>>) attributes {dimension_semantics = [#tpu.dimension_semantics<core_parallel>, #tpu.dimension_semantics<subcore_parallel>], iteration_bounds = array<i64: 2, 16>, scalar_prefetch = 0 : i64, scratch_operands = 13 : i64, tpu.core_type = #tpu.core_type<sc_vector_subcore>, window_params = [{transform_indices = #map}, {transform_indices = #map1}, {transform_indices = #map}, {transform_indices = #map2}]} {
    %mul3A = arith.constant 2 : i32
    %mul3A_0 = arith.muli %arg1, %mul3A : i32
    %add3A = arith.addi %mul3A_0, %arg0 : i32
    %mul3A_1 = arith.constant 640 : i32
    %mul3A_2 = arith.muli %arg1, %mul3A_1 : i32
    "tpu.region"() ({
      %run_scoped3A = tpu.sem_alloc : memref<!tpu.dma_semaphore, #tpu.memory_space<semaphore_mem>>
      %dma_start3A_75 = arith.constant 0 : i32
      %dma_start3A_76 = tpu.memref_slice %arg12[%mul3A_2, %dma_start3A_75] : memref<10240x128xf32, #tpu.memory_space<vmem_shared>> -> memref<640x128xf32, #tpu.memory_space<vmem_shared>>
      %dma_start3A_77 = arith.constant 0 : i32
      %dma_start3A_78 = tpu.memref_slice %arg4[%mul3A_2, %dma_start3A_77] : memref<10240x128xf32, #tpu.memory_space<hbm>> -> memref<640x128xf32, #tpu.memory_space<hbm>>
      tpu.enqueue_dma source(%dma_start3A_78 : memref<640x128xf32, #tpu.memory_space<hbm>>) target(%dma_start3A_76 : memref<640x128xf32, #tpu.memory_space<vmem_shared>>) target_semaphore(%run_scoped3A : memref<!tpu.dma_semaphore, #tpu.memory_space<semaphore_mem>>)
      %dma_wait3A_79 = arith.constant 0 : i32
      %dma_wait3A_80 = tpu.memref_slice %arg12[%mul3A_2, %dma_wait3A_79] : memref<10240x128xf32, #tpu.memory_space<vmem_shared>> -> memref<640x128xf32, #tpu.memory_space<vmem_shared>>
      %dma_wait3A_81 = arith.constant 0 : i32
      %dma_wait3A_82 = tpu.memref_slice %arg4[%mul3A_2, %dma_wait3A_81] : memref<10240x128xf32, #tpu.memory_space<hbm>> -> memref<640x128xf32, #tpu.memory_space<hbm>>
      tpu.wait_dma2 semaphore(%run_scoped3A : memref<!tpu.dma_semaphore, #tpu.memory_space<semaphore_mem>>) src(%dma_wait3A_82 : memref<640x128xf32, #tpu.memory_space<hbm>>) dst(%dma_wait3A_80 : memref<640x128xf32, #tpu.memory_space<vmem_shared>>)
      tpu.yield
    }) : () -> ()
    %dma_start3A = arith.constant 0 : i32
    %dma_start3A_3 = arith.constant 0 : i32
    %dma_start3A_4 = arith.constant 0 : i32
    %dma_start3A_5 = tpu.memref_slice %arg3[%add3A, %dma_start3A, %dma_start3A_3, %dma_start3A_4] : memref<32x80x2x125xi32, #tpu.memory_space<hbm>> -> memref<1x1x2x125xi32, #tpu.memory_space<hbm>>
    %dma_start3A_6 = tpu.memref_squeeze %dma_start3A_5 : memref<1x1x2x125xi32, #tpu.memory_space<hbm>> -> memref<2x125xi32, #tpu.memory_space<hbm>>
    %dma_start3A_7 = arith.constant 0 : i32
    %dma_start3A_8 = arith.constant 0 : i32
    %dma_start3A_9 = tpu.memref_slice %arg3[%add3A, %dma_start3A, %dma_start3A_7, %dma_start3A_8] : memref<32x80x2x125xi32, #tpu.memory_space<hbm>> -> memref<1x1x2x125xi32, #tpu.memory_space<hbm>>
    %dma_start3A_10 = tpu.memref_squeeze %dma_start3A_9 : memref<1x1x2x125xi32, #tpu.memory_space<hbm>> -> memref<2x125xi32, #tpu.memory_space<hbm>>
    tpu.enqueue_dma source(%dma_start3A_10 : memref<2x125xi32, #tpu.memory_space<hbm>>) target(%arg6 : memref<2x125xi32, #tpu.memory_space<vmem>>) target_semaphore(%arg13 : memref<!tpu.dma_semaphore, #tpu.memory_space<semaphore_mem>>)
    %dma_start3A_11 = arith.constant 1 : i32
    %dma_start3A_12 = arith.constant 0 : i32
    %dma_start3A_13 = arith.constant 0 : i32
    %dma_start3A_14 = tpu.memref_slice %arg3[%add3A, %dma_start3A_11, %dma_start3A_12, %dma_start3A_13] : memref<32x80x2x125xi32, #tpu.memory_space<hbm>> -> memref<1x1x2x125xi32, #tpu.memory_space<hbm>>
    %dma_start3A_15 = tpu.memref_squeeze %dma_start3A_14 : memref<1x1x2x125xi32, #tpu.memory_space<hbm>> -> memref<2x125xi32, #tpu.memory_space<hbm>>
    %dma_start3A_16 = arith.constant 0 : i32
    %dma_start3A_17 = arith.constant 0 : i32
    %dma_start3A_18 = tpu.memref_slice %arg3[%add3A, %dma_start3A_11, %dma_start3A_16, %dma_start3A_17] : memref<32x80x2x125xi32, #tpu.memory_space<hbm>> -> memref<1x1x2x125xi32, #tpu.memory_space<hbm>>
    %dma_start3A_19 = tpu.memref_squeeze %dma_start3A_18 : memref<1x1x2x125xi32, #tpu.memory_space<hbm>> -> memref<2x125xi32, #tpu.memory_space<hbm>>
    tpu.enqueue_dma source(%dma_start3A_19 : memref<2x125xi32, #tpu.memory_space<hbm>>) target(%arg7 : memref<2x125xi32, #tpu.memory_space<vmem>>) target_semaphore(%arg14 : memref<!tpu.dma_semaphore, #tpu.memory_space<semaphore_mem>>)
    %dma_start3A_20 = arith.constant 2 : i32
    %dma_start3A_21 = arith.constant 0 : i32
    %dma_start3A_22 = arith.constant 0 : i32
    %dma_start3A_23 = tpu.memref_slice %arg3[%add3A, %dma_start3A_20, %dma_start3A_21, %dma_start3A_22] : memref<32x80x2x125xi32, #tpu.memory_space<hbm>> -> memref<1x1x2x125xi32, #tpu.memory_space<hbm>>
    %dma_start3A_24 = tpu.memref_squeeze %dma_start3A_23 : memref<1x1x2x125xi32, #tpu.memory_space<hbm>> -> memref<2x125xi32, #tpu.memory_space<hbm>>
    %dma_start3A_25 = arith.constant 0 : i32
    %dma_start3A_26 = arith.constant 0 : i32
    %dma_start3A_27 = tpu.memref_slice %arg3[%add3A, %dma_start3A_20, %dma_start3A_25, %dma_start3A_26] : memref<32x80x2x125xi32, #tpu.memory_space<hbm>> -> memref<1x1x2x125xi32, #tpu.memory_space<hbm>>
    %dma_start3A_28 = tpu.memref_squeeze %dma_start3A_27 : memref<1x1x2x125xi32, #tpu.memory_space<hbm>> -> memref<2x125xi32, #tpu.memory_space<hbm>>
    tpu.enqueue_dma source(%dma_start3A_28 : memref<2x125xi32, #tpu.memory_space<hbm>>) target(%arg8 : memref<2x125xi32, #tpu.memory_space<vmem>>) target_semaphore(%arg15 : memref<!tpu.dma_semaphore, #tpu.memory_space<semaphore_mem>>)
    %dma_start3A_29 = arith.constant 3 : i32
    %dma_start3A_30 = arith.constant 0 : i32
    %dma_start3A_31 = arith.constant 0 : i32
    %dma_start3A_32 = tpu.memref_slice %arg3[%add3A, %dma_start3A_29, %dma_start3A_30, %dma_start3A_31] : memref<32x80x2x125xi32, #tpu.memory_space<hbm>> -> memref<1x1x2x125xi32, #tpu.memory_space<hbm>>
    %dma_start3A_33 = tpu.memref_squeeze %dma_start3A_32 : memref<1x1x2x125xi32, #tpu.memory_space<hbm>> -> memref<2x125xi32, #tpu.memory_space<hbm>>
    %dma_start3A_34 = arith.constant 0 : i32
    %dma_start3A_35 = arith.constant 0 : i32
    %dma_start3A_36 = tpu.memref_slice %arg3[%add3A, %dma_start3A_29, %dma_start3A_34, %dma_start3A_35] : memref<32x80x2x125xi32, #tpu.memory_space<hbm>> -> memref<1x1x2x125xi32, #tpu.memory_space<hbm>>
    %dma_start3A_37 = tpu.memref_squeeze %dma_start3A_36 : memref<1x1x2x125xi32, #tpu.memory_space<hbm>> -> memref<2x125xi32, #tpu.memory_space<hbm>>
    tpu.enqueue_dma source(%dma_start3A_37 : memref<2x125xi32, #tpu.memory_space<hbm>>) target(%arg9 : memref<2x125xi32, #tpu.memory_space<vmem>>) target_semaphore(%arg16 : memref<!tpu.dma_semaphore, #tpu.memory_space<semaphore_mem>>)
    %dma_wait3A = arith.constant 0 : i32
    %dma_wait3A_38 = arith.constant 0 : i32
    %dma_wait3A_39 = arith.constant 0 : i32
    %dma_wait3A_40 = tpu.memref_slice %arg3[%add3A, %dma_wait3A, %dma_wait3A_38, %dma_wait3A_39] : memref<32x80x2x125xi32, #tpu.memory_space<hbm>> -> memref<1x1x2x125xi32, #tpu.memory_space<hbm>>
    %dma_wait3A_41 = tpu.memref_squeeze %dma_wait3A_40 : memref<1x1x2x125xi32, #tpu.memory_space<hbm>> -> memref<2x125xi32, #tpu.memory_space<hbm>>
    %dma_wait3A_42 = arith.constant 0 : i32
    %dma_wait3A_43 = arith.constant 0 : i32
    %dma_wait3A_44 = tpu.memref_slice %arg3[%add3A, %dma_wait3A, %dma_wait3A_42, %dma_wait3A_43] : memref<32x80x2x125xi32, #tpu.memory_space<hbm>> -> memref<1x1x2x125xi32, #tpu.memory_space<hbm>>
    %dma_wait3A_45 = tpu.memref_squeeze %dma_wait3A_44 : memref<1x1x2x125xi32, #tpu.memory_space<hbm>> -> memref<2x125xi32, #tpu.memory_space<hbm>>
    tpu.wait_dma2 semaphore(%arg13 : memref<!tpu.dma_semaphore, #tpu.memory_space<semaphore_mem>>) src(%dma_wait3A_45 : memref<2x125xi32, #tpu.memory_space<hbm>>) dst(%arg6 : memref<2x125xi32, #tpu.memory_space<vmem>>)
    %dma_start3A_46 = arith.constant 0 : i32
    %dma_start3A_47 = arith.constant 0 : i32
    %dma_start3A_48 = tpu.memref_slice %arg6[%dma_start3A_46, %dma_start3A_47] : memref<2x125xi32, #tpu.memory_space<vmem>> -> memref<1x125xi32, #tpu.memory_space<vmem>>
    %dma_start3A_49 = tpu.memref_squeeze %dma_start3A_48 : memref<1x125xi32, #tpu.memory_space<vmem>> -> memref<125xi32, #tpu.memory_space<vmem>>
    %dma_start3A_50 = arith.constant 0 : i32
    %dma_start3A_51 = arith.constant 0 : i32
    %dma_start3A_52 = tpu.memref_slice %arg2[%dma_start3A_50, %dma_start3A_51] : memref<10000x128xf32, #tpu.memory_space<hbm>> -> memref<10000x128xf32, #tpu.memory_space<hbm>>
    tpu.enqueue_indirect_dma source(%dma_start3A_52 : memref<10000x128xf32, #tpu.memory_space<hbm>>) target(%arg10 : memref<125x128xf32, #tpu.memory_space<vmem>>) offsets(%dma_start3A_49 : memref<125xi32, #tpu.memory_space<vmem>>) semaphore(%arg17 : memref<!tpu.dma_semaphore, #tpu.memory_space<semaphore_mem>>)
    %dma_wait3A_53 = arith.constant 1 : i32
    %dma_wait3A_54 = arith.constant 0 : i32
    %dma_wait3A_55 = arith.constant 0 : i32
    %dma_wait3A_56 = tpu.memref_slice %arg3[%add3A, %dma_wait3A_53, %dma_wait3A_54, %dma_wait3A_55] : memref<32x80x2x125xi32, #tpu.memory_space<hbm>> -> memref<1x1x2x125xi32, #tpu.memory_space<hbm>>
    %dma_wait3A_57 = tpu.memref_squeeze %dma_wait3A_56 : memref<1x1x2x125xi32, #tpu.memory_space<hbm>> -> memref<2x125xi32, #tpu.memory_space<hbm>>
    %dma_wait3A_58 = arith.constant 0 : i32
    %dma_wait3A_59 = arith.constant 0 : i32
    %dma_wait3A_60 = tpu.memref_slice %arg3[%add3A, %dma_wait3A_53, %dma_wait3A_58, %dma_wait3A_59] : memref<32x80x2x125xi32, #tpu.memory_space<hbm>> -> memref<1x1x2x125xi32, #tpu.memory_space<hbm>>
    %dma_wait3A_61 = tpu.memref_squeeze %dma_wait3A_60 : memref<1x1x2x125xi32, #tpu.memory_space<hbm>> -> memref<2x125xi32, #tpu.memory_space<hbm>>
    tpu.wait_dma2 semaphore(%arg14 : memref<!tpu.dma_semaphore, #tpu.memory_space<semaphore_mem>>) src(%dma_wait3A_61 : memref<2x125xi32, #tpu.memory_space<hbm>>) dst(%arg7 : memref<2x125xi32, #tpu.memory_space<vmem>>)
    %dma_start3A_62 = arith.constant 0 : i32
    %dma_start3A_63 = arith.constant 0 : i32
    %dma_start3A_64 = tpu.memref_slice %arg7[%dma_start3A_62, %dma_start3A_63] : memref<2x125xi32, #tpu.memory_space<vmem>> -> memref<1x125xi32, #tpu.memory_space<vmem>>
    %dma_start3A_65 = tpu.memref_squeeze %dma_start3A_64 : memref<1x125xi32, #tpu.memory_space<vmem>> -> memref<125xi32, #tpu.memory_space<vmem>>
    %dma_start3A_66 = arith.constant 0 : i32
    %dma_start3A_67 = arith.constant 0 : i32
    %dma_start3A_68 = tpu.memref_slice %arg2[%dma_start3A_66, %dma_start3A_67] : memref<10000x128xf32, #tpu.memory_space<hbm>> -> memref<10000x128xf32, #tpu.memory_space<hbm>>
    tpu.enqueue_indirect_dma source(%dma_start3A_68 : memref<10000x128xf32, #tpu.memory_space<hbm>>) target(%arg11 : memref<125x128xf32, #tpu.memory_space<vmem>>) offsets(%dma_start3A_65 : memref<125xi32, #tpu.memory_space<vmem>>) semaphore(%arg18 : memref<!tpu.dma_semaphore, #tpu.memory_space<semaphore_mem>>)
    %barrier3A = arith.constant 0 : index
    tpu.barrier barrier_id(%barrier3A)
    %scan3A = arith.constant 0 : i32
    %scan3A_69 = arith.constant 0 : i32
    %scan3A_70 = arith.constant 20 : i32
    %scan3A_71 = arith.addi %scan3A_69, %scan3A_70 : i32
    %scan3A_72 = arith.constant 1 : i32
    scf.for %scan3A_75 = %scan3A_69 to %scan3A_71 step %scan3A_72  : i32 {
      %mul3A_76 = arith.constant 4 : i32
      %mul3A_77 = arith.muli %scan3A_75, %mul3A_76 : i32
      %add3A_78 = arith.constant 0 : i32
      %add3A_79 = arith.addi %mul3A_77, %add3A_78 : i32
      %dma_wait3A_80 = arith.constant 0 : i32
      %dma_wait3A_81 = arith.constant 0 : i32
      %dma_wait3A_82 = tpu.memref_slice %arg6[%dma_wait3A_80, %dma_wait3A_81] : memref<2x125xi32, #tpu.memory_space<vmem>> -> memref<1x125xi32, #tpu.memory_space<vmem>>
      %dma_wait3A_83 = tpu.memref_squeeze %dma_wait3A_82 : memref<1x125xi32, #tpu.memory_space<vmem>> -> memref<125xi32, #tpu.memory_space<vmem>>
      %dma_wait3A_84 = arith.constant 0 : i32
      %dma_wait3A_85 = arith.constant 0 : i32
      %dma_wait3A_86 = tpu.memref_slice %arg2[%dma_wait3A_84, %dma_wait3A_85] : memref<10000x128xf32, #tpu.memory_space<hbm>> -> memref<10000x128xf32, #tpu.memory_space<hbm>>
      tpu.wait_indirect_dma semaphore(%arg17 : memref<!tpu.dma_semaphore, #tpu.memory_space<semaphore_mem>>) src(%dma_wait3A_86 : memref<10000x128xf32, #tpu.memory_space<hbm>>) dst(%arg10 : memref<125x128xf32, #tpu.memory_space<vmem>>)
      %run_scoped3A = arith.constant 1 : i32
      "tpu.region"() ({
        %run_scoped3A_170 = tpu.sem_alloc : memref<!tpu.dma_semaphore, #tpu.memory_space<semaphore_mem>>
        %dma_start3A_171 = arith.constant 0 : i32
        %dma_start3A_172 = tpu.memref_slice %arg6[%run_scoped3A, %dma_start3A_171] : memref<2x125xi32, #tpu.memory_space<vmem>> -> memref<1x125xi32, #tpu.memory_space<vmem>>
        %dma_start3A_173 = tpu.memref_squeeze %dma_start3A_172 : memref<1x125xi32, #tpu.memory_space<vmem>> -> memref<125xi32, #tpu.memory_space<vmem>>
        %dma_start3A_174 = arith.constant 0 : i32
        %dma_start3A_175 = arith.constant 0 : i32
        %dma_start3A_176 = tpu.memref_slice %arg12[%dma_start3A_174, %dma_start3A_175] : memref<10240x128xf32, #tpu.memory_space<vmem_shared>> -> memref<10240x128xf32, #tpu.memory_space<vmem_shared>>
        tpu.enqueue_indirect_dma source(%arg10 : memref<125x128xf32, #tpu.memory_space<vmem>>) target(%dma_start3A_176 : memref<10240x128xf32, #tpu.memory_space<vmem_shared>>) offsets(%dma_start3A_173 : memref<125xi32, #tpu.memory_space<vmem>>) semaphore(%run_scoped3A_170 : memref<!tpu.dma_semaphore, #tpu.memory_space<semaphore_mem>>) {add = true}
        %dma_wait3A_177 = arith.constant 0 : i32
        %dma_wait3A_178 = tpu.memref_slice %arg6[%run_scoped3A, %dma_wait3A_177] : memref<2x125xi32, #tpu.memory_space<vmem>> -> memref<1x125xi32, #tpu.memory_space<vmem>>
        %dma_wait3A_179 = tpu.memref_squeeze %dma_wait3A_178 : memref<1x125xi32, #tpu.memory_space<vmem>> -> memref<125xi32, #tpu.memory_space<vmem>>
        %dma_wait3A_180 = arith.constant 0 : i32
        %dma_wait3A_181 = arith.constant 0 : i32
        %dma_wait3A_182 = tpu.memref_slice %arg12[%dma_wait3A_180, %dma_wait3A_181] : memref<10240x128xf32, #tpu.memory_space<vmem_shared>> -> memref<10240x128xf32, #tpu.memory_space<vmem_shared>>
        tpu.wait_indirect_dma semaphore(%run_scoped3A_170 : memref<!tpu.dma_semaphore, #tpu.memory_space<semaphore_mem>>) src(%arg10 : memref<125x128xf32, #tpu.memory_space<vmem>>) dst(%dma_wait3A_182 : memref<10240x128xf32, #tpu.memory_space<vmem_shared>>)
        tpu.yield
      }) : () -> ()
      %add3A_87 = arith.constant 4 : i32
      %add3A_88 = arith.addi %add3A_79, %add3A_87 : i32
      %lt3A = arith.constant 80 : i32
      %lt3A_89 = arith.cmpi slt, %add3A_88, %lt3A : i32
      %convert_element_type3A = arith.extui %lt3A_89 : i1 to i32
      %cond3A = arith.constant 0 : i32
      %cond3A_90 = arith.cmpi ne, %convert_element_type3A, %cond3A : i32
      scf.if %cond3A_90 {
        %dma_start3A_170 = arith.constant 0 : i32
        %dma_start3A_171 = arith.constant 0 : i32
        %dma_start3A_172 = tpu.memref_slice %arg3[%add3A, %add3A_88, %dma_start3A_170, %dma_start3A_171] : memref<32x80x2x125xi32, #tpu.memory_space<hbm>> -> memref<1x1x2x125xi32, #tpu.memory_space<hbm>>
        %dma_start3A_173 = tpu.memref_squeeze %dma_start3A_172 : memref<1x1x2x125xi32, #tpu.memory_space<hbm>> -> memref<2x125xi32, #tpu.memory_space<hbm>>
        %dma_start3A_174 = arith.constant 0 : i32
        %dma_start3A_175 = arith.constant 0 : i32
        %dma_start3A_176 = tpu.memref_slice %arg3[%add3A, %add3A_88, %dma_start3A_174, %dma_start3A_175] : memref<32x80x2x125xi32, #tpu.memory_space<hbm>> -> memref<1x1x2x125xi32, #tpu.memory_space<hbm>>
        %dma_start3A_177 = tpu.memref_squeeze %dma_start3A_176 : memref<1x1x2x125xi32, #tpu.memory_space<hbm>> -> memref<2x125xi32, #tpu.memory_space<hbm>>
        tpu.enqueue_dma source(%dma_start3A_177 : memref<2x125xi32, #tpu.memory_space<hbm>>) target(%arg6 : memref<2x125xi32, #tpu.memory_space<vmem>>) target_semaphore(%arg13 : memref<!tpu.dma_semaphore, #tpu.memory_space<semaphore_mem>>)
      } else {
      }
      %add3A_91 = arith.constant 2 : i32
      %add3A_92 = arith.addi %add3A_79, %add3A_91 : i32
      %lt3A_93 = arith.constant 80 : i32
      %lt3A_94 = arith.cmpi slt, %add3A_92, %lt3A_93 : i32
      %convert_element_type3A_95 = arith.extui %lt3A_94 : i1 to i32
      %cond3A_96 = arith.constant 0 : i32
      %cond3A_97 = arith.cmpi ne, %convert_element_type3A_95, %cond3A_96 : i32
      scf.if %cond3A_97 {
        %dma_wait3A_170 = arith.constant 0 : i32
        %dma_wait3A_171 = arith.constant 0 : i32
        %dma_wait3A_172 = tpu.memref_slice %arg3[%add3A, %add3A_92, %dma_wait3A_170, %dma_wait3A_171] : memref<32x80x2x125xi32, #tpu.memory_space<hbm>> -> memref<1x1x2x125xi32, #tpu.memory_space<hbm>>
        %dma_wait3A_173 = tpu.memref_squeeze %dma_wait3A_172 : memref<1x1x2x125xi32, #tpu.memory_space<hbm>> -> memref<2x125xi32, #tpu.memory_space<hbm>>
        %dma_wait3A_174 = arith.constant 0 : i32
        %dma_wait3A_175 = arith.constant 0 : i32
        %dma_wait3A_176 = tpu.memref_slice %arg3[%add3A, %add3A_92, %dma_wait3A_174, %dma_wait3A_175] : memref<32x80x2x125xi32, #tpu.memory_space<hbm>> -> memref<1x1x2x125xi32, #tpu.memory_space<hbm>>
        %dma_wait3A_177 = tpu.memref_squeeze %dma_wait3A_176 : memref<1x1x2x125xi32, #tpu.memory_space<hbm>> -> memref<2x125xi32, #tpu.memory_space<hbm>>
        tpu.wait_dma2 semaphore(%arg15 : memref<!tpu.dma_semaphore, #tpu.memory_space<semaphore_mem>>) src(%dma_wait3A_177 : memref<2x125xi32, #tpu.memory_space<hbm>>) dst(%arg8 : memref<2x125xi32, #tpu.memory_space<vmem>>)
        %dma_start3A_178 = arith.constant 0 : i32
        %dma_start3A_179 = arith.constant 0 : i32
        %dma_start3A_180 = tpu.memref_slice %arg8[%dma_start3A_178, %dma_start3A_179] : memref<2x125xi32, #tpu.memory_space<vmem>> -> memref<1x125xi32, #tpu.memory_space<vmem>>
        %dma_start3A_181 = tpu.memref_squeeze %dma_start3A_180 : memref<1x125xi32, #tpu.memory_space<vmem>> -> memref<125xi32, #tpu.memory_space<vmem>>
        %dma_start3A_182 = arith.constant 0 : i32
        %dma_start3A_183 = arith.constant 0 : i32
        %dma_start3A_184 = tpu.memref_slice %arg2[%dma_start3A_182, %dma_start3A_183] : memref<10000x128xf32, #tpu.memory_space<hbm>> -> memref<10000x128xf32, #tpu.memory_space<hbm>>
        tpu.enqueue_indirect_dma source(%dma_start3A_184 : memref<10000x128xf32, #tpu.memory_space<hbm>>) target(%arg10 : memref<125x128xf32, #tpu.memory_space<vmem>>) offsets(%dma_start3A_181 : memref<125xi32, #tpu.memory_space<vmem>>) semaphore(%arg17 : memref<!tpu.dma_semaphore, #tpu.memory_space<semaphore_mem>>)
      } else {
      }
      %add3A_98 = arith.constant 1 : i32
      %add3A_99 = arith.addi %mul3A_77, %add3A_98 : i32
      %dma_wait3A_100 = arith.constant 0 : i32
      %dma_wait3A_101 = arith.constant 0 : i32
      %dma_wait3A_102 = tpu.memref_slice %arg7[%dma_wait3A_100, %dma_wait3A_101] : memref<2x125xi32, #tpu.memory_space<vmem>> -> memref<1x125xi32, #tpu.memory_space<vmem>>
      %dma_wait3A_103 = tpu.memref_squeeze %dma_wait3A_102 : memref<1x125xi32, #tpu.memory_space<vmem>> -> memref<125xi32, #tpu.memory_space<vmem>>
      %dma_wait3A_104 = arith.constant 0 : i32
      %dma_wait3A_105 = arith.constant 0 : i32
      %dma_wait3A_106 = tpu.memref_slice %arg2[%dma_wait3A_104, %dma_wait3A_105] : memref<10000x128xf32, #tpu.memory_space<hbm>> -> memref<10000x128xf32, #tpu.memory_space<hbm>>
      tpu.wait_indirect_dma semaphore(%arg18 : memref<!tpu.dma_semaphore, #tpu.memory_space<semaphore_mem>>) src(%dma_wait3A_106 : memref<10000x128xf32, #tpu.memory_space<hbm>>) dst(%arg11 : memref<125x128xf32, #tpu.memory_space<vmem>>)
      %run_scoped3A_107 = arith.constant 1 : i32
      "tpu.region"() ({
        %run_scoped3A_170 = tpu.sem_alloc : memref<!tpu.dma_semaphore, #tpu.memory_space<semaphore_mem>>
        %dma_start3A_171 = arith.constant 0 : i32
        %dma_start3A_172 = tpu.memref_slice %arg7[%run_scoped3A_107, %dma_start3A_171] : memref<2x125xi32, #tpu.memory_space<vmem>> -> memref<1x125xi32, #tpu.memory_space<vmem>>
        %dma_start3A_173 = tpu.memref_squeeze %dma_start3A_172 : memref<1x125xi32, #tpu.memory_space<vmem>> -> memref<125xi32, #tpu.memory_space<vmem>>
        %dma_start3A_174 = arith.constant 0 : i32
        %dma_start3A_175 = arith.constant 0 : i32
        %dma_start3A_176 = tpu.memref_slice %arg12[%dma_start3A_174, %dma_start3A_175] : memref<10240x128xf32, #tpu.memory_space<vmem_shared>> -> memref<10240x128xf32, #tpu.memory_space<vmem_shared>>
        tpu.enqueue_indirect_dma source(%arg11 : memref<125x128xf32, #tpu.memory_space<vmem>>) target(%dma_start3A_176 : memref<10240x128xf32, #tpu.memory_space<vmem_shared>>) offsets(%dma_start3A_173 : memref<125xi32, #tpu.memory_space<vmem>>) semaphore(%run_scoped3A_170 : memref<!tpu.dma_semaphore, #tpu.memory_space<semaphore_mem>>) {add = true}
        %dma_wait3A_177 = arith.constant 0 : i32
        %dma_wait3A_178 = tpu.memref_slice %arg7[%run_scoped3A_107, %dma_wait3A_177] : memref<2x125xi32, #tpu.memory_space<vmem>> -> memref<1x125xi32, #tpu.memory_space<vmem>>
        %dma_wait3A_179 = tpu.memref_squeeze %dma_wait3A_178 : memref<1x125xi32, #tpu.memory_space<vmem>> -> memref<125xi32, #tpu.memory_space<vmem>>
        %dma_wait3A_180 = arith.constant 0 : i32
        %dma_wait3A_181 = arith.constant 0 : i32
        %dma_wait3A_182 = tpu.memref_slice %arg12[%dma_wait3A_180, %dma_wait3A_181] : memref<10240x128xf32, #tpu.memory_space<vmem_shared>> -> memref<10240x128xf32, #tpu.memory_space<vmem_shared>>
        tpu.wait_indirect_dma semaphore(%run_scoped3A_170 : memref<!tpu.dma_semaphore, #tpu.memory_space<semaphore_mem>>) src(%arg11 : memref<125x128xf32, #tpu.memory_space<vmem>>) dst(%dma_wait3A_182 : memref<10240x128xf32, #tpu.memory_space<vmem_shared>>)
        tpu.yield
      }) : () -> ()
      %add3A_108 = arith.constant 4 : i32
      %add3A_109 = arith.addi %add3A_99, %add3A_108 : i32
      %lt3A_110 = arith.constant 80 : i32
      %lt3A_111 = arith.cmpi slt, %add3A_109, %lt3A_110 : i32
      %convert_element_type3A_112 = arith.extui %lt3A_111 : i1 to i32
      %cond3A_113 = arith.constant 0 : i32
      %cond3A_114 = arith.cmpi ne, %convert_element_type3A_112, %cond3A_113 : i32
      scf.if %cond3A_114 {
        %dma_start3A_170 = arith.constant 0 : i32
        %dma_start3A_171 = arith.constant 0 : i32
        %dma_start3A_172 = tpu.memref_slice %arg3[%add3A, %add3A_109, %dma_start3A_170, %dma_start3A_171] : memref<32x80x2x125xi32, #tpu.memory_space<hbm>> -> memref<1x1x2x125xi32, #tpu.memory_space<hbm>>
        %dma_start3A_173 = tpu.memref_squeeze %dma_start3A_172 : memref<1x1x2x125xi32, #tpu.memory_space<hbm>> -> memref<2x125xi32, #tpu.memory_space<hbm>>
        %dma_start3A_174 = arith.constant 0 : i32
        %dma_start3A_175 = arith.constant 0 : i32
        %dma_start3A_176 = tpu.memref_slice %arg3[%add3A, %add3A_109, %dma_start3A_174, %dma_start3A_175] : memref<32x80x2x125xi32, #tpu.memory_space<hbm>> -> memref<1x1x2x125xi32, #tpu.memory_space<hbm>>
        %dma_start3A_177 = tpu.memref_squeeze %dma_start3A_176 : memref<1x1x2x125xi32, #tpu.memory_space<hbm>> -> memref<2x125xi32, #tpu.memory_space<hbm>>
        tpu.enqueue_dma source(%dma_start3A_177 : memref<2x125xi32, #tpu.memory_space<hbm>>) target(%arg7 : memref<2x125xi32, #tpu.memory_space<vmem>>) target_semaphore(%arg14 : memref<!tpu.dma_semaphore, #tpu.memory_space<semaphore_mem>>)
      } else {
      }
      %add3A_115 = arith.constant 2 : i32
      %add3A_116 = arith.addi %add3A_99, %add3A_115 : i32
      %lt3A_117 = arith.constant 80 : i32
      %lt3A_118 = arith.cmpi slt, %add3A_116, %lt3A_117 : i32
      %convert_element_type3A_119 = arith.extui %lt3A_118 : i1 to i32
      %cond3A_120 = arith.constant 0 : i32
      %cond3A_121 = arith.cmpi ne, %convert_element_type3A_119, %cond3A_120 : i32
      scf.if %cond3A_121 {
        %dma_wait3A_170 = arith.constant 0 : i32
        %dma_wait3A_171 = arith.constant 0 : i32
        %dma_wait3A_172 = tpu.memref_slice %arg3[%add3A, %add3A_116, %dma_wait3A_170, %dma_wait3A_171] : memref<32x80x2x125xi32, #tpu.memory_space<hbm>> -> memref<1x1x2x125xi32, #tpu.memory_space<hbm>>
        %dma_wait3A_173 = tpu.memref_squeeze %dma_wait3A_172 : memref<1x1x2x125xi32, #tpu.memory_space<hbm>> -> memref<2x125xi32, #tpu.memory_space<hbm>>
        %dma_wait3A_174 = arith.constant 0 : i32
        %dma_wait3A_175 = arith.constant 0 : i32
        %dma_wait3A_176 = tpu.memref_slice %arg3[%add3A, %add3A_116, %dma_wait3A_174, %dma_wait3A_175] : memref<32x80x2x125xi32, #tpu.memory_space<hbm>> -> memref<1x1x2x125xi32, #tpu.memory_space<hbm>>
        %dma_wait3A_177 = tpu.memref_squeeze %dma_wait3A_176 : memref<1x1x2x125xi32, #tpu.memory_space<hbm>> -> memref<2x125xi32, #tpu.memory_space<hbm>>
        tpu.wait_dma2 semaphore(%arg16 : memref<!tpu.dma_semaphore, #tpu.memory_space<semaphore_mem>>) src(%dma_wait3A_177 : memref<2x125xi32, #tpu.memory_space<hbm>>) dst(%arg9 : memref<2x125xi32, #tpu.memory_space<vmem>>)
        %dma_start3A_178 = arith.constant 0 : i32
        %dma_start3A_179 = arith.constant 0 : i32
        %dma_start3A_180 = tpu.memref_slice %arg9[%dma_start3A_178, %dma_start3A_179] : memref<2x125xi32, #tpu.memory_space<vmem>> -> memref<1x125xi32, #tpu.memory_space<vmem>>
        %dma_start3A_181 = tpu.memref_squeeze %dma_start3A_180 : memref<1x125xi32, #tpu.memory_space<vmem>> -> memref<125xi32, #tpu.memory_space<vmem>>
        %dma_start3A_182 = arith.constant 0 : i32
        %dma_start3A_183 = arith.constant 0 : i32
        %dma_start3A_184 = tpu.memref_slice %arg2[%dma_start3A_182, %dma_start3A_183] : memref<10000x128xf32, #tpu.memory_space<hbm>> -> memref<10000x128xf32, #tpu.memory_space<hbm>>
        tpu.enqueue_indirect_dma source(%dma_start3A_184 : memref<10000x128xf32, #tpu.memory_space<hbm>>) target(%arg11 : memref<125x128xf32, #tpu.memory_space<vmem>>) offsets(%dma_start3A_181 : memref<125xi32, #tpu.memory_space<vmem>>) semaphore(%arg18 : memref<!tpu.dma_semaphore, #tpu.memory_space<semaphore_mem>>)
      } else {
      }
      %add3A_122 = arith.constant 2 : i32
      %add3A_123 = arith.addi %mul3A_77, %add3A_122 : i32
      %dma_wait3A_124 = arith.constant 0 : i32
      %dma_wait3A_125 = arith.constant 0 : i32
      %dma_wait3A_126 = tpu.memref_slice %arg8[%dma_wait3A_124, %dma_wait3A_125] : memref<2x125xi32, #tpu.memory_space<vmem>> -> memref<1x125xi32, #tpu.memory_space<vmem>>
      %dma_wait3A_127 = tpu.memref_squeeze %dma_wait3A_126 : memref<1x125xi32, #tpu.memory_space<vmem>> -> memref<125xi32, #tpu.memory_space<vmem>>
      %dma_wait3A_128 = arith.constant 0 : i32
      %dma_wait3A_129 = arith.constant 0 : i32
      %dma_wait3A_130 = tpu.memref_slice %arg2[%dma_wait3A_128, %dma_wait3A_129] : memref<10000x128xf32, #tpu.memory_space<hbm>> -> memref<10000x128xf32, #tpu.memory_space<hbm>>
      tpu.wait_indirect_dma semaphore(%arg17 : memref<!tpu.dma_semaphore, #tpu.memory_space<semaphore_mem>>) src(%dma_wait3A_130 : memref<10000x128xf32, #tpu.memory_space<hbm>>) dst(%arg10 : memref<125x128xf32, #tpu.memory_space<vmem>>)
      %run_scoped3A_131 = arith.constant 1 : i32
      "tpu.region"() ({
        %run_scoped3A_170 = tpu.sem_alloc : memref<!tpu.dma_semaphore, #tpu.memory_space<semaphore_mem>>
        %dma_start3A_171 = arith.constant 0 : i32
        %dma_start3A_172 = tpu.memref_slice %arg8[%run_scoped3A_131, %dma_start3A_171] : memref<2x125xi32, #tpu.memory_space<vmem>> -> memref<1x125xi32, #tpu.memory_space<vmem>>
        %dma_start3A_173 = tpu.memref_squeeze %dma_start3A_172 : memref<1x125xi32, #tpu.memory_space<vmem>> -> memref<125xi32, #tpu.memory_space<vmem>>
        %dma_start3A_174 = arith.constant 0 : i32
        %dma_start3A_175 = arith.constant 0 : i32
        %dma_start3A_176 = tpu.memref_slice %arg12[%dma_start3A_174, %dma_start3A_175] : memref<10240x128xf32, #tpu.memory_space<vmem_shared>> -> memref<10240x128xf32, #tpu.memory_space<vmem_shared>>
        tpu.enqueue_indirect_dma source(%arg10 : memref<125x128xf32, #tpu.memory_space<vmem>>) target(%dma_start3A_176 : memref<10240x128xf32, #tpu.memory_space<vmem_shared>>) offsets(%dma_start3A_173 : memref<125xi32, #tpu.memory_space<vmem>>) semaphore(%run_scoped3A_170 : memref<!tpu.dma_semaphore, #tpu.memory_space<semaphore_mem>>) {add = true}
        %dma_wait3A_177 = arith.constant 0 : i32
        %dma_wait3A_178 = tpu.memref_slice %arg8[%run_scoped3A_131, %dma_wait3A_177] : memref<2x125xi32, #tpu.memory_space<vmem>> -> memref<1x125xi32, #tpu.memory_space<vmem>>
        %dma_wait3A_179 = tpu.memref_squeeze %dma_wait3A_178 : memref<1x125xi32, #tpu.memory_space<vmem>> -> memref<125xi32, #tpu.memory_space<vmem>>
        %dma_wait3A_180 = arith.constant 0 : i32
        %dma_wait3A_181 = arith.constant 0 : i32
        %dma_wait3A_182 = tpu.memref_slice %arg12[%dma_wait3A_180, %dma_wait3A_181] : memref<10240x128xf32, #tpu.memory_space<vmem_shared>> -> memref<10240x128xf32, #tpu.memory_space<vmem_shared>>
        tpu.wait_indirect_dma semaphore(%run_scoped3A_170 : memref<!tpu.dma_semaphore, #tpu.memory_space<semaphore_mem>>) src(%arg10 : memref<125x128xf32, #tpu.memory_space<vmem>>) dst(%dma_wait3A_182 : memref<10240x128xf32, #tpu.memory_space<vmem_shared>>)
        tpu.yield
      }) : () -> ()
      %add3A_132 = arith.constant 4 : i32
      %add3A_133 = arith.addi %add3A_123, %add3A_132 : i32
      %lt3A_134 = arith.constant 80 : i32
      %lt3A_135 = arith.cmpi slt, %add3A_133, %lt3A_134 : i32
      %convert_element_type3A_136 = arith.extui %lt3A_135 : i1 to i32
      %cond3A_137 = arith.constant 0 : i32
      %cond3A_138 = arith.cmpi ne, %convert_element_type3A_136, %cond3A_137 : i32
      scf.if %cond3A_138 {
        %dma_start3A_170 = arith.constant 0 : i32
        %dma_start3A_171 = arith.constant 0 : i32
        %dma_start3A_172 = tpu.memref_slice %arg3[%add3A, %add3A_133, %dma_start3A_170, %dma_start3A_171] : memref<32x80x2x125xi32, #tpu.memory_space<hbm>> -> memref<1x1x2x125xi32, #tpu.memory_space<hbm>>
        %dma_start3A_173 = tpu.memref_squeeze %dma_start3A_172 : memref<1x1x2x125xi32, #tpu.memory_space<hbm>> -> memref<2x125xi32, #tpu.memory_space<hbm>>
        %dma_start3A_174 = arith.constant 0 : i32
        %dma_start3A_175 = arith.constant 0 : i32
        %dma_start3A_176 = tpu.memref_slice %arg3[%add3A, %add3A_133, %dma_start3A_174, %dma_start3A_175] : memref<32x80x2x125xi32, #tpu.memory_space<hbm>> -> memref<1x1x2x125xi32, #tpu.memory_space<hbm>>
        %dma_start3A_177 = tpu.memref_squeeze %dma_start3A_176 : memref<1x1x2x125xi32, #tpu.memory_space<hbm>> -> memref<2x125xi32, #tpu.memory_space<hbm>>
        tpu.enqueue_dma source(%dma_start3A_177 : memref<2x125xi32, #tpu.memory_space<hbm>>) target(%arg8 : memref<2x125xi32, #tpu.memory_space<vmem>>) target_semaphore(%arg15 : memref<!tpu.dma_semaphore, #tpu.memory_space<semaphore_mem>>)
      } else {
      }
      %add3A_139 = arith.constant 2 : i32
      %add3A_140 = arith.addi %add3A_123, %add3A_139 : i32
      %lt3A_141 = arith.constant 80 : i32
      %lt3A_142 = arith.cmpi slt, %add3A_140, %lt3A_141 : i32
      %convert_element_type3A_143 = arith.extui %lt3A_142 : i1 to i32
      %cond3A_144 = arith.constant 0 : i32
      %cond3A_145 = arith.cmpi ne, %convert_element_type3A_143, %cond3A_144 : i32
      scf.if %cond3A_145 {
        %dma_wait3A_170 = arith.constant 0 : i32
        %dma_wait3A_171 = arith.constant 0 : i32
        %dma_wait3A_172 = tpu.memref_slice %arg3[%add3A, %add3A_140, %dma_wait3A_170, %dma_wait3A_171] : memref<32x80x2x125xi32, #tpu.memory_space<hbm>> -> memref<1x1x2x125xi32, #tpu.memory_space<hbm>>
        %dma_wait3A_173 = tpu.memref_squeeze %dma_wait3A_172 : memref<1x1x2x125xi32, #tpu.memory_space<hbm>> -> memref<2x125xi32, #tpu.memory_space<hbm>>
        %dma_wait3A_174 = arith.constant 0 : i32
        %dma_wait3A_175 = arith.constant 0 : i32
        %dma_wait3A_176 = tpu.memref_slice %arg3[%add3A, %add3A_140, %dma_wait3A_174, %dma_wait3A_175] : memref<32x80x2x125xi32, #tpu.memory_space<hbm>> -> memref<1x1x2x125xi32, #tpu.memory_space<hbm>>
        %dma_wait3A_177 = tpu.memref_squeeze %dma_wait3A_176 : memref<1x1x2x125xi32, #tpu.memory_space<hbm>> -> memref<2x125xi32, #tpu.memory_space<hbm>>
        tpu.wait_dma2 semaphore(%arg13 : memref<!tpu.dma_semaphore, #tpu.memory_space<semaphore_mem>>) src(%dma_wait3A_177 : memref<2x125xi32, #tpu.memory_space<hbm>>) dst(%arg6 : memref<2x125xi32, #tpu.memory_space<vmem>>)
        %dma_start3A_178 = arith.constant 0 : i32
        %dma_start3A_179 = arith.constant 0 : i32
        %dma_start3A_180 = tpu.memref_slice %arg6[%dma_start3A_178, %dma_start3A_179] : memref<2x125xi32, #tpu.memory_space<vmem>> -> memref<1x125xi32, #tpu.memory_space<vmem>>
        %dma_start3A_181 = tpu.memref_squeeze %dma_start3A_180 : memref<1x125xi32, #tpu.memory_space<vmem>> -> memref<125xi32, #tpu.memory_space<vmem>>
        %dma_start3A_182 = arith.constant 0 : i32
        %dma_start3A_183 = arith.constant 0 : i32
        %dma_start3A_184 = tpu.memref_slice %arg2[%dma_start3A_182, %dma_start3A_183] : memref<10000x128xf32, #tpu.memory_space<hbm>> -> memref<10000x128xf32, #tpu.memory_space<hbm>>
        tpu.enqueue_indirect_dma source(%dma_start3A_184 : memref<10000x128xf32, #tpu.memory_space<hbm>>) target(%arg10 : memref<125x128xf32, #tpu.memory_space<vmem>>) offsets(%dma_start3A_181 : memref<125xi32, #tpu.memory_space<vmem>>) semaphore(%arg17 : memref<!tpu.dma_semaphore, #tpu.memory_space<semaphore_mem>>)
      } else {
      }
      %add3A_146 = arith.constant 3 : i32
      %add3A_147 = arith.addi %mul3A_77, %add3A_146 : i32
      %dma_wait3A_148 = arith.constant 0 : i32
      %dma_wait3A_149 = arith.constant 0 : i32
      %dma_wait3A_150 = tpu.memref_slice %arg9[%dma_wait3A_148, %dma_wait3A_149] : memref<2x125xi32, #tpu.memory_space<vmem>> -> memref<1x125xi32, #tpu.memory_space<vmem>>
      %dma_wait3A_151 = tpu.memref_squeeze %dma_wait3A_150 : memref<1x125xi32, #tpu.memory_space<vmem>> -> memref<125xi32, #tpu.memory_space<vmem>>
      %dma_wait3A_152 = arith.constant 0 : i32
      %dma_wait3A_153 = arith.constant 0 : i32
      %dma_wait3A_154 = tpu.memref_slice %arg2[%dma_wait3A_152, %dma_wait3A_153] : memref<10000x128xf32, #tpu.memory_space<hbm>> -> memref<10000x128xf32, #tpu.memory_space<hbm>>
      tpu.wait_indirect_dma semaphore(%arg18 : memref<!tpu.dma_semaphore, #tpu.memory_space<semaphore_mem>>) src(%dma_wait3A_154 : memref<10000x128xf32, #tpu.memory_space<hbm>>) dst(%arg11 : memref<125x128xf32, #tpu.memory_space<vmem>>)
      %run_scoped3A_155 = arith.constant 1 : i32
      "tpu.region"() ({
        %run_scoped3A_170 = tpu.sem_alloc : memref<!tpu.dma_semaphore, #tpu.memory_space<semaphore_mem>>
        %dma_start3A_171 = arith.constant 0 : i32
        %dma_start3A_172 = tpu.memref_slice %arg9[%run_scoped3A_155, %dma_start3A_171] : memref<2x125xi32, #tpu.memory_space<vmem>> -> memref<1x125xi32, #tpu.memory_space<vmem>>
        %dma_start3A_173 = tpu.memref_squeeze %dma_start3A_172 : memref<1x125xi32, #tpu.memory_space<vmem>> -> memref<125xi32, #tpu.memory_space<vmem>>
        %dma_start3A_174 = arith.constant 0 : i32
        %dma_start3A_175 = arith.constant 0 : i32
        %dma_start3A_176 = tpu.memref_slice %arg12[%dma_start3A_174, %dma_start3A_175] : memref<10240x128xf32, #tpu.memory_space<vmem_shared>> -> memref<10240x128xf32, #tpu.memory_space<vmem_shared>>
        tpu.enqueue_indirect_dma source(%arg11 : memref<125x128xf32, #tpu.memory_space<vmem>>) target(%dma_start3A_176 : memref<10240x128xf32, #tpu.memory_space<vmem_shared>>) offsets(%dma_start3A_173 : memref<125xi32, #tpu.memory_space<vmem>>) semaphore(%run_scoped3A_170 : memref<!tpu.dma_semaphore, #tpu.memory_space<semaphore_mem>>) {add = true}
        %dma_wait3A_177 = arith.constant 0 : i32
        %dma_wait3A_178 = tpu.memref_slice %arg9[%run_scoped3A_155, %dma_wait3A_177] : memref<2x125xi32, #tpu.memory_space<vmem>> -> memref<1x125xi32, #tpu.memory_space<vmem>>
        %dma_wait3A_179 = tpu.memref_squeeze %dma_wait3A_178 : memref<1x125xi32, #tpu.memory_space<vmem>> -> memref<125xi32, #tpu.memory_space<vmem>>
        %dma_wait3A_180 = arith.constant 0 : i32
        %dma_wait3A_181 = arith.constant 0 : i32
        %dma_wait3A_182 = tpu.memref_slice %arg12[%dma_wait3A_180, %dma_wait3A_181] : memref<10240x128xf32, #tpu.memory_space<vmem_shared>> -> memref<10240x128xf32, #tpu.memory_space<vmem_shared>>
        tpu.wait_indirect_dma semaphore(%run_scoped3A_170 : memref<!tpu.dma_semaphore, #tpu.memory_space<semaphore_mem>>) src(%arg11 : memref<125x128xf32, #tpu.memory_space<vmem>>) dst(%dma_wait3A_182 : memref<10240x128xf32, #tpu.memory_space<vmem_shared>>)
        tpu.yield
      }) : () -> ()
      %add3A_156 = arith.constant 4 : i32
      %add3A_157 = arith.addi %add3A_147, %add3A_156 : i32
      %lt3A_158 = arith.constant 80 : i32
      %lt3A_159 = arith.cmpi slt, %add3A_157, %lt3A_158 : i32
      %convert_element_type3A_160 = arith.extui %lt3A_159 : i1 to i32
      %cond3A_161 = arith.constant 0 : i32
      %cond3A_162 = arith.cmpi ne, %convert_element_type3A_160, %cond3A_161 : i32
      scf.if %cond3A_162 {
        %dma_start3A_170 = arith.constant 0 : i32
        %dma_start3A_171 = arith.constant 0 : i32
        %dma_start3A_172 = tpu.memref_slice %arg3[%add3A, %add3A_157, %dma_start3A_170, %dma_start3A_171] : memref<32x80x2x125xi32, #tpu.memory_space<hbm>> -> memref<1x1x2x125xi32, #tpu.memory_space<hbm>>
        %dma_start3A_173 = tpu.memref_squeeze %dma_start3A_172 : memref<1x1x2x125xi32, #tpu.memory_space<hbm>> -> memref<2x125xi32, #tpu.memory_space<hbm>>
        %dma_start3A_174 = arith.constant 0 : i32
        %dma_start3A_175 = arith.constant 0 : i32
        %dma_start3A_176 = tpu.memref_slice %arg3[%add3A, %add3A_157, %dma_start3A_174, %dma_start3A_175] : memref<32x80x2x125xi32, #tpu.memory_space<hbm>> -> memref<1x1x2x125xi32, #tpu.memory_space<hbm>>
        %dma_start3A_177 = tpu.memref_squeeze %dma_start3A_176 : memref<1x1x2x125xi32, #tpu.memory_space<hbm>> -> memref<2x125xi32, #tpu.memory_space<hbm>>
        tpu.enqueue_dma source(%dma_start3A_177 : memref<2x125xi32, #tpu.memory_space<hbm>>) target(%arg9 : memref<2x125xi32, #tpu.memory_space<vmem>>) target_semaphore(%arg16 : memref<!tpu.dma_semaphore, #tpu.memory_space<semaphore_mem>>)
      } else {
      }
      %add3A_163 = arith.constant 2 : i32
      %add3A_164 = arith.addi %add3A_147, %add3A_163 : i32
      %lt3A_165 = arith.constant 80 : i32
      %lt3A_166 = arith.cmpi slt, %add3A_164, %lt3A_165 : i32
      %convert_element_type3A_167 = arith.extui %lt3A_166 : i1 to i32
      %cond3A_168 = arith.constant 0 : i32
      %cond3A_169 = arith.cmpi ne, %convert_element_type3A_167, %cond3A_168 : i32
      scf.if %cond3A_169 {
        %dma_wait3A_170 = arith.constant 0 : i32
        %dma_wait3A_171 = arith.constant 0 : i32
        %dma_wait3A_172 = tpu.memref_slice %arg3[%add3A, %add3A_164, %dma_wait3A_170, %dma_wait3A_171] : memref<32x80x2x125xi32, #tpu.memory_space<hbm>> -> memref<1x1x2x125xi32, #tpu.memory_space<hbm>>
        %dma_wait3A_173 = tpu.memref_squeeze %dma_wait3A_172 : memref<1x1x2x125xi32, #tpu.memory_space<hbm>> -> memref<2x125xi32, #tpu.memory_space<hbm>>
        %dma_wait3A_174 = arith.constant 0 : i32
        %dma_wait3A_175 = arith.constant 0 : i32
        %dma_wait3A_176 = tpu.memref_slice %arg3[%add3A, %add3A_164, %dma_wait3A_174, %dma_wait3A_175] : memref<32x80x2x125xi32, #tpu.memory_space<hbm>> -> memref<1x1x2x125xi32, #tpu.memory_space<hbm>>
        %dma_wait3A_177 = tpu.memref_squeeze %dma_wait3A_176 : memref<1x1x2x125xi32, #tpu.memory_space<hbm>> -> memref<2x125xi32, #tpu.memory_space<hbm>>
        tpu.wait_dma2 semaphore(%arg14 : memref<!tpu.dma_semaphore, #tpu.memory_space<semaphore_mem>>) src(%dma_wait3A_177 : memref<2x125xi32, #tpu.memory_space<hbm>>) dst(%arg7 : memref<2x125xi32, #tpu.memory_space<vmem>>)
        %dma_start3A_178 = arith.constant 0 : i32
        %dma_start3A_179 = arith.constant 0 : i32
        %dma_start3A_180 = tpu.memref_slice %arg7[%dma_start3A_178, %dma_start3A_179] : memref<2x125xi32, #tpu.memory_space<vmem>> -> memref<1x125xi32, #tpu.memory_space<vmem>>
        %dma_start3A_181 = tpu.memref_squeeze %dma_start3A_180 : memref<1x125xi32, #tpu.memory_space<vmem>> -> memref<125xi32, #tpu.memory_space<vmem>>
        %dma_start3A_182 = arith.constant 0 : i32
        %dma_start3A_183 = arith.constant 0 : i32
        %dma_start3A_184 = tpu.memref_slice %arg2[%dma_start3A_182, %dma_start3A_183] : memref<10000x128xf32, #tpu.memory_space<hbm>> -> memref<10000x128xf32, #tpu.memory_space<hbm>>
        tpu.enqueue_indirect_dma source(%dma_start3A_184 : memref<10000x128xf32, #tpu.memory_space<hbm>>) target(%arg11 : memref<125x128xf32, #tpu.memory_space<vmem>>) offsets(%dma_start3A_181 : memref<125xi32, #tpu.memory_space<vmem>>) semaphore(%arg18 : memref<!tpu.dma_semaphore, #tpu.memory_space<semaphore_mem>>)
      } else {
      }
    }
    %scan3A_73 = arith.constant 20 : i32
    %barrier3A_74 = arith.constant 0 : index
    tpu.barrier barrier_id(%barrier3A_74)
    "tpu.region"() ({
      %run_scoped3A = tpu.sem_alloc : memref<!tpu.dma_semaphore, #tpu.memory_space<semaphore_mem>>
      %dma_start3A_75 = arith.constant 0 : i32
      %dma_start3A_76 = tpu.memref_slice %arg5[%arg0, %mul3A_2, %dma_start3A_75] : memref<2x10240x128xf32, #tpu.memory_space<hbm>> -> memref<1x640x128xf32, #tpu.memory_space<hbm>>
      %dma_start3A_77 = tpu.memref_squeeze %dma_start3A_76 : memref<1x640x128xf32, #tpu.memory_space<hbm>> -> memref<640x128xf32, #tpu.memory_space<hbm>>
      %dma_start3A_78 = arith.constant 0 : i32
      %dma_start3A_79 = tpu.memref_slice %arg12[%mul3A_2, %dma_start3A_78] : memref<10240x128xf32, #tpu.memory_space<vmem_shared>> -> memref<640x128xf32, #tpu.memory_space<vmem_shared>>
      tpu.enqueue_dma source(%dma_start3A_79 : memref<640x128xf32, #tpu.memory_space<vmem_shared>>) target(%dma_start3A_77 : memref<640x128xf32, #tpu.memory_space<hbm>>) target_semaphore(%run_scoped3A : memref<!tpu.dma_semaphore, #tpu.memory_space<semaphore_mem>>)
      %dma_wait3A_80 = arith.constant 0 : i32
      %dma_wait3A_81 = tpu.memref_slice %arg5[%arg0, %mul3A_2, %dma_wait3A_80] : memref<2x10240x128xf32, #tpu.memory_space<hbm>> -> memref<1x640x128xf32, #tpu.memory_space<hbm>>
      %dma_wait3A_82 = tpu.memref_squeeze %dma_wait3A_81 : memref<1x640x128xf32, #tpu.memory_space<hbm>> -> memref<640x128xf32, #tpu.memory_space<hbm>>
      %dma_wait3A_83 = arith.constant 0 : i32
      %dma_wait3A_84 = tpu.memref_slice %arg12[%mul3A_2, %dma_wait3A_83] : memref<10240x128xf32, #tpu.memory_space<vmem_shared>> -> memref<640x128xf32, #tpu.memory_space<vmem_shared>>
      tpu.wait_dma2 semaphore(%run_scoped3A : memref<!tpu.dma_semaphore, #tpu.memory_space<semaphore_mem>>) src(%dma_wait3A_84 : memref<640x128xf32, #tpu.memory_space<vmem_shared>>) dst(%dma_wait3A_82 : memref<640x128xf32, #tpu.memory_space<hbm>>)
      tpu.yield
    }) : () -> ()
    return
  }
}

#map = affine_map<(d0, d1) -> (0, 0)>
#map1 = affine_map<(d0, d1) -> (0, 0, 0, 0)>
#map2 = affine_map<(d0, d1) -> (0, 0, 0)>
module attributes {stable_mosaic.version = 14 : i64} {
  func.func @_edge_scatter(%arg0: i32, %arg1: i32, %arg2: memref<10000x128xf32, #tpu.memory_space<hbm>>, %arg3: memref<32x80x2x125xi32, #tpu.memory_space<hbm>>, %arg4: memref<10240x128xf32, #tpu.memory_space<hbm>>, %arg5: memref<2x10240x128xf32, #tpu.memory_space<hbm>>, %arg6: memref<2x125xi32, #tpu.memory_space<vmem>>, %arg7: memref<2x125xi32, #tpu.memory_space<vmem>>, %arg8: memref<2x125xi32, #tpu.memory_space<vmem>>, %arg9: memref<2x125xi32, #tpu.memory_space<vmem>>, %arg10: memref<125x128xf32, #tpu.memory_space<vmem>>, %arg11: memref<125x128xf32, #tpu.memory_space<vmem>>, %arg12: memref<10240x128xf32, #tpu.memory_space<vmem_shared>>, %arg13: memref<!tpu.dma_semaphore, #tpu.memory_space<semaphore_mem>>, %arg14: memref<!tpu.dma_semaphore, #tpu.memory_space<semaphore_mem>>, %arg15: memref<!tpu.dma_semaphore, #tpu.memory_space<semaphore_mem>>, %arg16: memref<!tpu.dma_semaphore, #tpu.memory_space<semaphore_mem>>, %arg17: memref<!tpu.dma_semaphore, #tpu.memory_space<semaphore_mem>>, %arg18: memref<!tpu.dma_semaphore, #tpu.memory_space<semaphore_mem>>) attributes {dimension_semantics = [#tpu.dimension_semantics<core_parallel>, #tpu.dimension_semantics<subcore_parallel>], iteration_bounds = array<i64: 2, 16>, scalar_prefetch = 0 : i64, scratch_operands = 13 : i64, tpu.core_type = #tpu.core_type<sc_vector_subcore>, window_params = [{transform_indices = #map}, {transform_indices = #map1}, {transform_indices = #map}, {transform_indices = #map2}]} {
    %mul3A = arith.constant 2 : i32
    %mul3A_0 = arith.muli %arg1, %mul3A : i32
    %add3A = arith.addi %mul3A_0, %arg0 : i32
    %mul3A_1 = arith.constant 640 : i32
    %mul3A_2 = arith.muli %arg1, %mul3A_1 : i32
    "tpu.region"() ({
      %run_scoped3A = tpu.sem_alloc : memref<!tpu.dma_semaphore, #tpu.memory_space<semaphore_mem>>
      %dma_start3A_75 = arith.constant 0 : i32
      %dma_start3A_76 = tpu.memref_slice %arg12[%mul3A_2, %dma_start3A_75] : memref<10240x128xf32, #tpu.memory_space<vmem_shared>> -> memref<640x128xf32, #tpu.memory_space<vmem_shared>>
      %dma_start3A_77 = arith.constant 0 : i32
      %dma_start3A_78 = tpu.memref_slice %arg4[%mul3A_2, %dma_start3A_77] : memref<10240x128xf32, #tpu.memory_space<hbm>> -> memref<640x128xf32, #tpu.memory_space<hbm>>
      tpu.enqueue_dma source(%dma_start3A_78 : memref<640x128xf32, #tpu.memory_space<hbm>>) target(%dma_start3A_76 : memref<640x128xf32, #tpu.memory_space<vmem_shared>>) target_semaphore(%run_scoped3A : memref<!tpu.dma_semaphore, #tpu.memory_space<semaphore_mem>>)
      %dma_wait3A_79 = arith.constant 0 : i32
      %dma_wait3A_80 = tpu.memref_slice %arg12[%mul3A_2, %dma_wait3A_79] : memref<10240x128xf32, #tpu.memory_space<vmem_shared>> -> memref<640x128xf32, #tpu.memory_space<vmem_shared>>
      %dma_wait3A_81 = arith.constant 0 : i32
      %dma_wait3A_82 = tpu.memref_slice %arg4[%mul3A_2, %dma_wait3A_81] : memref<10240x128xf32, #tpu.memory_space<hbm>> -> memref<640x128xf32, #tpu.memory_space<hbm>>
      tpu.wait_dma2 semaphore(%run_scoped3A : memref<!tpu.dma_semaphore, #tpu.memory_space<semaphore_mem>>) src(%dma_wait3A_82 : memref<640x128xf32, #tpu.memory_space<hbm>>) dst(%dma_wait3A_80 : memref<640x128xf32, #tpu.memory_space<vmem_shared>>)
      tpu.yield
    }) : () -> ()
    %dma_start3A = arith.constant 0 : i32
    %dma_start3A_3 = arith.constant 0 : i32
    %dma_start3A_4 = arith.constant 0 : i32
    %dma_start3A_5 = tpu.memref_slice %arg3[%add3A, %dma_start3A, %dma_start3A_3, %dma_start3A_4] : memref<32x80x2x125xi32, #tpu.memory_space<hbm>> -> memref<1x1x2x125xi32, #tpu.memory_space<hbm>>
    %dma_start3A_6 = tpu.memref_squeeze %dma_start3A_5 : memref<1x1x2x125xi32, #tpu.memory_space<hbm>> -> memref<2x125xi32, #tpu.memory_space<hbm>>
    %dma_start3A_7 = arith.constant 0 : i32
    %dma_start3A_8 = arith.constant 0 : i32
    %dma_start3A_9 = tpu.memref_slice %arg3[%add3A, %dma_start3A, %dma_start3A_7, %dma_start3A_8] : memref<32x80x2x125xi32, #tpu.memory_space<hbm>> -> memref<1x1x2x125xi32, #tpu.memory_space<hbm>>
    %dma_start3A_10 = tpu.memref_squeeze %dma_start3A_9 : memref<1x1x2x125xi32, #tpu.memory_space<hbm>> -> memref<2x125xi32, #tpu.memory_space<hbm>>
    tpu.enqueue_dma source(%dma_start3A_10 : memref<2x125xi32, #tpu.memory_space<hbm>>) target(%arg6 : memref<2x125xi32, #tpu.memory_space<vmem>>) target_semaphore(%arg13 : memref<!tpu.dma_semaphore, #tpu.memory_space<semaphore_mem>>)
    %dma_start3A_11 = arith.constant 1 : i32
    %dma_start3A_12 = arith.constant 0 : i32
    %dma_start3A_13 = arith.constant 0 : i32
    %dma_start3A_14 = tpu.memref_slice %arg3[%add3A, %dma_start3A_11, %dma_start3A_12, %dma_start3A_13] : memref<32x80x2x125xi32, #tpu.memory_space<hbm>> -> memref<1x1x2x125xi32, #tpu.memory_space<hbm>>
    %dma_start3A_15 = tpu.memref_squeeze %dma_start3A_14 : memref<1x1x2x125xi32, #tpu.memory_space<hbm>> -> memref<2x125xi32, #tpu.memory_space<hbm>>
    %dma_start3A_16 = arith.constant 0 : i32
    %dma_start3A_17 = arith.constant 0 : i32
    %dma_start3A_18 = tpu.memref_slice %arg3[%add3A, %dma_start3A_11, %dma_start3A_16, %dma_start3A_17] : memref<32x80x2x125xi32, #tpu.memory_space<hbm>> -> memref<1x1x2x125xi32, #tpu.memory_space<hbm>>
    %dma_start3A_19 = tpu.memref_squeeze %dma_start3A_18 : memref<1x1x2x125xi32, #tpu.memory_space<hbm>> -> memref<2x125xi32, #tpu.memory_space<hbm>>
    tpu.enqueue_dma source(%dma_start3A_19 : memref<2x125xi32, #tpu.memory_space<hbm>>) target(%arg7 : memref<2x125xi32, #tpu.memory_space<vmem>>) target_semaphore(%arg14 : memref<!tpu.dma_semaphore, #tpu.memory_space<semaphore_mem>>)
    %dma_start3A_20 = arith.constant 2 : i32
    %dma_start3A_21 = arith.constant 0 : i32
    %dma_start3A_22 = arith.constant 0 : i32
    %dma_start3A_23 = tpu.memref_slice %arg3[%add3A, %dma_start3A_20, %dma_start3A_21, %dma_start3A_22] : memref<32x80x2x125xi32, #tpu.memory_space<hbm>> -> memref<1x1x2x125xi32, #tpu.memory_space<hbm>>
    %dma_start3A_24 = tpu.memref_squeeze %dma_start3A_23 : memref<1x1x2x125xi32, #tpu.memory_space<hbm>> -> memref<2x125xi32, #tpu.memory_space<hbm>>
    %dma_start3A_25 = arith.constant 0 : i32
    %dma_start3A_26 = arith.constant 0 : i32
    %dma_start3A_27 = tpu.memref_slice %arg3[%add3A, %dma_start3A_20, %dma_start3A_25, %dma_start3A_26] : memref<32x80x2x125xi32, #tpu.memory_space<hbm>> -> memref<1x1x2x125xi32, #tpu.memory_space<hbm>>
    %dma_start3A_28 = tpu.memref_squeeze %dma_start3A_27 : memref<1x1x2x125xi32, #tpu.memory_space<hbm>> -> memref<2x125xi32, #tpu.memory_space<hbm>>
    tpu.enqueue_dma source(%dma_start3A_28 : memref<2x125xi32, #tpu.memory_space<hbm>>) target(%arg8 : memref<2x125xi32, #tpu.memory_space<vmem>>) target_semaphore(%arg15 : memref<!tpu.dma_semaphore, #tpu.memory_space<semaphore_mem>>)
    %dma_start3A_29 = arith.constant 3 : i32
    %dma_start3A_30 = arith.constant 0 : i32
    %dma_start3A_31 = arith.constant 0 : i32
    %dma_start3A_32 = tpu.memref_slice %arg3[%add3A, %dma_start3A_29, %dma_start3A_30, %dma_start3A_31] : memref<32x80x2x125xi32, #tpu.memory_space<hbm>> -> memref<1x1x2x125xi32, #tpu.memory_space<hbm>>
    %dma_start3A_33 = tpu.memref_squeeze %dma_start3A_32 : memref<1x1x2x125xi32, #tpu.memory_space<hbm>> -> memref<2x125xi32, #tpu.memory_space<hbm>>
    %dma_start3A_34 = arith.constant 0 : i32
    %dma_start3A_35 = arith.constant 0 : i32
    %dma_start3A_36 = tpu.memref_slice %arg3[%add3A, %dma_start3A_29, %dma_start3A_34, %dma_start3A_35] : memref<32x80x2x125xi32, #tpu.memory_space<hbm>> -> memref<1x1x2x125xi32, #tpu.memory_space<hbm>>
    %dma_start3A_37 = tpu.memref_squeeze %dma_start3A_36 : memref<1x1x2x125xi32, #tpu.memory_space<hbm>> -> memref<2x125xi32, #tpu.memory_space<hbm>>
    tpu.enqueue_dma source(%dma_start3A_37 : memref<2x125xi32, #tpu.memory_space<hbm>>) target(%arg9 : memref<2x125xi32, #tpu.memory_space<vmem>>) target_semaphore(%arg16 : memref<!tpu.dma_semaphore, #tpu.memory_space<semaphore_mem>>)
    %dma_wait3A = arith.constant 0 : i32
    %dma_wait3A_38 = arith.constant 0 : i32
    %dma_wait3A_39 = arith.constant 0 : i32
    %dma_wait3A_40 = tpu.memref_slice %arg3[%add3A, %dma_wait3A, %dma_wait3A_38, %dma_wait3A_39] : memref<32x80x2x125xi32, #tpu.memory_space<hbm>> -> memref<1x1x2x125xi32, #tpu.memory_space<hbm>>
    %dma_wait3A_41 = tpu.memref_squeeze %dma_wait3A_40 : memref<1x1x2x125xi32, #tpu.memory_space<hbm>> -> memref<2x125xi32, #tpu.memory_space<hbm>>
    %dma_wait3A_42 = arith.constant 0 : i32
    %dma_wait3A_43 = arith.constant 0 : i32
    %dma_wait3A_44 = tpu.memref_slice %arg3[%add3A, %dma_wait3A, %dma_wait3A_42, %dma_wait3A_43] : memref<32x80x2x125xi32, #tpu.memory_space<hbm>> -> memref<1x1x2x125xi32, #tpu.memory_space<hbm>>
    %dma_wait3A_45 = tpu.memref_squeeze %dma_wait3A_44 : memref<1x1x2x125xi32, #tpu.memory_space<hbm>> -> memref<2x125xi32, #tpu.memory_space<hbm>>
    tpu.wait_dma2 semaphore(%arg13 : memref<!tpu.dma_semaphore, #tpu.memory_space<semaphore_mem>>) src(%dma_wait3A_45 : memref<2x125xi32, #tpu.memory_space<hbm>>) dst(%arg6 : memref<2x125xi32, #tpu.memory_space<vmem>>)
    %dma_start3A_46 = arith.constant 0 : i32
    %dma_start3A_47 = arith.constant 0 : i32
    %dma_start3A_48 = tpu.memref_slice %arg6[%dma_start3A_46, %dma_start3A_47] : memref<2x125xi32, #tpu.memory_space<vmem>> -> memref<1x125xi32, #tpu.memory_space<vmem>>
    %dma_start3A_49 = tpu.memref_squeeze %dma_start3A_48 : memref<1x125xi32, #tpu.memory_space<vmem>> -> memref<125xi32, #tpu.memory_space<vmem>>
    %dma_start3A_50 = arith.constant 0 : i32
    %dma_start3A_51 = arith.constant 0 : i32
    %dma_start3A_52 = tpu.memref_slice %arg2[%dma_start3A_50, %dma_start3A_51] : memref<10000x128xf32, #tpu.memory_space<hbm>> -> memref<10000x128xf32, #tpu.memory_space<hbm>>
    tpu.enqueue_indirect_dma source(%dma_start3A_52 : memref<10000x128xf32, #tpu.memory_space<hbm>>) target(%arg10 : memref<125x128xf32, #tpu.memory_space<vmem>>) offsets(%dma_start3A_49 : memref<125xi32, #tpu.memory_space<vmem>>) semaphore(%arg17 : memref<!tpu.dma_semaphore, #tpu.memory_space<semaphore_mem>>)
    %dma_wait3A_53 = arith.constant 1 : i32
    %dma_wait3A_54 = arith.constant 0 : i32
    %dma_wait3A_55 = arith.constant 0 : i32
    %dma_wait3A_56 = tpu.memref_slice %arg3[%add3A, %dma_wait3A_53, %dma_wait3A_54, %dma_wait3A_55] : memref<32x80x2x125xi32, #tpu.memory_space<hbm>> -> memref<1x1x2x125xi32, #tpu.memory_space<hbm>>
    %dma_wait3A_57 = tpu.memref_squeeze %dma_wait3A_56 : memref<1x1x2x125xi32, #tpu.memory_space<hbm>> -> memref<2x125xi32, #tpu.memory_space<hbm>>
    %dma_wait3A_58 = arith.constant 0 : i32
    %dma_wait3A_59 = arith.constant 0 : i32
    %dma_wait3A_60 = tpu.memref_slice %arg3[%add3A, %dma_wait3A_53, %dma_wait3A_58, %dma_wait3A_59] : memref<32x80x2x125xi32, #tpu.memory_space<hbm>> -> memref<1x1x2x125xi32, #tpu.memory_space<hbm>>
    %dma_wait3A_61 = tpu.memref_squeeze %dma_wait3A_60 : memref<1x1x2x125xi32, #tpu.memory_space<hbm>> -> memref<2x125xi32, #tpu.memory_space<hbm>>
    tpu.wait_dma2 semaphore(%arg14 : memref<!tpu.dma_semaphore, #tpu.memory_space<semaphore_mem>>) src(%dma_wait3A_61 : memref<2x125xi32, #tpu.memory_space<hbm>>) dst(%arg7 : memref<2x125xi32, #tpu.memory_space<vmem>>)
    %dma_start3A_62 = arith.constant 0 : i32
    %dma_start3A_63 = arith.constant 0 : i32
    %dma_start3A_64 = tpu.memref_slice %arg7[%dma_start3A_62, %dma_start3A_63] : memref<2x125xi32, #tpu.memory_space<vmem>> -> memref<1x125xi32, #tpu.memory_space<vmem>>
    %dma_start3A_65 = tpu.memref_squeeze %dma_start3A_64 : memref<1x125xi32, #tpu.memory_space<vmem>> -> memref<125xi32, #tpu.memory_space<vmem>>
    %dma_start3A_66 = arith.constant 0 : i32
    %dma_start3A_67 = arith.constant 0 : i32
    %dma_start3A_68 = tpu.memref_slice %arg2[%dma_start3A_66, %dma_start3A_67] : memref<10000x128xf32, #tpu.memory_space<hbm>> -> memref<10000x128xf32, #tpu.memory_space<hbm>>
    tpu.enqueue_indirect_dma source(%dma_start3A_68 : memref<10000x128xf32, #tpu.memory_space<hbm>>) target(%arg11 : memref<125x128xf32, #tpu.memory_space<vmem>>) offsets(%dma_start3A_65 : memref<125xi32, #tpu.memory_space<vmem>>) semaphore(%arg18 : memref<!tpu.dma_semaphore, #tpu.memory_space<semaphore_mem>>)
    %barrier3A = arith.constant 0 : index
    tpu.barrier barrier_id(%barrier3A)
    %scan3A = arith.constant 0 : i32
    %scan3A_69 = arith.constant 0 : i32
    %scan3A_70 = arith.constant 20 : i32
    %scan3A_71 = arith.addi %scan3A_69, %scan3A_70 : i32
    %scan3A_72 = arith.constant 1 : i32
    scf.for %scan3A_75 = %scan3A_69 to %scan3A_71 step %scan3A_72  : i32 {
      %mul3A_76 = arith.constant 4 : i32
      %mul3A_77 = arith.muli %scan3A_75, %mul3A_76 : i32
      %add3A_78 = arith.constant 0 : i32
      %add3A_79 = arith.addi %mul3A_77, %add3A_78 : i32
      %dma_wait3A_80 = arith.constant 0 : i32
      %dma_wait3A_81 = arith.constant 0 : i32
      %dma_wait3A_82 = tpu.memref_slice %arg6[%dma_wait3A_80, %dma_wait3A_81] : memref<2x125xi32, #tpu.memory_space<vmem>> -> memref<1x125xi32, #tpu.memory_space<vmem>>
      %dma_wait3A_83 = tpu.memref_squeeze %dma_wait3A_82 : memref<1x125xi32, #tpu.memory_space<vmem>> -> memref<125xi32, #tpu.memory_space<vmem>>
      %dma_wait3A_84 = arith.constant 0 : i32
      %dma_wait3A_85 = arith.constant 0 : i32
      %dma_wait3A_86 = tpu.memref_slice %arg2[%dma_wait3A_84, %dma_wait3A_85] : memref<10000x128xf32, #tpu.memory_space<hbm>> -> memref<10000x128xf32, #tpu.memory_space<hbm>>
      tpu.wait_indirect_dma semaphore(%arg17 : memref<!tpu.dma_semaphore, #tpu.memory_space<semaphore_mem>>) src(%dma_wait3A_86 : memref<10000x128xf32, #tpu.memory_space<hbm>>) dst(%arg10 : memref<125x128xf32, #tpu.memory_space<vmem>>)
      %run_scoped3A = arith.constant 1 : i32
      "tpu.region"() ({
        %run_scoped3A_170 = tpu.sem_alloc : memref<!tpu.dma_semaphore, #tpu.memory_space<semaphore_mem>>
        %dma_start3A_171 = arith.constant 0 : i32
        %dma_start3A_172 = tpu.memref_slice %arg6[%run_scoped3A, %dma_start3A_171] : memref<2x125xi32, #tpu.memory_space<vmem>> -> memref<1x125xi32, #tpu.memory_space<vmem>>
        %dma_start3A_173 = tpu.memref_squeeze %dma_start3A_172 : memref<1x125xi32, #tpu.memory_space<vmem>> -> memref<125xi32, #tpu.memory_space<vmem>>
        %dma_start3A_174 = arith.constant 0 : i32
        %dma_start3A_175 = arith.constant 0 : i32
        %dma_start3A_176 = tpu.memref_slice %arg12[%dma_start3A_174, %dma_start3A_175] : memref<10240x128xf32, #tpu.memory_space<vmem_shared>> -> memref<10240x128xf32, #tpu.memory_space<vmem_shared>>
        tpu.enqueue_indirect_dma source(%arg10 : memref<125x128xf32, #tpu.memory_space<vmem>>) target(%dma_start3A_176 : memref<10240x128xf32, #tpu.memory_space<vmem_shared>>) offsets(%dma_start3A_173 : memref<125xi32, #tpu.memory_space<vmem>>) semaphore(%run_scoped3A_170 : memref<!tpu.dma_semaphore, #tpu.memory_space<semaphore_mem>>) {add = true}
        %dma_wait3A_177 = arith.constant 0 : i32
        %dma_wait3A_178 = tpu.memref_slice %arg6[%run_scoped3A, %dma_wait3A_177] : memref<2x125xi32, #tpu.memory_space<vmem>> -> memref<1x125xi32, #tpu.memory_space<vmem>>
        %dma_wait3A_179 = tpu.memref_squeeze %dma_wait3A_178 : memref<1x125xi32, #tpu.memory_space<vmem>> -> memref<125xi32, #tpu.memory_space<vmem>>
        %dma_wait3A_180 = arith.constant 0 : i32
        %dma_wait3A_181 = arith.constant 0 : i32
        %dma_wait3A_182 = tpu.memref_slice %arg12[%dma_wait3A_180, %dma_wait3A_181] : memref<10240x128xf32, #tpu.memory_space<vmem_shared>> -> memref<10240x128xf32, #tpu.memory_space<vmem_shared>>
        tpu.wait_indirect_dma semaphore(%run_scoped3A_170 : memref<!tpu.dma_semaphore, #tpu.memory_space<semaphore_mem>>) src(%arg10 : memref<125x128xf32, #tpu.memory_space<vmem>>) dst(%dma_wait3A_182 : memref<10240x128xf32, #tpu.memory_space<vmem_shared>>)
        tpu.yield
      }) : () -> ()
      %add3A_87 = arith.constant 4 : i32
      %add3A_88 = arith.addi %add3A_79, %add3A_87 : i32
      %lt3A = arith.constant 80 : i32
      %lt3A_89 = arith.cmpi slt, %add3A_88, %lt3A : i32
      %convert_element_type3A = arith.extui %lt3A_89 : i1 to i32
      %cond3A = arith.constant 0 : i32
      %cond3A_90 = arith.cmpi ne, %convert_element_type3A, %cond3A : i32
      scf.if %cond3A_90 {
        %dma_start3A_170 = arith.constant 0 : i32
        %dma_start3A_171 = arith.constant 0 : i32
        %dma_start3A_172 = tpu.memref_slice %arg3[%add3A, %add3A_88, %dma_start3A_170, %dma_start3A_171] : memref<32x80x2x125xi32, #tpu.memory_space<hbm>> -> memref<1x1x2x125xi32, #tpu.memory_space<hbm>>
        %dma_start3A_173 = tpu.memref_squeeze %dma_start3A_172 : memref<1x1x2x125xi32, #tpu.memory_space<hbm>> -> memref<2x125xi32, #tpu.memory_space<hbm>>
        %dma_start3A_174 = arith.constant 0 : i32
        %dma_start3A_175 = arith.constant 0 : i32
        %dma_start3A_176 = tpu.memref_slice %arg3[%add3A, %add3A_88, %dma_start3A_174, %dma_start3A_175] : memref<32x80x2x125xi32, #tpu.memory_space<hbm>> -> memref<1x1x2x125xi32, #tpu.memory_space<hbm>>
        %dma_start3A_177 = tpu.memref_squeeze %dma_start3A_176 : memref<1x1x2x125xi32, #tpu.memory_space<hbm>> -> memref<2x125xi32, #tpu.memory_space<hbm>>
        tpu.enqueue_dma source(%dma_start3A_177 : memref<2x125xi32, #tpu.memory_space<hbm>>) target(%arg6 : memref<2x125xi32, #tpu.memory_space<vmem>>) target_semaphore(%arg13 : memref<!tpu.dma_semaphore, #tpu.memory_space<semaphore_mem>>)
      } else {
      }
      %add3A_91 = arith.constant 2 : i32
      %add3A_92 = arith.addi %add3A_79, %add3A_91 : i32
      %lt3A_93 = arith.constant 80 : i32
      %lt3A_94 = arith.cmpi slt, %add3A_92, %lt3A_93 : i32
      %convert_element_type3A_95 = arith.extui %lt3A_94 : i1 to i32
      %cond3A_96 = arith.constant 0 : i32
      %cond3A_97 = arith.cmpi ne, %convert_element_type3A_95, %cond3A_96 : i32
      scf.if %cond3A_97 {
        %dma_wait3A_170 = arith.constant 0 : i32
        %dma_wait3A_171 = arith.constant 0 : i32
        %dma_wait3A_172 = tpu.memref_slice %arg3[%add3A, %add3A_92, %dma_wait3A_170, %dma_wait3A_171] : memref<32x80x2x125xi32, #tpu.memory_space<hbm>> -> memref<1x1x2x125xi32, #tpu.memory_space<hbm>>
        %dma_wait3A_173 = tpu.memref_squeeze %dma_wait3A_172 : memref<1x1x2x125xi32, #tpu.memory_space<hbm>> -> memref<2x125xi32, #tpu.memory_space<hbm>>
        %dma_wait3A_174 = arith.constant 0 : i32
        %dma_wait3A_175 = arith.constant 0 : i32
        %dma_wait3A_176 = tpu.memref_slice %arg3[%add3A, %add3A_92, %dma_wait3A_174, %dma_wait3A_175] : memref<32x80x2x125xi32, #tpu.memory_space<hbm>> -> memref<1x1x2x125xi32, #tpu.memory_space<hbm>>
        %dma_wait3A_177 = tpu.memref_squeeze %dma_wait3A_176 : memref<1x1x2x125xi32, #tpu.memory_space<hbm>> -> memref<2x125xi32, #tpu.memory_space<hbm>>
        tpu.wait_dma2 semaphore(%arg15 : memref<!tpu.dma_semaphore, #tpu.memory_space<semaphore_mem>>) src(%dma_wait3A_177 : memref<2x125xi32, #tpu.memory_space<hbm>>) dst(%arg8 : memref<2x125xi32, #tpu.memory_space<vmem>>)
        %dma_start3A_178 = arith.constant 0 : i32
        %dma_start3A_179 = arith.constant 0 : i32
        %dma_start3A_180 = tpu.memref_slice %arg8[%dma_start3A_178, %dma_start3A_179] : memref<2x125xi32, #tpu.memory_space<vmem>> -> memref<1x125xi32, #tpu.memory_space<vmem>>
        %dma_start3A_181 = tpu.memref_squeeze %dma_start3A_180 : memref<1x125xi32, #tpu.memory_space<vmem>> -> memref<125xi32, #tpu.memory_space<vmem>>
        %dma_start3A_182 = arith.constant 0 : i32
        %dma_start3A_183 = arith.constant 0 : i32
        %dma_start3A_184 = tpu.memref_slice %arg2[%dma_start3A_182, %dma_start3A_183] : memref<10000x128xf32, #tpu.memory_space<hbm>> -> memref<10000x128xf32, #tpu.memory_space<hbm>>
        tpu.enqueue_indirect_dma source(%dma_start3A_184 : memref<10000x128xf32, #tpu.memory_space<hbm>>) target(%arg10 : memref<125x128xf32, #tpu.memory_space<vmem>>) offsets(%dma_start3A_181 : memref<125xi32, #tpu.memory_space<vmem>>) semaphore(%arg17 : memref<!tpu.dma_semaphore, #tpu.memory_space<semaphore_mem>>)
      } else {
      }
      %add3A_98 = arith.constant 1 : i32
      %add3A_99 = arith.addi %mul3A_77, %add3A_98 : i32
      %dma_wait3A_100 = arith.constant 0 : i32
      %dma_wait3A_101 = arith.constant 0 : i32
      %dma_wait3A_102 = tpu.memref_slice %arg7[%dma_wait3A_100, %dma_wait3A_101] : memref<2x125xi32, #tpu.memory_space<vmem>> -> memref<1x125xi32, #tpu.memory_space<vmem>>
      %dma_wait3A_103 = tpu.memref_squeeze %dma_wait3A_102 : memref<1x125xi32, #tpu.memory_space<vmem>> -> memref<125xi32, #tpu.memory_space<vmem>>
      %dma_wait3A_104 = arith.constant 0 : i32
      %dma_wait3A_105 = arith.constant 0 : i32
      %dma_wait3A_106 = tpu.memref_slice %arg2[%dma_wait3A_104, %dma_wait3A_105] : memref<10000x128xf32, #tpu.memory_space<hbm>> -> memref<10000x128xf32, #tpu.memory_space<hbm>>
      tpu.wait_indirect_dma semaphore(%arg18 : memref<!tpu.dma_semaphore, #tpu.memory_space<semaphore_mem>>) src(%dma_wait3A_106 : memref<10000x128xf32, #tpu.memory_space<hbm>>) dst(%arg11 : memref<125x128xf32, #tpu.memory_space<vmem>>)
      %run_scoped3A_107 = arith.constant 1 : i32
      "tpu.region"() ({
        %run_scoped3A_170 = tpu.sem_alloc : memref<!tpu.dma_semaphore, #tpu.memory_space<semaphore_mem>>
        %dma_start3A_171 = arith.constant 0 : i32
        %dma_start3A_172 = tpu.memref_slice %arg7[%run_scoped3A_107, %dma_start3A_171] : memref<2x125xi32, #tpu.memory_space<vmem>> -> memref<1x125xi32, #tpu.memory_space<vmem>>
        %dma_start3A_173 = tpu.memref_squeeze %dma_start3A_172 : memref<1x125xi32, #tpu.memory_space<vmem>> -> memref<125xi32, #tpu.memory_space<vmem>>
        %dma_start3A_174 = arith.constant 0 : i32
        %dma_start3A_175 = arith.constant 0 : i32
        %dma_start3A_176 = tpu.memref_slice %arg12[%dma_start3A_174, %dma_start3A_175] : memref<10240x128xf32, #tpu.memory_space<vmem_shared>> -> memref<10240x128xf32, #tpu.memory_space<vmem_shared>>
        tpu.enqueue_indirect_dma source(%arg11 : memref<125x128xf32, #tpu.memory_space<vmem>>) target(%dma_start3A_176 : memref<10240x128xf32, #tpu.memory_space<vmem_shared>>) offsets(%dma_start3A_173 : memref<125xi32, #tpu.memory_space<vmem>>) semaphore(%run_scoped3A_170 : memref<!tpu.dma_semaphore, #tpu.memory_space<semaphore_mem>>) {add = true}
        %dma_wait3A_177 = arith.constant 0 : i32
        %dma_wait3A_178 = tpu.memref_slice %arg7[%run_scoped3A_107, %dma_wait3A_177] : memref<2x125xi32, #tpu.memory_space<vmem>> -> memref<1x125xi32, #tpu.memory_space<vmem>>
        %dma_wait3A_179 = tpu.memref_squeeze %dma_wait3A_178 : memref<1x125xi32, #tpu.memory_space<vmem>> -> memref<125xi32, #tpu.memory_space<vmem>>
        %dma_wait3A_180 = arith.constant 0 : i32
        %dma_wait3A_181 = arith.constant 0 : i32
        %dma_wait3A_182 = tpu.memref_slice %arg12[%dma_wait3A_180, %dma_wait3A_181] : memref<10240x128xf32, #tpu.memory_space<vmem_shared>> -> memref<10240x128xf32, #tpu.memory_space<vmem_shared>>
        tpu.wait_indirect_dma semaphore(%run_scoped3A_170 : memref<!tpu.dma_semaphore, #tpu.memory_space<semaphore_mem>>) src(%arg11 : memref<125x128xf32, #tpu.memory_space<vmem>>) dst(%dma_wait3A_182 : memref<10240x128xf32, #tpu.memory_space<vmem_shared>>)
        tpu.yield
      }) : () -> ()
      %add3A_108 = arith.constant 4 : i32
      %add3A_109 = arith.addi %add3A_99, %add3A_108 : i32
      %lt3A_110 = arith.constant 80 : i32
      %lt3A_111 = arith.cmpi slt, %add3A_109, %lt3A_110 : i32
      %convert_element_type3A_112 = arith.extui %lt3A_111 : i1 to i32
      %cond3A_113 = arith.constant 0 : i32
      %cond3A_114 = arith.cmpi ne, %convert_element_type3A_112, %cond3A_113 : i32
      scf.if %cond3A_114 {
        %dma_start3A_170 = arith.constant 0 : i32
        %dma_start3A_171 = arith.constant 0 : i32
        %dma_start3A_172 = tpu.memref_slice %arg3[%add3A, %add3A_109, %dma_start3A_170, %dma_start3A_171] : memref<32x80x2x125xi32, #tpu.memory_space<hbm>> -> memref<1x1x2x125xi32, #tpu.memory_space<hbm>>
        %dma_start3A_173 = tpu.memref_squeeze %dma_start3A_172 : memref<1x1x2x125xi32, #tpu.memory_space<hbm>> -> memref<2x125xi32, #tpu.memory_space<hbm>>
        %dma_start3A_174 = arith.constant 0 : i32
        %dma_start3A_175 = arith.constant 0 : i32
        %dma_start3A_176 = tpu.memref_slice %arg3[%add3A, %add3A_109, %dma_start3A_174, %dma_start3A_175] : memref<32x80x2x125xi32, #tpu.memory_space<hbm>> -> memref<1x1x2x125xi32, #tpu.memory_space<hbm>>
        %dma_start3A_177 = tpu.memref_squeeze %dma_start3A_176 : memref<1x1x2x125xi32, #tpu.memory_space<hbm>> -> memref<2x125xi32, #tpu.memory_space<hbm>>
        tpu.enqueue_dma source(%dma_start3A_177 : memref<2x125xi32, #tpu.memory_space<hbm>>) target(%arg7 : memref<2x125xi32, #tpu.memory_space<vmem>>) target_semaphore(%arg14 : memref<!tpu.dma_semaphore, #tpu.memory_space<semaphore_mem>>)
      } else {
      }
      %add3A_115 = arith.constant 2 : i32
      %add3A_116 = arith.addi %add3A_99, %add3A_115 : i32
      %lt3A_117 = arith.constant 80 : i32
      %lt3A_118 = arith.cmpi slt, %add3A_116, %lt3A_117 : i32
      %convert_element_type3A_119 = arith.extui %lt3A_118 : i1 to i32
      %cond3A_120 = arith.constant 0 : i32
      %cond3A_121 = arith.cmpi ne, %convert_element_type3A_119, %cond3A_120 : i32
      scf.if %cond3A_121 {
        %dma_wait3A_170 = arith.constant 0 : i32
        %dma_wait3A_171 = arith.constant 0 : i32
        %dma_wait3A_172 = tpu.memref_slice %arg3[%add3A, %add3A_116, %dma_wait3A_170, %dma_wait3A_171] : memref<32x80x2x125xi32, #tpu.memory_space<hbm>> -> memref<1x1x2x125xi32, #tpu.memory_space<hbm>>
        %dma_wait3A_173 = tpu.memref_squeeze %dma_wait3A_172 : memref<1x1x2x125xi32, #tpu.memory_space<hbm>> -> memref<2x125xi32, #tpu.memory_space<hbm>>
        %dma_wait3A_174 = arith.constant 0 : i32
        %dma_wait3A_175 = arith.constant 0 : i32
        %dma_wait3A_176 = tpu.memref_slice %arg3[%add3A, %add3A_116, %dma_wait3A_174, %dma_wait3A_175] : memref<32x80x2x125xi32, #tpu.memory_space<hbm>> -> memref<1x1x2x125xi32, #tpu.memory_space<hbm>>
        %dma_wait3A_177 = tpu.memref_squeeze %dma_wait3A_176 : memref<1x1x2x125xi32, #tpu.memory_space<hbm>> -> memref<2x125xi32, #tpu.memory_space<hbm>>
        tpu.wait_dma2 semaphore(%arg16 : memref<!tpu.dma_semaphore, #tpu.memory_space<semaphore_mem>>) src(%dma_wait3A_177 : memref<2x125xi32, #tpu.memory_space<hbm>>) dst(%arg9 : memref<2x125xi32, #tpu.memory_space<vmem>>)
        %dma_start3A_178 = arith.constant 0 : i32
        %dma_start3A_179 = arith.constant 0 : i32
        %dma_start3A_180 = tpu.memref_slice %arg9[%dma_start3A_178, %dma_start3A_179] : memref<2x125xi32, #tpu.memory_space<vmem>> -> memref<1x125xi32, #tpu.memory_space<vmem>>
        %dma_start3A_181 = tpu.memref_squeeze %dma_start3A_180 : memref<1x125xi32, #tpu.memory_space<vmem>> -> memref<125xi32, #tpu.memory_space<vmem>>
        %dma_start3A_182 = arith.constant 0 : i32
        %dma_start3A_183 = arith.constant 0 : i32
        %dma_start3A_184 = tpu.memref_slice %arg2[%dma_start3A_182, %dma_start3A_183] : memref<10000x128xf32, #tpu.memory_space<hbm>> -> memref<10000x128xf32, #tpu.memory_space<hbm>>
        tpu.enqueue_indirect_dma source(%dma_start3A_184 : memref<10000x128xf32, #tpu.memory_space<hbm>>) target(%arg11 : memref<125x128xf32, #tpu.memory_space<vmem>>) offsets(%dma_start3A_181 : memref<125xi32, #tpu.memory_space<vmem>>) semaphore(%arg18 : memref<!tpu.dma_semaphore, #tpu.memory_space<semaphore_mem>>)
      } else {
      }
      %add3A_122 = arith.constant 2 : i32
      %add3A_123 = arith.addi %mul3A_77, %add3A_122 : i32
      %dma_wait3A_124 = arith.constant 0 : i32
      %dma_wait3A_125 = arith.constant 0 : i32
      %dma_wait3A_126 = tpu.memref_slice %arg8[%dma_wait3A_124, %dma_wait3A_125] : memref<2x125xi32, #tpu.memory_space<vmem>> -> memref<1x125xi32, #tpu.memory_space<vmem>>
      %dma_wait3A_127 = tpu.memref_squeeze %dma_wait3A_126 : memref<1x125xi32, #tpu.memory_space<vmem>> -> memref<125xi32, #tpu.memory_space<vmem>>
      %dma_wait3A_128 = arith.constant 0 : i32
      %dma_wait3A_129 = arith.constant 0 : i32
      %dma_wait3A_130 = tpu.memref_slice %arg2[%dma_wait3A_128, %dma_wait3A_129] : memref<10000x128xf32, #tpu.memory_space<hbm>> -> memref<10000x128xf32, #tpu.memory_space<hbm>>
      tpu.wait_indirect_dma semaphore(%arg17 : memref<!tpu.dma_semaphore, #tpu.memory_space<semaphore_mem>>) src(%dma_wait3A_130 : memref<10000x128xf32, #tpu.memory_space<hbm>>) dst(%arg10 : memref<125x128xf32, #tpu.memory_space<vmem>>)
      %run_scoped3A_131 = arith.constant 1 : i32
      "tpu.region"() ({
        %run_scoped3A_170 = tpu.sem_alloc : memref<!tpu.dma_semaphore, #tpu.memory_space<semaphore_mem>>
        %dma_start3A_171 = arith.constant 0 : i32
        %dma_start3A_172 = tpu.memref_slice %arg8[%run_scoped3A_131, %dma_start3A_171] : memref<2x125xi32, #tpu.memory_space<vmem>> -> memref<1x125xi32, #tpu.memory_space<vmem>>
        %dma_start3A_173 = tpu.memref_squeeze %dma_start3A_172 : memref<1x125xi32, #tpu.memory_space<vmem>> -> memref<125xi32, #tpu.memory_space<vmem>>
        %dma_start3A_174 = arith.constant 0 : i32
        %dma_start3A_175 = arith.constant 0 : i32
        %dma_start3A_176 = tpu.memref_slice %arg12[%dma_start3A_174, %dma_start3A_175] : memref<10240x128xf32, #tpu.memory_space<vmem_shared>> -> memref<10240x128xf32, #tpu.memory_space<vmem_shared>>
        tpu.enqueue_indirect_dma source(%arg10 : memref<125x128xf32, #tpu.memory_space<vmem>>) target(%dma_start3A_176 : memref<10240x128xf32, #tpu.memory_space<vmem_shared>>) offsets(%dma_start3A_173 : memref<125xi32, #tpu.memory_space<vmem>>) semaphore(%run_scoped3A_170 : memref<!tpu.dma_semaphore, #tpu.memory_space<semaphore_mem>>) {add = true}
        %dma_wait3A_177 = arith.constant 0 : i32
        %dma_wait3A_178 = tpu.memref_slice %arg8[%run_scoped3A_131, %dma_wait3A_177] : memref<2x125xi32, #tpu.memory_space<vmem>> -> memref<1x125xi32, #tpu.memory_space<vmem>>
        %dma_wait3A_179 = tpu.memref_squeeze %dma_wait3A_178 : memref<1x125xi32, #tpu.memory_space<vmem>> -> memref<125xi32, #tpu.memory_space<vmem>>
        %dma_wait3A_180 = arith.constant 0 : i32
        %dma_wait3A_181 = arith.constant 0 : i32
        %dma_wait3A_182 = tpu.memref_slice %arg12[%dma_wait3A_180, %dma_wait3A_181] : memref<10240x128xf32, #tpu.memory_space<vmem_shared>> -> memref<10240x128xf32, #tpu.memory_space<vmem_shared>>
        tpu.wait_indirect_dma semaphore(%run_scoped3A_170 : memref<!tpu.dma_semaphore, #tpu.memory_space<semaphore_mem>>) src(%arg10 : memref<125x128xf32, #tpu.memory_space<vmem>>) dst(%dma_wait3A_182 : memref<10240x128xf32, #tpu.memory_space<vmem_shared>>)
        tpu.yield
      }) : () -> ()
      %add3A_132 = arith.constant 4 : i32
      %add3A_133 = arith.addi %add3A_123, %add3A_132 : i32
      %lt3A_134 = arith.constant 80 : i32
      %lt3A_135 = arith.cmpi slt, %add3A_133, %lt3A_134 : i32
      %convert_element_type3A_136 = arith.extui %lt3A_135 : i1 to i32
      %cond3A_137 = arith.constant 0 : i32
      %cond3A_138 = arith.cmpi ne, %convert_element_type3A_136, %cond3A_137 : i32
      scf.if %cond3A_138 {
        %dma_start3A_170 = arith.constant 0 : i32
        %dma_start3A_171 = arith.constant 0 : i32
        %dma_start3A_172 = tpu.memref_slice %arg3[%add3A, %add3A_133, %dma_start3A_170, %dma_start3A_171] : memref<32x80x2x125xi32, #tpu.memory_space<hbm>> -> memref<1x1x2x125xi32, #tpu.memory_space<hbm>>
        %dma_start3A_173 = tpu.memref_squeeze %dma_start3A_172 : memref<1x1x2x125xi32, #tpu.memory_space<hbm>> -> memref<2x125xi32, #tpu.memory_space<hbm>>
        %dma_start3A_174 = arith.constant 0 : i32
        %dma_start3A_175 = arith.constant 0 : i32
        %dma_start3A_176 = tpu.memref_slice %arg3[%add3A, %add3A_133, %dma_start3A_174, %dma_start3A_175] : memref<32x80x2x125xi32, #tpu.memory_space<hbm>> -> memref<1x1x2x125xi32, #tpu.memory_space<hbm>>
        %dma_start3A_177 = tpu.memref_squeeze %dma_start3A_176 : memref<1x1x2x125xi32, #tpu.memory_space<hbm>> -> memref<2x125xi32, #tpu.memory_space<hbm>>
        tpu.enqueue_dma source(%dma_start3A_177 : memref<2x125xi32, #tpu.memory_space<hbm>>) target(%arg8 : memref<2x125xi32, #tpu.memory_space<vmem>>) target_semaphore(%arg15 : memref<!tpu.dma_semaphore, #tpu.memory_space<semaphore_mem>>)
      } else {
      }
      %add3A_139 = arith.constant 2 : i32
      %add3A_140 = arith.addi %add3A_123, %add3A_139 : i32
      %lt3A_141 = arith.constant 80 : i32
      %lt3A_142 = arith.cmpi slt, %add3A_140, %lt3A_141 : i32
      %convert_element_type3A_143 = arith.extui %lt3A_142 : i1 to i32
      %cond3A_144 = arith.constant 0 : i32
      %cond3A_145 = arith.cmpi ne, %convert_element_type3A_143, %cond3A_144 : i32
      scf.if %cond3A_145 {
        %dma_wait3A_170 = arith.constant 0 : i32
        %dma_wait3A_171 = arith.constant 0 : i32
        %dma_wait3A_172 = tpu.memref_slice %arg3[%add3A, %add3A_140, %dma_wait3A_170, %dma_wait3A_171] : memref<32x80x2x125xi32, #tpu.memory_space<hbm>> -> memref<1x1x2x125xi32, #tpu.memory_space<hbm>>
        %dma_wait3A_173 = tpu.memref_squeeze %dma_wait3A_172 : memref<1x1x2x125xi32, #tpu.memory_space<hbm>> -> memref<2x125xi32, #tpu.memory_space<hbm>>
        %dma_wait3A_174 = arith.constant 0 : i32
        %dma_wait3A_175 = arith.constant 0 : i32
        %dma_wait3A_176 = tpu.memref_slice %arg3[%add3A, %add3A_140, %dma_wait3A_174, %dma_wait3A_175] : memref<32x80x2x125xi32, #tpu.memory_space<hbm>> -> memref<1x1x2x125xi32, #tpu.memory_space<hbm>>
        %dma_wait3A_177 = tpu.memref_squeeze %dma_wait3A_176 : memref<1x1x2x125xi32, #tpu.memory_space<hbm>> -> memref<2x125xi32, #tpu.memory_space<hbm>>
        tpu.wait_dma2 semaphore(%arg13 : memref<!tpu.dma_semaphore, #tpu.memory_space<semaphore_mem>>) src(%dma_wait3A_177 : memref<2x125xi32, #tpu.memory_space<hbm>>) dst(%arg6 : memref<2x125xi32, #tpu.memory_space<vmem>>)
        %dma_start3A_178 = arith.constant 0 : i32
        %dma_start3A_179 = arith.constant 0 : i32
        %dma_start3A_180 = tpu.memref_slice %arg6[%dma_start3A_178, %dma_start3A_179] : memref<2x125xi32, #tpu.memory_space<vmem>> -> memref<1x125xi32, #tpu.memory_space<vmem>>
        %dma_start3A_181 = tpu.memref_squeeze %dma_start3A_180 : memref<1x125xi32, #tpu.memory_space<vmem>> -> memref<125xi32, #tpu.memory_space<vmem>>
        %dma_start3A_182 = arith.constant 0 : i32
        %dma_start3A_183 = arith.constant 0 : i32
        %dma_start3A_184 = tpu.memref_slice %arg2[%dma_start3A_182, %dma_start3A_183] : memref<10000x128xf32, #tpu.memory_space<hbm>> -> memref<10000x128xf32, #tpu.memory_space<hbm>>
        tpu.enqueue_indirect_dma source(%dma_start3A_184 : memref<10000x128xf32, #tpu.memory_space<hbm>>) target(%arg10 : memref<125x128xf32, #tpu.memory_space<vmem>>) offsets(%dma_start3A_181 : memref<125xi32, #tpu.memory_space<vmem>>) semaphore(%arg17 : memref<!tpu.dma_semaphore, #tpu.memory_space<semaphore_mem>>)
      } else {
      }
      %add3A_146 = arith.constant 3 : i32
      %add3A_147 = arith.addi %mul3A_77, %add3A_146 : i32
      %dma_wait3A_148 = arith.constant 0 : i32
      %dma_wait3A_149 = arith.constant 0 : i32
      %dma_wait3A_150 = tpu.memref_slice %arg9[%dma_wait3A_148, %dma_wait3A_149] : memref<2x125xi32, #tpu.memory_space<vmem>> -> memref<1x125xi32, #tpu.memory_space<vmem>>
      %dma_wait3A_151 = tpu.memref_squeeze %dma_wait3A_150 : memref<1x125xi32, #tpu.memory_space<vmem>> -> memref<125xi32, #tpu.memory_space<vmem>>
      %dma_wait3A_152 = arith.constant 0 : i32
      %dma_wait3A_153 = arith.constant 0 : i32
      %dma_wait3A_154 = tpu.memref_slice %arg2[%dma_wait3A_152, %dma_wait3A_153] : memref<10000x128xf32, #tpu.memory_space<hbm>> -> memref<10000x128xf32, #tpu.memory_space<hbm>>
      tpu.wait_indirect_dma semaphore(%arg18 : memref<!tpu.dma_semaphore, #tpu.memory_space<semaphore_mem>>) src(%dma_wait3A_154 : memref<10000x128xf32, #tpu.memory_space<hbm>>) dst(%arg11 : memref<125x128xf32, #tpu.memory_space<vmem>>)
      %run_scoped3A_155 = arith.constant 1 : i32
      "tpu.region"() ({
        %run_scoped3A_170 = tpu.sem_alloc : memref<!tpu.dma_semaphore, #tpu.memory_space<semaphore_mem>>
        %dma_start3A_171 = arith.constant 0 : i32
        %dma_start3A_172 = tpu.memref_slice %arg9[%run_scoped3A_155, %dma_start3A_171] : memref<2x125xi32, #tpu.memory_space<vmem>> -> memref<1x125xi32, #tpu.memory_space<vmem>>
        %dma_start3A_173 = tpu.memref_squeeze %dma_start3A_172 : memref<1x125xi32, #tpu.memory_space<vmem>> -> memref<125xi32, #tpu.memory_space<vmem>>
        %dma_start3A_174 = arith.constant 0 : i32
        %dma_start3A_175 = arith.constant 0 : i32
        %dma_start3A_176 = tpu.memref_slice %arg12[%dma_start3A_174, %dma_start3A_175] : memref<10240x128xf32, #tpu.memory_space<vmem_shared>> -> memref<10240x128xf32, #tpu.memory_space<vmem_shared>>
        tpu.enqueue_indirect_dma source(%arg11 : memref<125x128xf32, #tpu.memory_space<vmem>>) target(%dma_start3A_176 : memref<10240x128xf32, #tpu.memory_space<vmem_shared>>) offsets(%dma_start3A_173 : memref<125xi32, #tpu.memory_space<vmem>>) semaphore(%run_scoped3A_170 : memref<!tpu.dma_semaphore, #tpu.memory_space<semaphore_mem>>) {add = true}
        %dma_wait3A_177 = arith.constant 0 : i32
        %dma_wait3A_178 = tpu.memref_slice %arg9[%run_scoped3A_155, %dma_wait3A_177] : memref<2x125xi32, #tpu.memory_space<vmem>> -> memref<1x125xi32, #tpu.memory_space<vmem>>
        %dma_wait3A_179 = tpu.memref_squeeze %dma_wait3A_178 : memref<1x125xi32, #tpu.memory_space<vmem>> -> memref<125xi32, #tpu.memory_space<vmem>>
        %dma_wait3A_180 = arith.constant 0 : i32
        %dma_wait3A_181 = arith.constant 0 : i32
        %dma_wait3A_182 = tpu.memref_slice %arg12[%dma_wait3A_180, %dma_wait3A_181] : memref<10240x128xf32, #tpu.memory_space<vmem_shared>> -> memref<10240x128xf32, #tpu.memory_space<vmem_shared>>
        tpu.wait_indirect_dma semaphore(%run_scoped3A_170 : memref<!tpu.dma_semaphore, #tpu.memory_space<semaphore_mem>>) src(%arg11 : memref<125x128xf32, #tpu.memory_space<vmem>>) dst(%dma_wait3A_182 : memref<10240x128xf32, #tpu.memory_space<vmem_shared>>)
        tpu.yield
      }) : () -> ()
      %add3A_156 = arith.constant 4 : i32
      %add3A_157 = arith.addi %add3A_147, %add3A_156 : i32
      %lt3A_158 = arith.constant 80 : i32
      %lt3A_159 = arith.cmpi slt, %add3A_157, %lt3A_158 : i32
      %convert_element_type3A_160 = arith.extui %lt3A_159 : i1 to i32
      %cond3A_161 = arith.constant 0 : i32
      %cond3A_162 = arith.cmpi ne, %convert_element_type3A_160, %cond3A_161 : i32
      scf.if %cond3A_162 {
        %dma_start3A_170 = arith.constant 0 : i32
        %dma_start3A_171 = arith.constant 0 : i32
        %dma_start3A_172 = tpu.memref_slice %arg3[%add3A, %add3A_157, %dma_start3A_170, %dma_start3A_171] : memref<32x80x2x125xi32, #tpu.memory_space<hbm>> -> memref<1x1x2x125xi32, #tpu.memory_space<hbm>>
        %dma_start3A_173 = tpu.memref_squeeze %dma_start3A_172 : memref<1x1x2x125xi32, #tpu.memory_space<hbm>> -> memref<2x125xi32, #tpu.memory_space<hbm>>
        %dma_start3A_174 = arith.constant 0 : i32
        %dma_start3A_175 = arith.constant 0 : i32
        %dma_start3A_176 = tpu.memref_slice %arg3[%add3A, %add3A_157, %dma_start3A_174, %dma_start3A_175] : memref<32x80x2x125xi32, #tpu.memory_space<hbm>> -> memref<1x1x2x125xi32, #tpu.memory_space<hbm>>
        %dma_start3A_177 = tpu.memref_squeeze %dma_start3A_176 : memref<1x1x2x125xi32, #tpu.memory_space<hbm>> -> memref<2x125xi32, #tpu.memory_space<hbm>>
        tpu.enqueue_dma source(%dma_start3A_177 : memref<2x125xi32, #tpu.memory_space<hbm>>) target(%arg9 : memref<2x125xi32, #tpu.memory_space<vmem>>) target_semaphore(%arg16 : memref<!tpu.dma_semaphore, #tpu.memory_space<semaphore_mem>>)
      } else {
      }
      %add3A_163 = arith.constant 2 : i32
      %add3A_164 = arith.addi %add3A_147, %add3A_163 : i32
      %lt3A_165 = arith.constant 80 : i32
      %lt3A_166 = arith.cmpi slt, %add3A_164, %lt3A_165 : i32
      %convert_element_type3A_167 = arith.extui %lt3A_166 : i1 to i32
      %cond3A_168 = arith.constant 0 : i32
      %cond3A_169 = arith.cmpi ne, %convert_element_type3A_167, %cond3A_168 : i32
      scf.if %cond3A_169 {
        %dma_wait3A_170 = arith.constant 0 : i32
        %dma_wait3A_171 = arith.constant 0 : i32
        %dma_wait3A_172 = tpu.memref_slice %arg3[%add3A, %add3A_164, %dma_wait3A_170, %dma_wait3A_171] : memref<32x80x2x125xi32, #tpu.memory_space<hbm>> -> memref<1x1x2x125xi32, #tpu.memory_space<hbm>>
        %dma_wait3A_173 = tpu.memref_squeeze %dma_wait3A_172 : memref<1x1x2x125xi32, #tpu.memory_space<hbm>> -> memref<2x125xi32, #tpu.memory_space<hbm>>
        %dma_wait3A_174 = arith.constant 0 : i32
        %dma_wait3A_175 = arith.constant 0 : i32
        %dma_wait3A_176 = tpu.memref_slice %arg3[%add3A, %add3A_164, %dma_wait3A_174, %dma_wait3A_175] : memref<32x80x2x125xi32, #tpu.memory_space<hbm>> -> memref<1x1x2x125xi32, #tpu.memory_space<hbm>>
        %dma_wait3A_177 = tpu.memref_squeeze %dma_wait3A_176 : memref<1x1x2x125xi32, #tpu.memory_space<hbm>> -> memref<2x125xi32, #tpu.memory_space<hbm>>
        tpu.wait_dma2 semaphore(%arg14 : memref<!tpu.dma_semaphore, #tpu.memory_space<semaphore_mem>>) src(%dma_wait3A_177 : memref<2x125xi32, #tpu.memory_space<hbm>>) dst(%arg7 : memref<2x125xi32, #tpu.memory_space<vmem>>)
        %dma_start3A_178 = arith.constant 0 : i32
        %dma_start3A_179 = arith.constant 0 : i32
        %dma_start3A_180 = tpu.memref_slice %arg7[%dma_start3A_178, %dma_start3A_179] : memref<2x125xi32, #tpu.memory_space<vmem>> -> memref<1x125xi32, #tpu.memory_space<vmem>>
        %dma_start3A_181 = tpu.memref_squeeze %dma_start3A_180 : memref<1x125xi32, #tpu.memory_space<vmem>> -> memref<125xi32, #tpu.memory_space<vmem>>
        %dma_start3A_182 = arith.constant 0 : i32
        %dma_start3A_183 = arith.constant 0 : i32
        %dma_start3A_184 = tpu.memref_slice %arg2[%dma_start3A_182, %dma_start3A_183] : memref<10000x128xf32, #tpu.memory_space<hbm>> -> memref<10000x128xf32, #tpu.memory_space<hbm>>
        tpu.enqueue_indirect_dma source(%dma_start3A_184 : memref<10000x128xf32, #tpu.memory_space<hbm>>) target(%arg11 : memref<125x128xf32, #tpu.memory_space<vmem>>) offsets(%dma_start3A_181 : memref<125xi32, #tpu.memory_space<vmem>>) semaphore(%arg18 : memref<!tpu.dma_semaphore, #tpu.memory_space<semaphore_mem>>)
      } else {
      }
    }
    %scan3A_73 = arith.constant 20 : i32
    %barrier3A_74 = arith.constant 0 : index
    tpu.barrier barrier_id(%barrier3A_74)
    "tpu.region"() ({
      %run_scoped3A = tpu.sem_alloc : memref<!tpu.dma_semaphore, #tpu.memory_space<semaphore_mem>>
      %dma_start3A_75 = arith.constant 0 : i32
      %dma_start3A_76 = tpu.memref_slice %arg5[%arg0, %mul3A_2, %dma_start3A_75] : memref<2x10240x128xf32, #tpu.memory_space<hbm>> -> memref<1x640x128xf32, #tpu.memory_space<hbm>>
      %dma_start3A_77 = tpu.memref_squeeze %dma_start3A_76 : memref<1x640x128xf32, #tpu.memory_space<hbm>> -> memref<640x128xf32, #tpu.memory_space<hbm>>
      %dma_start3A_78 = arith.constant 0 : i32
      %dma_start3A_79 = tpu.memref_slice %arg12[%mul3A_2, %dma_start3A_78] : memref<10240x128xf32, #tpu.memory_space<vmem_shared>> -> memref<640x128xf32, #tpu.memory_space<vmem_shared>>
      tpu.enqueue_dma source(%dma_start3A_79 : memref<640x128xf32, #tpu.memory_space<vmem_shared>>) target(%dma_start3A_77 : memref<640x128xf32, #tpu.memory_space<hbm>>) target_semaphore(%run_scoped3A : memref<!tpu.dma_semaphore, #tpu.memory_space<semaphore_mem>>)
      %dma_wait3A_80 = arith.constant 0 : i32
      %dma_wait3A_81 = tpu.memref_slice %arg5[%arg0, %mul3A_2, %dma_wait3A_80] : memref<2x10240x128xf32, #tpu.memory_space<hbm>> -> memref<1x640x128xf32, #tpu.memory_space<hbm>>
      %dma_wait3A_82 = tpu.memref_squeeze %dma_wait3A_81 : memref<1x640x128xf32, #tpu.memory_space<hbm>> -> memref<640x128xf32, #tpu.memory_space<hbm>>
      %dma_wait3A_83 = arith.constant 0 : i32
      %dma_wait3A_84 = tpu.memref_slice %arg12[%mul3A_2, %dma_wait3A_83] : memref<10240x128xf32, #tpu.memory_space<vmem_shared>> -> memref<640x128xf32, #tpu.memory_space<vmem_shared>>
      tpu.wait_dma2 semaphore(%run_scoped3A : memref<!tpu.dma_semaphore, #tpu.memory_space<semaphore_mem>>) src(%dma_wait3A_84 : memref<640x128xf32, #tpu.memory_space<vmem_shared>>) dst(%dma_wait3A_82 : memref<640x128xf32, #tpu.memory_space<hbm>>)
      tpu.yield
    }) : () -> ()
    return
  }
}

#map = affine_map<(d0, d1) -> (0, 0)>
#map1 = affine_map<(d0, d1) -> (0, 0, 0, 0)>
#map2 = affine_map<(d0, d1) -> (0, 0, 0)>
module attributes {stable_mosaic.version = 14 : i64} {
  func.func @_edge_scatter(%arg0: i32, %arg1: i32, %arg2: memref<10000x128xf32, #tpu.memory_space<hbm>>, %arg3: memref<32x80x2x125xi32, #tpu.memory_space<hbm>>, %arg4: memref<10240x128xf32, #tpu.memory_space<hbm>>, %arg5: memref<2x10240x128xf32, #tpu.memory_space<hbm>>, %arg6: memref<2x125xi32, #tpu.memory_space<vmem>>, %arg7: memref<2x125xi32, #tpu.memory_space<vmem>>, %arg8: memref<2x125xi32, #tpu.memory_space<vmem>>, %arg9: memref<2x125xi32, #tpu.memory_space<vmem>>, %arg10: memref<125x128xf32, #tpu.memory_space<vmem>>, %arg11: memref<125x128xf32, #tpu.memory_space<vmem>>, %arg12: memref<10240x128xf32, #tpu.memory_space<vmem_shared>>, %arg13: memref<!tpu.dma_semaphore, #tpu.memory_space<semaphore_mem>>, %arg14: memref<!tpu.dma_semaphore, #tpu.memory_space<semaphore_mem>>, %arg15: memref<!tpu.dma_semaphore, #tpu.memory_space<semaphore_mem>>, %arg16: memref<!tpu.dma_semaphore, #tpu.memory_space<semaphore_mem>>, %arg17: memref<!tpu.dma_semaphore, #tpu.memory_space<semaphore_mem>>, %arg18: memref<!tpu.dma_semaphore, #tpu.memory_space<semaphore_mem>>) attributes {dimension_semantics = [#tpu.dimension_semantics<core_parallel>, #tpu.dimension_semantics<subcore_parallel>], iteration_bounds = array<i64: 2, 16>, scalar_prefetch = 0 : i64, scratch_operands = 13 : i64, tpu.core_type = #tpu.core_type<sc_vector_subcore>, window_params = [{transform_indices = #map}, {transform_indices = #map1}, {transform_indices = #map}, {transform_indices = #map2}]} {
    %mul3A = arith.constant 2 : i32
    %mul3A_0 = arith.muli %arg1, %mul3A : i32
    %add3A = arith.addi %mul3A_0, %arg0 : i32
    %mul3A_1 = arith.constant 640 : i32
    %mul3A_2 = arith.muli %arg1, %mul3A_1 : i32
    "tpu.region"() ({
      %run_scoped3A = tpu.sem_alloc : memref<!tpu.dma_semaphore, #tpu.memory_space<semaphore_mem>>
      %dma_start3A_75 = arith.constant 0 : i32
      %dma_start3A_76 = tpu.memref_slice %arg12[%mul3A_2, %dma_start3A_75] : memref<10240x128xf32, #tpu.memory_space<vmem_shared>> -> memref<640x128xf32, #tpu.memory_space<vmem_shared>>
      %dma_start3A_77 = arith.constant 0 : i32
      %dma_start3A_78 = tpu.memref_slice %arg4[%mul3A_2, %dma_start3A_77] : memref<10240x128xf32, #tpu.memory_space<hbm>> -> memref<640x128xf32, #tpu.memory_space<hbm>>
      tpu.enqueue_dma source(%dma_start3A_78 : memref<640x128xf32, #tpu.memory_space<hbm>>) target(%dma_start3A_76 : memref<640x128xf32, #tpu.memory_space<vmem_shared>>) target_semaphore(%run_scoped3A : memref<!tpu.dma_semaphore, #tpu.memory_space<semaphore_mem>>)
      %dma_wait3A_79 = arith.constant 0 : i32
      %dma_wait3A_80 = tpu.memref_slice %arg12[%mul3A_2, %dma_wait3A_79] : memref<10240x128xf32, #tpu.memory_space<vmem_shared>> -> memref<640x128xf32, #tpu.memory_space<vmem_shared>>
      %dma_wait3A_81 = arith.constant 0 : i32
      %dma_wait3A_82 = tpu.memref_slice %arg4[%mul3A_2, %dma_wait3A_81] : memref<10240x128xf32, #tpu.memory_space<hbm>> -> memref<640x128xf32, #tpu.memory_space<hbm>>
      tpu.wait_dma2 semaphore(%run_scoped3A : memref<!tpu.dma_semaphore, #tpu.memory_space<semaphore_mem>>) src(%dma_wait3A_82 : memref<640x128xf32, #tpu.memory_space<hbm>>) dst(%dma_wait3A_80 : memref<640x128xf32, #tpu.memory_space<vmem_shared>>)
      tpu.yield
    }) : () -> ()
    %dma_start3A = arith.constant 0 : i32
    %dma_start3A_3 = arith.constant 0 : i32
    %dma_start3A_4 = arith.constant 0 : i32
    %dma_start3A_5 = tpu.memref_slice %arg3[%add3A, %dma_start3A, %dma_start3A_3, %dma_start3A_4] : memref<32x80x2x125xi32, #tpu.memory_space<hbm>> -> memref<1x1x2x125xi32, #tpu.memory_space<hbm>>
    %dma_start3A_6 = tpu.memref_squeeze %dma_start3A_5 : memref<1x1x2x125xi32, #tpu.memory_space<hbm>> -> memref<2x125xi32, #tpu.memory_space<hbm>>
    %dma_start3A_7 = arith.constant 0 : i32
    %dma_start3A_8 = arith.constant 0 : i32
    %dma_start3A_9 = tpu.memref_slice %arg3[%add3A, %dma_start3A, %dma_start3A_7, %dma_start3A_8] : memref<32x80x2x125xi32, #tpu.memory_space<hbm>> -> memref<1x1x2x125xi32, #tpu.memory_space<hbm>>
    %dma_start3A_10 = tpu.memref_squeeze %dma_start3A_9 : memref<1x1x2x125xi32, #tpu.memory_space<hbm>> -> memref<2x125xi32, #tpu.memory_space<hbm>>
    tpu.enqueue_dma source(%dma_start3A_10 : memref<2x125xi32, #tpu.memory_space<hbm>>) target(%arg6 : memref<2x125xi32, #tpu.memory_space<vmem>>) target_semaphore(%arg13 : memref<!tpu.dma_semaphore, #tpu.memory_space<semaphore_mem>>)
    %dma_start3A_11 = arith.constant 1 : i32
    %dma_start3A_12 = arith.constant 0 : i32
    %dma_start3A_13 = arith.constant 0 : i32
    %dma_start3A_14 = tpu.memref_slice %arg3[%add3A, %dma_start3A_11, %dma_start3A_12, %dma_start3A_13] : memref<32x80x2x125xi32, #tpu.memory_space<hbm>> -> memref<1x1x2x125xi32, #tpu.memory_space<hbm>>
    %dma_start3A_15 = tpu.memref_squeeze %dma_start3A_14 : memref<1x1x2x125xi32, #tpu.memory_space<hbm>> -> memref<2x125xi32, #tpu.memory_space<hbm>>
    %dma_start3A_16 = arith.constant 0 : i32
    %dma_start3A_17 = arith.constant 0 : i32
    %dma_start3A_18 = tpu.memref_slice %arg3[%add3A, %dma_start3A_11, %dma_start3A_16, %dma_start3A_17] : memref<32x80x2x125xi32, #tpu.memory_space<hbm>> -> memref<1x1x2x125xi32, #tpu.memory_space<hbm>>
    %dma_start3A_19 = tpu.memref_squeeze %dma_start3A_18 : memref<1x1x2x125xi32, #tpu.memory_space<hbm>> -> memref<2x125xi32, #tpu.memory_space<hbm>>
    tpu.enqueue_dma source(%dma_start3A_19 : memref<2x125xi32, #tpu.memory_space<hbm>>) target(%arg7 : memref<2x125xi32, #tpu.memory_space<vmem>>) target_semaphore(%arg14 : memref<!tpu.dma_semaphore, #tpu.memory_space<semaphore_mem>>)
    %dma_start3A_20 = arith.constant 2 : i32
    %dma_start3A_21 = arith.constant 0 : i32
    %dma_start3A_22 = arith.constant 0 : i32
    %dma_start3A_23 = tpu.memref_slice %arg3[%add3A, %dma_start3A_20, %dma_start3A_21, %dma_start3A_22] : memref<32x80x2x125xi32, #tpu.memory_space<hbm>> -> memref<1x1x2x125xi32, #tpu.memory_space<hbm>>
    %dma_start3A_24 = tpu.memref_squeeze %dma_start3A_23 : memref<1x1x2x125xi32, #tpu.memory_space<hbm>> -> memref<2x125xi32, #tpu.memory_space<hbm>>
    %dma_start3A_25 = arith.constant 0 : i32
    %dma_start3A_26 = arith.constant 0 : i32
    %dma_start3A_27 = tpu.memref_slice %arg3[%add3A, %dma_start3A_20, %dma_start3A_25, %dma_start3A_26] : memref<32x80x2x125xi32, #tpu.memory_space<hbm>> -> memref<1x1x2x125xi32, #tpu.memory_space<hbm>>
    %dma_start3A_28 = tpu.memref_squeeze %dma_start3A_27 : memref<1x1x2x125xi32, #tpu.memory_space<hbm>> -> memref<2x125xi32, #tpu.memory_space<hbm>>
    tpu.enqueue_dma source(%dma_start3A_28 : memref<2x125xi32, #tpu.memory_space<hbm>>) target(%arg8 : memref<2x125xi32, #tpu.memory_space<vmem>>) target_semaphore(%arg15 : memref<!tpu.dma_semaphore, #tpu.memory_space<semaphore_mem>>)
    %dma_start3A_29 = arith.constant 3 : i32
    %dma_start3A_30 = arith.constant 0 : i32
    %dma_start3A_31 = arith.constant 0 : i32
    %dma_start3A_32 = tpu.memref_slice %arg3[%add3A, %dma_start3A_29, %dma_start3A_30, %dma_start3A_31] : memref<32x80x2x125xi32, #tpu.memory_space<hbm>> -> memref<1x1x2x125xi32, #tpu.memory_space<hbm>>
    %dma_start3A_33 = tpu.memref_squeeze %dma_start3A_32 : memref<1x1x2x125xi32, #tpu.memory_space<hbm>> -> memref<2x125xi32, #tpu.memory_space<hbm>>
    %dma_start3A_34 = arith.constant 0 : i32
    %dma_start3A_35 = arith.constant 0 : i32
    %dma_start3A_36 = tpu.memref_slice %arg3[%add3A, %dma_start3A_29, %dma_start3A_34, %dma_start3A_35] : memref<32x80x2x125xi32, #tpu.memory_space<hbm>> -> memref<1x1x2x125xi32, #tpu.memory_space<hbm>>
    %dma_start3A_37 = tpu.memref_squeeze %dma_start3A_36 : memref<1x1x2x125xi32, #tpu.memory_space<hbm>> -> memref<2x125xi32, #tpu.memory_space<hbm>>
    tpu.enqueue_dma source(%dma_start3A_37 : memref<2x125xi32, #tpu.memory_space<hbm>>) target(%arg9 : memref<2x125xi32, #tpu.memory_space<vmem>>) target_semaphore(%arg16 : memref<!tpu.dma_semaphore, #tpu.memory_space<semaphore_mem>>)
    %dma_wait3A = arith.constant 0 : i32
    %dma_wait3A_38 = arith.constant 0 : i32
    %dma_wait3A_39 = arith.constant 0 : i32
    %dma_wait3A_40 = tpu.memref_slice %arg3[%add3A, %dma_wait3A, %dma_wait3A_38, %dma_wait3A_39] : memref<32x80x2x125xi32, #tpu.memory_space<hbm>> -> memref<1x1x2x125xi32, #tpu.memory_space<hbm>>
    %dma_wait3A_41 = tpu.memref_squeeze %dma_wait3A_40 : memref<1x1x2x125xi32, #tpu.memory_space<hbm>> -> memref<2x125xi32, #tpu.memory_space<hbm>>
    %dma_wait3A_42 = arith.constant 0 : i32
    %dma_wait3A_43 = arith.constant 0 : i32
    %dma_wait3A_44 = tpu.memref_slice %arg3[%add3A, %dma_wait3A, %dma_wait3A_42, %dma_wait3A_43] : memref<32x80x2x125xi32, #tpu.memory_space<hbm>> -> memref<1x1x2x125xi32, #tpu.memory_space<hbm>>
    %dma_wait3A_45 = tpu.memref_squeeze %dma_wait3A_44 : memref<1x1x2x125xi32, #tpu.memory_space<hbm>> -> memref<2x125xi32, #tpu.memory_space<hbm>>
    tpu.wait_dma2 semaphore(%arg13 : memref<!tpu.dma_semaphore, #tpu.memory_space<semaphore_mem>>) src(%dma_wait3A_45 : memref<2x125xi32, #tpu.memory_space<hbm>>) dst(%arg6 : memref<2x125xi32, #tpu.memory_space<vmem>>)
    %dma_start3A_46 = arith.constant 0 : i32
    %dma_start3A_47 = arith.constant 0 : i32
    %dma_start3A_48 = tpu.memref_slice %arg6[%dma_start3A_46, %dma_start3A_47] : memref<2x125xi32, #tpu.memory_space<vmem>> -> memref<1x125xi32, #tpu.memory_space<vmem>>
    %dma_start3A_49 = tpu.memref_squeeze %dma_start3A_48 : memref<1x125xi32, #tpu.memory_space<vmem>> -> memref<125xi32, #tpu.memory_space<vmem>>
    %dma_start3A_50 = arith.constant 0 : i32
    %dma_start3A_51 = arith.constant 0 : i32
    %dma_start3A_52 = tpu.memref_slice %arg2[%dma_start3A_50, %dma_start3A_51] : memref<10000x128xf32, #tpu.memory_space<hbm>> -> memref<10000x128xf32, #tpu.memory_space<hbm>>
    tpu.enqueue_indirect_dma source(%dma_start3A_52 : memref<10000x128xf32, #tpu.memory_space<hbm>>) target(%arg10 : memref<125x128xf32, #tpu.memory_space<vmem>>) offsets(%dma_start3A_49 : memref<125xi32, #tpu.memory_space<vmem>>) semaphore(%arg17 : memref<!tpu.dma_semaphore, #tpu.memory_space<semaphore_mem>>)
    %dma_wait3A_53 = arith.constant 1 : i32
    %dma_wait3A_54 = arith.constant 0 : i32
    %dma_wait3A_55 = arith.constant 0 : i32
    %dma_wait3A_56 = tpu.memref_slice %arg3[%add3A, %dma_wait3A_53, %dma_wait3A_54, %dma_wait3A_55] : memref<32x80x2x125xi32, #tpu.memory_space<hbm>> -> memref<1x1x2x125xi32, #tpu.memory_space<hbm>>
    %dma_wait3A_57 = tpu.memref_squeeze %dma_wait3A_56 : memref<1x1x2x125xi32, #tpu.memory_space<hbm>> -> memref<2x125xi32, #tpu.memory_space<hbm>>
    %dma_wait3A_58 = arith.constant 0 : i32
    %dma_wait3A_59 = arith.constant 0 : i32
    %dma_wait3A_60 = tpu.memref_slice %arg3[%add3A, %dma_wait3A_53, %dma_wait3A_58, %dma_wait3A_59] : memref<32x80x2x125xi32, #tpu.memory_space<hbm>> -> memref<1x1x2x125xi32, #tpu.memory_space<hbm>>
    %dma_wait3A_61 = tpu.memref_squeeze %dma_wait3A_60 : memref<1x1x2x125xi32, #tpu.memory_space<hbm>> -> memref<2x125xi32, #tpu.memory_space<hbm>>
    tpu.wait_dma2 semaphore(%arg14 : memref<!tpu.dma_semaphore, #tpu.memory_space<semaphore_mem>>) src(%dma_wait3A_61 : memref<2x125xi32, #tpu.memory_space<hbm>>) dst(%arg7 : memref<2x125xi32, #tpu.memory_space<vmem>>)
    %dma_start3A_62 = arith.constant 0 : i32
    %dma_start3A_63 = arith.constant 0 : i32
    %dma_start3A_64 = tpu.memref_slice %arg7[%dma_start3A_62, %dma_start3A_63] : memref<2x125xi32, #tpu.memory_space<vmem>> -> memref<1x125xi32, #tpu.memory_space<vmem>>
    %dma_start3A_65 = tpu.memref_squeeze %dma_start3A_64 : memref<1x125xi32, #tpu.memory_space<vmem>> -> memref<125xi32, #tpu.memory_space<vmem>>
    %dma_start3A_66 = arith.constant 0 : i32
    %dma_start3A_67 = arith.constant 0 : i32
    %dma_start3A_68 = tpu.memref_slice %arg2[%dma_start3A_66, %dma_start3A_67] : memref<10000x128xf32, #tpu.memory_space<hbm>> -> memref<10000x128xf32, #tpu.memory_space<hbm>>
    tpu.enqueue_indirect_dma source(%dma_start3A_68 : memref<10000x128xf32, #tpu.memory_space<hbm>>) target(%arg11 : memref<125x128xf32, #tpu.memory_space<vmem>>) offsets(%dma_start3A_65 : memref<125xi32, #tpu.memory_space<vmem>>) semaphore(%arg18 : memref<!tpu.dma_semaphore, #tpu.memory_space<semaphore_mem>>)
    %barrier3A = arith.constant 0 : index
    tpu.barrier barrier_id(%barrier3A)
    %scan3A = arith.constant 0 : i32
    %scan3A_69 = arith.constant 0 : i32
    %scan3A_70 = arith.constant 20 : i32
    %scan3A_71 = arith.addi %scan3A_69, %scan3A_70 : i32
    %scan3A_72 = arith.constant 1 : i32
    scf.for %scan3A_75 = %scan3A_69 to %scan3A_71 step %scan3A_72  : i32 {
      %mul3A_76 = arith.constant 4 : i32
      %mul3A_77 = arith.muli %scan3A_75, %mul3A_76 : i32
      %add3A_78 = arith.constant 0 : i32
      %add3A_79 = arith.addi %mul3A_77, %add3A_78 : i32
      %dma_wait3A_80 = arith.constant 0 : i32
      %dma_wait3A_81 = arith.constant 0 : i32
      %dma_wait3A_82 = tpu.memref_slice %arg6[%dma_wait3A_80, %dma_wait3A_81] : memref<2x125xi32, #tpu.memory_space<vmem>> -> memref<1x125xi32, #tpu.memory_space<vmem>>
      %dma_wait3A_83 = tpu.memref_squeeze %dma_wait3A_82 : memref<1x125xi32, #tpu.memory_space<vmem>> -> memref<125xi32, #tpu.memory_space<vmem>>
      %dma_wait3A_84 = arith.constant 0 : i32
      %dma_wait3A_85 = arith.constant 0 : i32
      %dma_wait3A_86 = tpu.memref_slice %arg2[%dma_wait3A_84, %dma_wait3A_85] : memref<10000x128xf32, #tpu.memory_space<hbm>> -> memref<10000x128xf32, #tpu.memory_space<hbm>>
      tpu.wait_indirect_dma semaphore(%arg17 : memref<!tpu.dma_semaphore, #tpu.memory_space<semaphore_mem>>) src(%dma_wait3A_86 : memref<10000x128xf32, #tpu.memory_space<hbm>>) dst(%arg10 : memref<125x128xf32, #tpu.memory_space<vmem>>)
      %run_scoped3A = arith.constant 1 : i32
      "tpu.region"() ({
        %run_scoped3A_170 = tpu.sem_alloc : memref<!tpu.dma_semaphore, #tpu.memory_space<semaphore_mem>>
        %dma_start3A_171 = arith.constant 0 : i32
        %dma_start3A_172 = tpu.memref_slice %arg6[%run_scoped3A, %dma_start3A_171] : memref<2x125xi32, #tpu.memory_space<vmem>> -> memref<1x125xi32, #tpu.memory_space<vmem>>
        %dma_start3A_173 = tpu.memref_squeeze %dma_start3A_172 : memref<1x125xi32, #tpu.memory_space<vmem>> -> memref<125xi32, #tpu.memory_space<vmem>>
        %dma_start3A_174 = arith.constant 0 : i32
        %dma_start3A_175 = arith.constant 0 : i32
        %dma_start3A_176 = tpu.memref_slice %arg12[%dma_start3A_174, %dma_start3A_175] : memref<10240x128xf32, #tpu.memory_space<vmem_shared>> -> memref<10240x128xf32, #tpu.memory_space<vmem_shared>>
        tpu.enqueue_indirect_dma source(%arg10 : memref<125x128xf32, #tpu.memory_space<vmem>>) target(%dma_start3A_176 : memref<10240x128xf32, #tpu.memory_space<vmem_shared>>) offsets(%dma_start3A_173 : memref<125xi32, #tpu.memory_space<vmem>>) semaphore(%run_scoped3A_170 : memref<!tpu.dma_semaphore, #tpu.memory_space<semaphore_mem>>) {add = true}
        %dma_wait3A_177 = arith.constant 0 : i32
        %dma_wait3A_178 = tpu.memref_slice %arg6[%run_scoped3A, %dma_wait3A_177] : memref<2x125xi32, #tpu.memory_space<vmem>> -> memref<1x125xi32, #tpu.memory_space<vmem>>
        %dma_wait3A_179 = tpu.memref_squeeze %dma_wait3A_178 : memref<1x125xi32, #tpu.memory_space<vmem>> -> memref<125xi32, #tpu.memory_space<vmem>>
        %dma_wait3A_180 = arith.constant 0 : i32
        %dma_wait3A_181 = arith.constant 0 : i32
        %dma_wait3A_182 = tpu.memref_slice %arg12[%dma_wait3A_180, %dma_wait3A_181] : memref<10240x128xf32, #tpu.memory_space<vmem_shared>> -> memref<10240x128xf32, #tpu.memory_space<vmem_shared>>
        tpu.wait_indirect_dma semaphore(%run_scoped3A_170 : memref<!tpu.dma_semaphore, #tpu.memory_space<semaphore_mem>>) src(%arg10 : memref<125x128xf32, #tpu.memory_space<vmem>>) dst(%dma_wait3A_182 : memref<10240x128xf32, #tpu.memory_space<vmem_shared>>)
        tpu.yield
      }) : () -> ()
      %add3A_87 = arith.constant 4 : i32
      %add3A_88 = arith.addi %add3A_79, %add3A_87 : i32
      %lt3A = arith.constant 80 : i32
      %lt3A_89 = arith.cmpi slt, %add3A_88, %lt3A : i32
      %convert_element_type3A = arith.extui %lt3A_89 : i1 to i32
      %cond3A = arith.constant 0 : i32
      %cond3A_90 = arith.cmpi ne, %convert_element_type3A, %cond3A : i32
      scf.if %cond3A_90 {
        %dma_start3A_170 = arith.constant 0 : i32
        %dma_start3A_171 = arith.constant 0 : i32
        %dma_start3A_172 = tpu.memref_slice %arg3[%add3A, %add3A_88, %dma_start3A_170, %dma_start3A_171] : memref<32x80x2x125xi32, #tpu.memory_space<hbm>> -> memref<1x1x2x125xi32, #tpu.memory_space<hbm>>
        %dma_start3A_173 = tpu.memref_squeeze %dma_start3A_172 : memref<1x1x2x125xi32, #tpu.memory_space<hbm>> -> memref<2x125xi32, #tpu.memory_space<hbm>>
        %dma_start3A_174 = arith.constant 0 : i32
        %dma_start3A_175 = arith.constant 0 : i32
        %dma_start3A_176 = tpu.memref_slice %arg3[%add3A, %add3A_88, %dma_start3A_174, %dma_start3A_175] : memref<32x80x2x125xi32, #tpu.memory_space<hbm>> -> memref<1x1x2x125xi32, #tpu.memory_space<hbm>>
        %dma_start3A_177 = tpu.memref_squeeze %dma_start3A_176 : memref<1x1x2x125xi32, #tpu.memory_space<hbm>> -> memref<2x125xi32, #tpu.memory_space<hbm>>
        tpu.enqueue_dma source(%dma_start3A_177 : memref<2x125xi32, #tpu.memory_space<hbm>>) target(%arg6 : memref<2x125xi32, #tpu.memory_space<vmem>>) target_semaphore(%arg13 : memref<!tpu.dma_semaphore, #tpu.memory_space<semaphore_mem>>)
      } else {
      }
      %add3A_91 = arith.constant 2 : i32
      %add3A_92 = arith.addi %add3A_79, %add3A_91 : i32
      %lt3A_93 = arith.constant 80 : i32
      %lt3A_94 = arith.cmpi slt, %add3A_92, %lt3A_93 : i32
      %convert_element_type3A_95 = arith.extui %lt3A_94 : i1 to i32
      %cond3A_96 = arith.constant 0 : i32
      %cond3A_97 = arith.cmpi ne, %convert_element_type3A_95, %cond3A_96 : i32
      scf.if %cond3A_97 {
        %dma_wait3A_170 = arith.constant 0 : i32
        %dma_wait3A_171 = arith.constant 0 : i32
        %dma_wait3A_172 = tpu.memref_slice %arg3[%add3A, %add3A_92, %dma_wait3A_170, %dma_wait3A_171] : memref<32x80x2x125xi32, #tpu.memory_space<hbm>> -> memref<1x1x2x125xi32, #tpu.memory_space<hbm>>
        %dma_wait3A_173 = tpu.memref_squeeze %dma_wait3A_172 : memref<1x1x2x125xi32, #tpu.memory_space<hbm>> -> memref<2x125xi32, #tpu.memory_space<hbm>>
        %dma_wait3A_174 = arith.constant 0 : i32
        %dma_wait3A_175 = arith.constant 0 : i32
        %dma_wait3A_176 = tpu.memref_slice %arg3[%add3A, %add3A_92, %dma_wait3A_174, %dma_wait3A_175] : memref<32x80x2x125xi32, #tpu.memory_space<hbm>> -> memref<1x1x2x125xi32, #tpu.memory_space<hbm>>
        %dma_wait3A_177 = tpu.memref_squeeze %dma_wait3A_176 : memref<1x1x2x125xi32, #tpu.memory_space<hbm>> -> memref<2x125xi32, #tpu.memory_space<hbm>>
        tpu.wait_dma2 semaphore(%arg15 : memref<!tpu.dma_semaphore, #tpu.memory_space<semaphore_mem>>) src(%dma_wait3A_177 : memref<2x125xi32, #tpu.memory_space<hbm>>) dst(%arg8 : memref<2x125xi32, #tpu.memory_space<vmem>>)
        %dma_start3A_178 = arith.constant 0 : i32
        %dma_start3A_179 = arith.constant 0 : i32
        %dma_start3A_180 = tpu.memref_slice %arg8[%dma_start3A_178, %dma_start3A_179] : memref<2x125xi32, #tpu.memory_space<vmem>> -> memref<1x125xi32, #tpu.memory_space<vmem>>
        %dma_start3A_181 = tpu.memref_squeeze %dma_start3A_180 : memref<1x125xi32, #tpu.memory_space<vmem>> -> memref<125xi32, #tpu.memory_space<vmem>>
        %dma_start3A_182 = arith.constant 0 : i32
        %dma_start3A_183 = arith.constant 0 : i32
        %dma_start3A_184 = tpu.memref_slice %arg2[%dma_start3A_182, %dma_start3A_183] : memref<10000x128xf32, #tpu.memory_space<hbm>> -> memref<10000x128xf32, #tpu.memory_space<hbm>>
        tpu.enqueue_indirect_dma source(%dma_start3A_184 : memref<10000x128xf32, #tpu.memory_space<hbm>>) target(%arg10 : memref<125x128xf32, #tpu.memory_space<vmem>>) offsets(%dma_start3A_181 : memref<125xi32, #tpu.memory_space<vmem>>) semaphore(%arg17 : memref<!tpu.dma_semaphore, #tpu.memory_space<semaphore_mem>>)
      } else {
      }
      %add3A_98 = arith.constant 1 : i32
      %add3A_99 = arith.addi %mul3A_77, %add3A_98 : i32
      %dma_wait3A_100 = arith.constant 0 : i32
      %dma_wait3A_101 = arith.constant 0 : i32
      %dma_wait3A_102 = tpu.memref_slice %arg7[%dma_wait3A_100, %dma_wait3A_101] : memref<2x125xi32, #tpu.memory_space<vmem>> -> memref<1x125xi32, #tpu.memory_space<vmem>>
      %dma_wait3A_103 = tpu.memref_squeeze %dma_wait3A_102 : memref<1x125xi32, #tpu.memory_space<vmem>> -> memref<125xi32, #tpu.memory_space<vmem>>
      %dma_wait3A_104 = arith.constant 0 : i32
      %dma_wait3A_105 = arith.constant 0 : i32
      %dma_wait3A_106 = tpu.memref_slice %arg2[%dma_wait3A_104, %dma_wait3A_105] : memref<10000x128xf32, #tpu.memory_space<hbm>> -> memref<10000x128xf32, #tpu.memory_space<hbm>>
      tpu.wait_indirect_dma semaphore(%arg18 : memref<!tpu.dma_semaphore, #tpu.memory_space<semaphore_mem>>) src(%dma_wait3A_106 : memref<10000x128xf32, #tpu.memory_space<hbm>>) dst(%arg11 : memref<125x128xf32, #tpu.memory_space<vmem>>)
      %run_scoped3A_107 = arith.constant 1 : i32
      "tpu.region"() ({
        %run_scoped3A_170 = tpu.sem_alloc : memref<!tpu.dma_semaphore, #tpu.memory_space<semaphore_mem>>
        %dma_start3A_171 = arith.constant 0 : i32
        %dma_start3A_172 = tpu.memref_slice %arg7[%run_scoped3A_107, %dma_start3A_171] : memref<2x125xi32, #tpu.memory_space<vmem>> -> memref<1x125xi32, #tpu.memory_space<vmem>>
        %dma_start3A_173 = tpu.memref_squeeze %dma_start3A_172 : memref<1x125xi32, #tpu.memory_space<vmem>> -> memref<125xi32, #tpu.memory_space<vmem>>
        %dma_start3A_174 = arith.constant 0 : i32
        %dma_start3A_175 = arith.constant 0 : i32
        %dma_start3A_176 = tpu.memref_slice %arg12[%dma_start3A_174, %dma_start3A_175] : memref<10240x128xf32, #tpu.memory_space<vmem_shared>> -> memref<10240x128xf32, #tpu.memory_space<vmem_shared>>
        tpu.enqueue_indirect_dma source(%arg11 : memref<125x128xf32, #tpu.memory_space<vmem>>) target(%dma_start3A_176 : memref<10240x128xf32, #tpu.memory_space<vmem_shared>>) offsets(%dma_start3A_173 : memref<125xi32, #tpu.memory_space<vmem>>) semaphore(%run_scoped3A_170 : memref<!tpu.dma_semaphore, #tpu.memory_space<semaphore_mem>>) {add = true}
        %dma_wait3A_177 = arith.constant 0 : i32
        %dma_wait3A_178 = tpu.memref_slice %arg7[%run_scoped3A_107, %dma_wait3A_177] : memref<2x125xi32, #tpu.memory_space<vmem>> -> memref<1x125xi32, #tpu.memory_space<vmem>>
        %dma_wait3A_179 = tpu.memref_squeeze %dma_wait3A_178 : memref<1x125xi32, #tpu.memory_space<vmem>> -> memref<125xi32, #tpu.memory_space<vmem>>
        %dma_wait3A_180 = arith.constant 0 : i32
        %dma_wait3A_181 = arith.constant 0 : i32
        %dma_wait3A_182 = tpu.memref_slice %arg12[%dma_wait3A_180, %dma_wait3A_181] : memref<10240x128xf32, #tpu.memory_space<vmem_shared>> -> memref<10240x128xf32, #tpu.memory_space<vmem_shared>>
        tpu.wait_indirect_dma semaphore(%run_scoped3A_170 : memref<!tpu.dma_semaphore, #tpu.memory_space<semaphore_mem>>) src(%arg11 : memref<125x128xf32, #tpu.memory_space<vmem>>) dst(%dma_wait3A_182 : memref<10240x128xf32, #tpu.memory_space<vmem_shared>>)
        tpu.yield
      }) : () -> ()
      %add3A_108 = arith.constant 4 : i32
      %add3A_109 = arith.addi %add3A_99, %add3A_108 : i32
      %lt3A_110 = arith.constant 80 : i32
      %lt3A_111 = arith.cmpi slt, %add3A_109, %lt3A_110 : i32
      %convert_element_type3A_112 = arith.extui %lt3A_111 : i1 to i32
      %cond3A_113 = arith.constant 0 : i32
      %cond3A_114 = arith.cmpi ne, %convert_element_type3A_112, %cond3A_113 : i32
      scf.if %cond3A_114 {
        %dma_start3A_170 = arith.constant 0 : i32
        %dma_start3A_171 = arith.constant 0 : i32
        %dma_start3A_172 = tpu.memref_slice %arg3[%add3A, %add3A_109, %dma_start3A_170, %dma_start3A_171] : memref<32x80x2x125xi32, #tpu.memory_space<hbm>> -> memref<1x1x2x125xi32, #tpu.memory_space<hbm>>
        %dma_start3A_173 = tpu.memref_squeeze %dma_start3A_172 : memref<1x1x2x125xi32, #tpu.memory_space<hbm>> -> memref<2x125xi32, #tpu.memory_space<hbm>>
        %dma_start3A_174 = arith.constant 0 : i32
        %dma_start3A_175 = arith.constant 0 : i32
        %dma_start3A_176 = tpu.memref_slice %arg3[%add3A, %add3A_109, %dma_start3A_174, %dma_start3A_175] : memref<32x80x2x125xi32, #tpu.memory_space<hbm>> -> memref<1x1x2x125xi32, #tpu.memory_space<hbm>>
        %dma_start3A_177 = tpu.memref_squeeze %dma_start3A_176 : memref<1x1x2x125xi32, #tpu.memory_space<hbm>> -> memref<2x125xi32, #tpu.memory_space<hbm>>
        tpu.enqueue_dma source(%dma_start3A_177 : memref<2x125xi32, #tpu.memory_space<hbm>>) target(%arg7 : memref<2x125xi32, #tpu.memory_space<vmem>>) target_semaphore(%arg14 : memref<!tpu.dma_semaphore, #tpu.memory_space<semaphore_mem>>)
      } else {
      }
      %add3A_115 = arith.constant 2 : i32
      %add3A_116 = arith.addi %add3A_99, %add3A_115 : i32
      %lt3A_117 = arith.constant 80 : i32
      %lt3A_118 = arith.cmpi slt, %add3A_116, %lt3A_117 : i32
      %convert_element_type3A_119 = arith.extui %lt3A_118 : i1 to i32
      %cond3A_120 = arith.constant 0 : i32
      %cond3A_121 = arith.cmpi ne, %convert_element_type3A_119, %cond3A_120 : i32
      scf.if %cond3A_121 {
        %dma_wait3A_170 = arith.constant 0 : i32
        %dma_wait3A_171 = arith.constant 0 : i32
        %dma_wait3A_172 = tpu.memref_slice %arg3[%add3A, %add3A_116, %dma_wait3A_170, %dma_wait3A_171] : memref<32x80x2x125xi32, #tpu.memory_space<hbm>> -> memref<1x1x2x125xi32, #tpu.memory_space<hbm>>
        %dma_wait3A_173 = tpu.memref_squeeze %dma_wait3A_172 : memref<1x1x2x125xi32, #tpu.memory_space<hbm>> -> memref<2x125xi32, #tpu.memory_space<hbm>>
        %dma_wait3A_174 = arith.constant 0 : i32
        %dma_wait3A_175 = arith.constant 0 : i32
        %dma_wait3A_176 = tpu.memref_slice %arg3[%add3A, %add3A_116, %dma_wait3A_174, %dma_wait3A_175] : memref<32x80x2x125xi32, #tpu.memory_space<hbm>> -> memref<1x1x2x125xi32, #tpu.memory_space<hbm>>
        %dma_wait3A_177 = tpu.memref_squeeze %dma_wait3A_176 : memref<1x1x2x125xi32, #tpu.memory_space<hbm>> -> memref<2x125xi32, #tpu.memory_space<hbm>>
        tpu.wait_dma2 semaphore(%arg16 : memref<!tpu.dma_semaphore, #tpu.memory_space<semaphore_mem>>) src(%dma_wait3A_177 : memref<2x125xi32, #tpu.memory_space<hbm>>) dst(%arg9 : memref<2x125xi32, #tpu.memory_space<vmem>>)
        %dma_start3A_178 = arith.constant 0 : i32
        %dma_start3A_179 = arith.constant 0 : i32
        %dma_start3A_180 = tpu.memref_slice %arg9[%dma_start3A_178, %dma_start3A_179] : memref<2x125xi32, #tpu.memory_space<vmem>> -> memref<1x125xi32, #tpu.memory_space<vmem>>
        %dma_start3A_181 = tpu.memref_squeeze %dma_start3A_180 : memref<1x125xi32, #tpu.memory_space<vmem>> -> memref<125xi32, #tpu.memory_space<vmem>>
        %dma_start3A_182 = arith.constant 0 : i32
        %dma_start3A_183 = arith.constant 0 : i32
        %dma_start3A_184 = tpu.memref_slice %arg2[%dma_start3A_182, %dma_start3A_183] : memref<10000x128xf32, #tpu.memory_space<hbm>> -> memref<10000x128xf32, #tpu.memory_space<hbm>>
        tpu.enqueue_indirect_dma source(%dma_start3A_184 : memref<10000x128xf32, #tpu.memory_space<hbm>>) target(%arg11 : memref<125x128xf32, #tpu.memory_space<vmem>>) offsets(%dma_start3A_181 : memref<125xi32, #tpu.memory_space<vmem>>) semaphore(%arg18 : memref<!tpu.dma_semaphore, #tpu.memory_space<semaphore_mem>>)
      } else {
      }
      %add3A_122 = arith.constant 2 : i32
      %add3A_123 = arith.addi %mul3A_77, %add3A_122 : i32
      %dma_wait3A_124 = arith.constant 0 : i32
      %dma_wait3A_125 = arith.constant 0 : i32
      %dma_wait3A_126 = tpu.memref_slice %arg8[%dma_wait3A_124, %dma_wait3A_125] : memref<2x125xi32, #tpu.memory_space<vmem>> -> memref<1x125xi32, #tpu.memory_space<vmem>>
      %dma_wait3A_127 = tpu.memref_squeeze %dma_wait3A_126 : memref<1x125xi32, #tpu.memory_space<vmem>> -> memref<125xi32, #tpu.memory_space<vmem>>
      %dma_wait3A_128 = arith.constant 0 : i32
      %dma_wait3A_129 = arith.constant 0 : i32
      %dma_wait3A_130 = tpu.memref_slice %arg2[%dma_wait3A_128, %dma_wait3A_129] : memref<10000x128xf32, #tpu.memory_space<hbm>> -> memref<10000x128xf32, #tpu.memory_space<hbm>>
      tpu.wait_indirect_dma semaphore(%arg17 : memref<!tpu.dma_semaphore, #tpu.memory_space<semaphore_mem>>) src(%dma_wait3A_130 : memref<10000x128xf32, #tpu.memory_space<hbm>>) dst(%arg10 : memref<125x128xf32, #tpu.memory_space<vmem>>)
      %run_scoped3A_131 = arith.constant 1 : i32
      "tpu.region"() ({
        %run_scoped3A_170 = tpu.sem_alloc : memref<!tpu.dma_semaphore, #tpu.memory_space<semaphore_mem>>
        %dma_start3A_171 = arith.constant 0 : i32
        %dma_start3A_172 = tpu.memref_slice %arg8[%run_scoped3A_131, %dma_start3A_171] : memref<2x125xi32, #tpu.memory_space<vmem>> -> memref<1x125xi32, #tpu.memory_space<vmem>>
        %dma_start3A_173 = tpu.memref_squeeze %dma_start3A_172 : memref<1x125xi32, #tpu.memory_space<vmem>> -> memref<125xi32, #tpu.memory_space<vmem>>
        %dma_start3A_174 = arith.constant 0 : i32
        %dma_start3A_175 = arith.constant 0 : i32
        %dma_start3A_176 = tpu.memref_slice %arg12[%dma_start3A_174, %dma_start3A_175] : memref<10240x128xf32, #tpu.memory_space<vmem_shared>> -> memref<10240x128xf32, #tpu.memory_space<vmem_shared>>
        tpu.enqueue_indirect_dma source(%arg10 : memref<125x128xf32, #tpu.memory_space<vmem>>) target(%dma_start3A_176 : memref<10240x128xf32, #tpu.memory_space<vmem_shared>>) offsets(%dma_start3A_173 : memref<125xi32, #tpu.memory_space<vmem>>) semaphore(%run_scoped3A_170 : memref<!tpu.dma_semaphore, #tpu.memory_space<semaphore_mem>>) {add = true}
        %dma_wait3A_177 = arith.constant 0 : i32
        %dma_wait3A_178 = tpu.memref_slice %arg8[%run_scoped3A_131, %dma_wait3A_177] : memref<2x125xi32, #tpu.memory_space<vmem>> -> memref<1x125xi32, #tpu.memory_space<vmem>>
        %dma_wait3A_179 = tpu.memref_squeeze %dma_wait3A_178 : memref<1x125xi32, #tpu.memory_space<vmem>> -> memref<125xi32, #tpu.memory_space<vmem>>
        %dma_wait3A_180 = arith.constant 0 : i32
        %dma_wait3A_181 = arith.constant 0 : i32
        %dma_wait3A_182 = tpu.memref_slice %arg12[%dma_wait3A_180, %dma_wait3A_181] : memref<10240x128xf32, #tpu.memory_space<vmem_shared>> -> memref<10240x128xf32, #tpu.memory_space<vmem_shared>>
        tpu.wait_indirect_dma semaphore(%run_scoped3A_170 : memref<!tpu.dma_semaphore, #tpu.memory_space<semaphore_mem>>) src(%arg10 : memref<125x128xf32, #tpu.memory_space<vmem>>) dst(%dma_wait3A_182 : memref<10240x128xf32, #tpu.memory_space<vmem_shared>>)
        tpu.yield
      }) : () -> ()
      %add3A_132 = arith.constant 4 : i32
      %add3A_133 = arith.addi %add3A_123, %add3A_132 : i32
      %lt3A_134 = arith.constant 80 : i32
      %lt3A_135 = arith.cmpi slt, %add3A_133, %lt3A_134 : i32
      %convert_element_type3A_136 = arith.extui %lt3A_135 : i1 to i32
      %cond3A_137 = arith.constant 0 : i32
      %cond3A_138 = arith.cmpi ne, %convert_element_type3A_136, %cond3A_137 : i32
      scf.if %cond3A_138 {
        %dma_start3A_170 = arith.constant 0 : i32
        %dma_start3A_171 = arith.constant 0 : i32
        %dma_start3A_172 = tpu.memref_slice %arg3[%add3A, %add3A_133, %dma_start3A_170, %dma_start3A_171] : memref<32x80x2x125xi32, #tpu.memory_space<hbm>> -> memref<1x1x2x125xi32, #tpu.memory_space<hbm>>
        %dma_start3A_173 = tpu.memref_squeeze %dma_start3A_172 : memref<1x1x2x125xi32, #tpu.memory_space<hbm>> -> memref<2x125xi32, #tpu.memory_space<hbm>>
        %dma_start3A_174 = arith.constant 0 : i32
        %dma_start3A_175 = arith.constant 0 : i32
        %dma_start3A_176 = tpu.memref_slice %arg3[%add3A, %add3A_133, %dma_start3A_174, %dma_start3A_175] : memref<32x80x2x125xi32, #tpu.memory_space<hbm>> -> memref<1x1x2x125xi32, #tpu.memory_space<hbm>>
        %dma_start3A_177 = tpu.memref_squeeze %dma_start3A_176 : memref<1x1x2x125xi32, #tpu.memory_space<hbm>> -> memref<2x125xi32, #tpu.memory_space<hbm>>
        tpu.enqueue_dma source(%dma_start3A_177 : memref<2x125xi32, #tpu.memory_space<hbm>>) target(%arg8 : memref<2x125xi32, #tpu.memory_space<vmem>>) target_semaphore(%arg15 : memref<!tpu.dma_semaphore, #tpu.memory_space<semaphore_mem>>)
      } else {
      }
      %add3A_139 = arith.constant 2 : i32
      %add3A_140 = arith.addi %add3A_123, %add3A_139 : i32
      %lt3A_141 = arith.constant 80 : i32
      %lt3A_142 = arith.cmpi slt, %add3A_140, %lt3A_141 : i32
      %convert_element_type3A_143 = arith.extui %lt3A_142 : i1 to i32
      %cond3A_144 = arith.constant 0 : i32
      %cond3A_145 = arith.cmpi ne, %convert_element_type3A_143, %cond3A_144 : i32
      scf.if %cond3A_145 {
        %dma_wait3A_170 = arith.constant 0 : i32
        %dma_wait3A_171 = arith.constant 0 : i32
        %dma_wait3A_172 = tpu.memref_slice %arg3[%add3A, %add3A_140, %dma_wait3A_170, %dma_wait3A_171] : memref<32x80x2x125xi32, #tpu.memory_space<hbm>> -> memref<1x1x2x125xi32, #tpu.memory_space<hbm>>
        %dma_wait3A_173 = tpu.memref_squeeze %dma_wait3A_172 : memref<1x1x2x125xi32, #tpu.memory_space<hbm>> -> memref<2x125xi32, #tpu.memory_space<hbm>>
        %dma_wait3A_174 = arith.constant 0 : i32
        %dma_wait3A_175 = arith.constant 0 : i32
        %dma_wait3A_176 = tpu.memref_slice %arg3[%add3A, %add3A_140, %dma_wait3A_174, %dma_wait3A_175] : memref<32x80x2x125xi32, #tpu.memory_space<hbm>> -> memref<1x1x2x125xi32, #tpu.memory_space<hbm>>
        %dma_wait3A_177 = tpu.memref_squeeze %dma_wait3A_176 : memref<1x1x2x125xi32, #tpu.memory_space<hbm>> -> memref<2x125xi32, #tpu.memory_space<hbm>>
        tpu.wait_dma2 semaphore(%arg13 : memref<!tpu.dma_semaphore, #tpu.memory_space<semaphore_mem>>) src(%dma_wait3A_177 : memref<2x125xi32, #tpu.memory_space<hbm>>) dst(%arg6 : memref<2x125xi32, #tpu.memory_space<vmem>>)
        %dma_start3A_178 = arith.constant 0 : i32
        %dma_start3A_179 = arith.constant 0 : i32
        %dma_start3A_180 = tpu.memref_slice %arg6[%dma_start3A_178, %dma_start3A_179] : memref<2x125xi32, #tpu.memory_space<vmem>> -> memref<1x125xi32, #tpu.memory_space<vmem>>
        %dma_start3A_181 = tpu.memref_squeeze %dma_start3A_180 : memref<1x125xi32, #tpu.memory_space<vmem>> -> memref<125xi32, #tpu.memory_space<vmem>>
        %dma_start3A_182 = arith.constant 0 : i32
        %dma_start3A_183 = arith.constant 0 : i32
        %dma_start3A_184 = tpu.memref_slice %arg2[%dma_start3A_182, %dma_start3A_183] : memref<10000x128xf32, #tpu.memory_space<hbm>> -> memref<10000x128xf32, #tpu.memory_space<hbm>>
        tpu.enqueue_indirect_dma source(%dma_start3A_184 : memref<10000x128xf32, #tpu.memory_space<hbm>>) target(%arg10 : memref<125x128xf32, #tpu.memory_space<vmem>>) offsets(%dma_start3A_181 : memref<125xi32, #tpu.memory_space<vmem>>) semaphore(%arg17 : memref<!tpu.dma_semaphore, #tpu.memory_space<semaphore_mem>>)
      } else {
      }
      %add3A_146 = arith.constant 3 : i32
      %add3A_147 = arith.addi %mul3A_77, %add3A_146 : i32
      %dma_wait3A_148 = arith.constant 0 : i32
      %dma_wait3A_149 = arith.constant 0 : i32
      %dma_wait3A_150 = tpu.memref_slice %arg9[%dma_wait3A_148, %dma_wait3A_149] : memref<2x125xi32, #tpu.memory_space<vmem>> -> memref<1x125xi32, #tpu.memory_space<vmem>>
      %dma_wait3A_151 = tpu.memref_squeeze %dma_wait3A_150 : memref<1x125xi32, #tpu.memory_space<vmem>> -> memref<125xi32, #tpu.memory_space<vmem>>
      %dma_wait3A_152 = arith.constant 0 : i32
      %dma_wait3A_153 = arith.constant 0 : i32
      %dma_wait3A_154 = tpu.memref_slice %arg2[%dma_wait3A_152, %dma_wait3A_153] : memref<10000x128xf32, #tpu.memory_space<hbm>> -> memref<10000x128xf32, #tpu.memory_space<hbm>>
      tpu.wait_indirect_dma semaphore(%arg18 : memref<!tpu.dma_semaphore, #tpu.memory_space<semaphore_mem>>) src(%dma_wait3A_154 : memref<10000x128xf32, #tpu.memory_space<hbm>>) dst(%arg11 : memref<125x128xf32, #tpu.memory_space<vmem>>)
      %run_scoped3A_155 = arith.constant 1 : i32
      "tpu.region"() ({
        %run_scoped3A_170 = tpu.sem_alloc : memref<!tpu.dma_semaphore, #tpu.memory_space<semaphore_mem>>
        %dma_start3A_171 = arith.constant 0 : i32
        %dma_start3A_172 = tpu.memref_slice %arg9[%run_scoped3A_155, %dma_start3A_171] : memref<2x125xi32, #tpu.memory_space<vmem>> -> memref<1x125xi32, #tpu.memory_space<vmem>>
        %dma_start3A_173 = tpu.memref_squeeze %dma_start3A_172 : memref<1x125xi32, #tpu.memory_space<vmem>> -> memref<125xi32, #tpu.memory_space<vmem>>
        %dma_start3A_174 = arith.constant 0 : i32
        %dma_start3A_175 = arith.constant 0 : i32
        %dma_start3A_176 = tpu.memref_slice %arg12[%dma_start3A_174, %dma_start3A_175] : memref<10240x128xf32, #tpu.memory_space<vmem_shared>> -> memref<10240x128xf32, #tpu.memory_space<vmem_shared>>
        tpu.enqueue_indirect_dma source(%arg11 : memref<125x128xf32, #tpu.memory_space<vmem>>) target(%dma_start3A_176 : memref<10240x128xf32, #tpu.memory_space<vmem_shared>>) offsets(%dma_start3A_173 : memref<125xi32, #tpu.memory_space<vmem>>) semaphore(%run_scoped3A_170 : memref<!tpu.dma_semaphore, #tpu.memory_space<semaphore_mem>>) {add = true}
        %dma_wait3A_177 = arith.constant 0 : i32
        %dma_wait3A_178 = tpu.memref_slice %arg9[%run_scoped3A_155, %dma_wait3A_177] : memref<2x125xi32, #tpu.memory_space<vmem>> -> memref<1x125xi32, #tpu.memory_space<vmem>>
        %dma_wait3A_179 = tpu.memref_squeeze %dma_wait3A_178 : memref<1x125xi32, #tpu.memory_space<vmem>> -> memref<125xi32, #tpu.memory_space<vmem>>
        %dma_wait3A_180 = arith.constant 0 : i32
        %dma_wait3A_181 = arith.constant 0 : i32
        %dma_wait3A_182 = tpu.memref_slice %arg12[%dma_wait3A_180, %dma_wait3A_181] : memref<10240x128xf32, #tpu.memory_space<vmem_shared>> -> memref<10240x128xf32, #tpu.memory_space<vmem_shared>>
        tpu.wait_indirect_dma semaphore(%run_scoped3A_170 : memref<!tpu.dma_semaphore, #tpu.memory_space<semaphore_mem>>) src(%arg11 : memref<125x128xf32, #tpu.memory_space<vmem>>) dst(%dma_wait3A_182 : memref<10240x128xf32, #tpu.memory_space<vmem_shared>>)
        tpu.yield
      }) : () -> ()
      %add3A_156 = arith.constant 4 : i32
      %add3A_157 = arith.addi %add3A_147, %add3A_156 : i32
      %lt3A_158 = arith.constant 80 : i32
      %lt3A_159 = arith.cmpi slt, %add3A_157, %lt3A_158 : i32
      %convert_element_type3A_160 = arith.extui %lt3A_159 : i1 to i32
      %cond3A_161 = arith.constant 0 : i32
      %cond3A_162 = arith.cmpi ne, %convert_element_type3A_160, %cond3A_161 : i32
      scf.if %cond3A_162 {
        %dma_start3A_170 = arith.constant 0 : i32
        %dma_start3A_171 = arith.constant 0 : i32
        %dma_start3A_172 = tpu.memref_slice %arg3[%add3A, %add3A_157, %dma_start3A_170, %dma_start3A_171] : memref<32x80x2x125xi32, #tpu.memory_space<hbm>> -> memref<1x1x2x125xi32, #tpu.memory_space<hbm>>
        %dma_start3A_173 = tpu.memref_squeeze %dma_start3A_172 : memref<1x1x2x125xi32, #tpu.memory_space<hbm>> -> memref<2x125xi32, #tpu.memory_space<hbm>>
        %dma_start3A_174 = arith.constant 0 : i32
        %dma_start3A_175 = arith.constant 0 : i32
        %dma_start3A_176 = tpu.memref_slice %arg3[%add3A, %add3A_157, %dma_start3A_174, %dma_start3A_175] : memref<32x80x2x125xi32, #tpu.memory_space<hbm>> -> memref<1x1x2x125xi32, #tpu.memory_space<hbm>>
        %dma_start3A_177 = tpu.memref_squeeze %dma_start3A_176 : memref<1x1x2x125xi32, #tpu.memory_space<hbm>> -> memref<2x125xi32, #tpu.memory_space<hbm>>
        tpu.enqueue_dma source(%dma_start3A_177 : memref<2x125xi32, #tpu.memory_space<hbm>>) target(%arg9 : memref<2x125xi32, #tpu.memory_space<vmem>>) target_semaphore(%arg16 : memref<!tpu.dma_semaphore, #tpu.memory_space<semaphore_mem>>)
      } else {
      }
      %add3A_163 = arith.constant 2 : i32
      %add3A_164 = arith.addi %add3A_147, %add3A_163 : i32
      %lt3A_165 = arith.constant 80 : i32
      %lt3A_166 = arith.cmpi slt, %add3A_164, %lt3A_165 : i32
      %convert_element_type3A_167 = arith.extui %lt3A_166 : i1 to i32
      %cond3A_168 = arith.constant 0 : i32
      %cond3A_169 = arith.cmpi ne, %convert_element_type3A_167, %cond3A_168 : i32
      scf.if %cond3A_169 {
        %dma_wait3A_170 = arith.constant 0 : i32
        %dma_wait3A_171 = arith.constant 0 : i32
        %dma_wait3A_172 = tpu.memref_slice %arg3[%add3A, %add3A_164, %dma_wait3A_170, %dma_wait3A_171] : memref<32x80x2x125xi32, #tpu.memory_space<hbm>> -> memref<1x1x2x125xi32, #tpu.memory_space<hbm>>
        %dma_wait3A_173 = tpu.memref_squeeze %dma_wait3A_172 : memref<1x1x2x125xi32, #tpu.memory_space<hbm>> -> memref<2x125xi32, #tpu.memory_space<hbm>>
        %dma_wait3A_174 = arith.constant 0 : i32
        %dma_wait3A_175 = arith.constant 0 : i32
        %dma_wait3A_176 = tpu.memref_slice %arg3[%add3A, %add3A_164, %dma_wait3A_174, %dma_wait3A_175] : memref<32x80x2x125xi32, #tpu.memory_space<hbm>> -> memref<1x1x2x125xi32, #tpu.memory_space<hbm>>
        %dma_wait3A_177 = tpu.memref_squeeze %dma_wait3A_176 : memref<1x1x2x125xi32, #tpu.memory_space<hbm>> -> memref<2x125xi32, #tpu.memory_space<hbm>>
        tpu.wait_dma2 semaphore(%arg14 : memref<!tpu.dma_semaphore, #tpu.memory_space<semaphore_mem>>) src(%dma_wait3A_177 : memref<2x125xi32, #tpu.memory_space<hbm>>) dst(%arg7 : memref<2x125xi32, #tpu.memory_space<vmem>>)
        %dma_start3A_178 = arith.constant 0 : i32
        %dma_start3A_179 = arith.constant 0 : i32
        %dma_start3A_180 = tpu.memref_slice %arg7[%dma_start3A_178, %dma_start3A_179] : memref<2x125xi32, #tpu.memory_space<vmem>> -> memref<1x125xi32, #tpu.memory_space<vmem>>
        %dma_start3A_181 = tpu.memref_squeeze %dma_start3A_180 : memref<1x125xi32, #tpu.memory_space<vmem>> -> memref<125xi32, #tpu.memory_space<vmem>>
        %dma_start3A_182 = arith.constant 0 : i32
        %dma_start3A_183 = arith.constant 0 : i32
        %dma_start3A_184 = tpu.memref_slice %arg2[%dma_start3A_182, %dma_start3A_183] : memref<10000x128xf32, #tpu.memory_space<hbm>> -> memref<10000x128xf32, #tpu.memory_space<hbm>>
        tpu.enqueue_indirect_dma source(%dma_start3A_184 : memref<10000x128xf32, #tpu.memory_space<hbm>>) target(%arg11 : memref<125x128xf32, #tpu.memory_space<vmem>>) offsets(%dma_start3A_181 : memref<125xi32, #tpu.memory_space<vmem>>) semaphore(%arg18 : memref<!tpu.dma_semaphore, #tpu.memory_space<semaphore_mem>>)
      } else {
      }
    }
    %scan3A_73 = arith.constant 20 : i32
    %barrier3A_74 = arith.constant 0 : index
    tpu.barrier barrier_id(%barrier3A_74)
    "tpu.region"() ({
      %run_scoped3A = tpu.sem_alloc : memref<!tpu.dma_semaphore, #tpu.memory_space<semaphore_mem>>
      %dma_start3A_75 = arith.constant 0 : i32
      %dma_start3A_76 = tpu.memref_slice %arg5[%arg0, %mul3A_2, %dma_start3A_75] : memref<2x10240x128xf32, #tpu.memory_space<hbm>> -> memref<1x640x128xf32, #tpu.memory_space<hbm>>
      %dma_start3A_77 = tpu.memref_squeeze %dma_start3A_76 : memref<1x640x128xf32, #tpu.memory_space<hbm>> -> memref<640x128xf32, #tpu.memory_space<hbm>>
      %dma_start3A_78 = arith.constant 0 : i32
      %dma_start3A_79 = tpu.memref_slice %arg12[%mul3A_2, %dma_start3A_78] : memref<10240x128xf32, #tpu.memory_space<vmem_shared>> -> memref<640x128xf32, #tpu.memory_space<vmem_shared>>
      tpu.enqueue_dma source(%dma_start3A_79 : memref<640x128xf32, #tpu.memory_space<vmem_shared>>) target(%dma_start3A_77 : memref<640x128xf32, #tpu.memory_space<hbm>>) target_semaphore(%run_scoped3A : memref<!tpu.dma_semaphore, #tpu.memory_space<semaphore_mem>>)
      %dma_wait3A_80 = arith.constant 0 : i32
      %dma_wait3A_81 = tpu.memref_slice %arg5[%arg0, %mul3A_2, %dma_wait3A_80] : memref<2x10240x128xf32, #tpu.memory_space<hbm>> -> memref<1x640x128xf32, #tpu.memory_space<hbm>>
      %dma_wait3A_82 = tpu.memref_squeeze %dma_wait3A_81 : memref<1x640x128xf32, #tpu.memory_space<hbm>> -> memref<640x128xf32, #tpu.memory_space<hbm>>
      %dma_wait3A_83 = arith.constant 0 : i32
      %dma_wait3A_84 = tpu.memref_slice %arg12[%mul3A_2, %dma_wait3A_83] : memref<10240x128xf32, #tpu.memory_space<vmem_shared>> -> memref<640x128xf32, #tpu.memory_space<vmem_shared>>
      tpu.wait_dma2 semaphore(%run_scoped3A : memref<!tpu.dma_semaphore, #tpu.memory_space<semaphore_mem>>) src(%dma_wait3A_84 : memref<640x128xf32, #tpu.memory_space<vmem_shared>>) dst(%dma_wait3A_82 : memref<640x128xf32, #tpu.memory_space<hbm>>)
      tpu.yield
    }) : () -> ()
    return
  }
}

#map = affine_map<(d0, d1) -> (0, 0)>
#map1 = affine_map<(d0, d1) -> (0, 0, 0, 0)>
#map2 = affine_map<(d0, d1) -> (0, 0, 0)>
module attributes {stable_mosaic.version = 14 : i64} {
  func.func @_edge_scatter(%arg0: i32, %arg1: i32, %arg2: memref<10000x128xf32, #tpu.memory_space<hbm>>, %arg3: memref<32x80x2x125xi32, #tpu.memory_space<hbm>>, %arg4: memref<10240x128xf32, #tpu.memory_space<hbm>>, %arg5: memref<2x10240x128xf32, #tpu.memory_space<hbm>>, %arg6: memref<2x125xi32, #tpu.memory_space<vmem>>, %arg7: memref<2x125xi32, #tpu.memory_space<vmem>>, %arg8: memref<2x125xi32, #tpu.memory_space<vmem>>, %arg9: memref<2x125xi32, #tpu.memory_space<vmem>>, %arg10: memref<125x128xf32, #tpu.memory_space<vmem>>, %arg11: memref<125x128xf32, #tpu.memory_space<vmem>>, %arg12: memref<10240x128xf32, #tpu.memory_space<vmem_shared>>, %arg13: memref<!tpu.dma_semaphore, #tpu.memory_space<semaphore_mem>>, %arg14: memref<!tpu.dma_semaphore, #tpu.memory_space<semaphore_mem>>, %arg15: memref<!tpu.dma_semaphore, #tpu.memory_space<semaphore_mem>>, %arg16: memref<!tpu.dma_semaphore, #tpu.memory_space<semaphore_mem>>, %arg17: memref<!tpu.dma_semaphore, #tpu.memory_space<semaphore_mem>>, %arg18: memref<!tpu.dma_semaphore, #tpu.memory_space<semaphore_mem>>) attributes {dimension_semantics = [#tpu.dimension_semantics<core_parallel>, #tpu.dimension_semantics<subcore_parallel>], iteration_bounds = array<i64: 2, 16>, scalar_prefetch = 0 : i64, scratch_operands = 13 : i64, tpu.core_type = #tpu.core_type<sc_vector_subcore>, window_params = [{transform_indices = #map}, {transform_indices = #map1}, {transform_indices = #map}, {transform_indices = #map2}]} {
    %mul3A = arith.constant 2 : i32
    %mul3A_0 = arith.muli %arg1, %mul3A : i32
    %add3A = arith.addi %mul3A_0, %arg0 : i32
    %mul3A_1 = arith.constant 640 : i32
    %mul3A_2 = arith.muli %arg1, %mul3A_1 : i32
    "tpu.region"() ({
      %run_scoped3A = tpu.sem_alloc : memref<!tpu.dma_semaphore, #tpu.memory_space<semaphore_mem>>
      %dma_start3A_75 = arith.constant 0 : i32
      %dma_start3A_76 = tpu.memref_slice %arg12[%mul3A_2, %dma_start3A_75] : memref<10240x128xf32, #tpu.memory_space<vmem_shared>> -> memref<640x128xf32, #tpu.memory_space<vmem_shared>>
      %dma_start3A_77 = arith.constant 0 : i32
      %dma_start3A_78 = tpu.memref_slice %arg4[%mul3A_2, %dma_start3A_77] : memref<10240x128xf32, #tpu.memory_space<hbm>> -> memref<640x128xf32, #tpu.memory_space<hbm>>
      tpu.enqueue_dma source(%dma_start3A_78 : memref<640x128xf32, #tpu.memory_space<hbm>>) target(%dma_start3A_76 : memref<640x128xf32, #tpu.memory_space<vmem_shared>>) target_semaphore(%run_scoped3A : memref<!tpu.dma_semaphore, #tpu.memory_space<semaphore_mem>>)
      %dma_wait3A_79 = arith.constant 0 : i32
      %dma_wait3A_80 = tpu.memref_slice %arg12[%mul3A_2, %dma_wait3A_79] : memref<10240x128xf32, #tpu.memory_space<vmem_shared>> -> memref<640x128xf32, #tpu.memory_space<vmem_shared>>
      %dma_wait3A_81 = arith.constant 0 : i32
      %dma_wait3A_82 = tpu.memref_slice %arg4[%mul3A_2, %dma_wait3A_81] : memref<10240x128xf32, #tpu.memory_space<hbm>> -> memref<640x128xf32, #tpu.memory_space<hbm>>
      tpu.wait_dma2 semaphore(%run_scoped3A : memref<!tpu.dma_semaphore, #tpu.memory_space<semaphore_mem>>) src(%dma_wait3A_82 : memref<640x128xf32, #tpu.memory_space<hbm>>) dst(%dma_wait3A_80 : memref<640x128xf32, #tpu.memory_space<vmem_shared>>)
      tpu.yield
    }) : () -> ()
    %dma_start3A = arith.constant 0 : i32
    %dma_start3A_3 = arith.constant 0 : i32
    %dma_start3A_4 = arith.constant 0 : i32
    %dma_start3A_5 = tpu.memref_slice %arg3[%add3A, %dma_start3A, %dma_start3A_3, %dma_start3A_4] : memref<32x80x2x125xi32, #tpu.memory_space<hbm>> -> memref<1x1x2x125xi32, #tpu.memory_space<hbm>>
    %dma_start3A_6 = tpu.memref_squeeze %dma_start3A_5 : memref<1x1x2x125xi32, #tpu.memory_space<hbm>> -> memref<2x125xi32, #tpu.memory_space<hbm>>
    %dma_start3A_7 = arith.constant 0 : i32
    %dma_start3A_8 = arith.constant 0 : i32
    %dma_start3A_9 = tpu.memref_slice %arg3[%add3A, %dma_start3A, %dma_start3A_7, %dma_start3A_8] : memref<32x80x2x125xi32, #tpu.memory_space<hbm>> -> memref<1x1x2x125xi32, #tpu.memory_space<hbm>>
    %dma_start3A_10 = tpu.memref_squeeze %dma_start3A_9 : memref<1x1x2x125xi32, #tpu.memory_space<hbm>> -> memref<2x125xi32, #tpu.memory_space<hbm>>
    tpu.enqueue_dma source(%dma_start3A_10 : memref<2x125xi32, #tpu.memory_space<hbm>>) target(%arg6 : memref<2x125xi32, #tpu.memory_space<vmem>>) target_semaphore(%arg13 : memref<!tpu.dma_semaphore, #tpu.memory_space<semaphore_mem>>)
    %dma_start3A_11 = arith.constant 1 : i32
    %dma_start3A_12 = arith.constant 0 : i32
    %dma_start3A_13 = arith.constant 0 : i32
    %dma_start3A_14 = tpu.memref_slice %arg3[%add3A, %dma_start3A_11, %dma_start3A_12, %dma_start3A_13] : memref<32x80x2x125xi32, #tpu.memory_space<hbm>> -> memref<1x1x2x125xi32, #tpu.memory_space<hbm>>
    %dma_start3A_15 = tpu.memref_squeeze %dma_start3A_14 : memref<1x1x2x125xi32, #tpu.memory_space<hbm>> -> memref<2x125xi32, #tpu.memory_space<hbm>>
    %dma_start3A_16 = arith.constant 0 : i32
    %dma_start3A_17 = arith.constant 0 : i32
    %dma_start3A_18 = tpu.memref_slice %arg3[%add3A, %dma_start3A_11, %dma_start3A_16, %dma_start3A_17] : memref<32x80x2x125xi32, #tpu.memory_space<hbm>> -> memref<1x1x2x125xi32, #tpu.memory_space<hbm>>
    %dma_start3A_19 = tpu.memref_squeeze %dma_start3A_18 : memref<1x1x2x125xi32, #tpu.memory_space<hbm>> -> memref<2x125xi32, #tpu.memory_space<hbm>>
    tpu.enqueue_dma source(%dma_start3A_19 : memref<2x125xi32, #tpu.memory_space<hbm>>) target(%arg7 : memref<2x125xi32, #tpu.memory_space<vmem>>) target_semaphore(%arg14 : memref<!tpu.dma_semaphore, #tpu.memory_space<semaphore_mem>>)
    %dma_start3A_20 = arith.constant 2 : i32
    %dma_start3A_21 = arith.constant 0 : i32
    %dma_start3A_22 = arith.constant 0 : i32
    %dma_start3A_23 = tpu.memref_slice %arg3[%add3A, %dma_start3A_20, %dma_start3A_21, %dma_start3A_22] : memref<32x80x2x125xi32, #tpu.memory_space<hbm>> -> memref<1x1x2x125xi32, #tpu.memory_space<hbm>>
    %dma_start3A_24 = tpu.memref_squeeze %dma_start3A_23 : memref<1x1x2x125xi32, #tpu.memory_space<hbm>> -> memref<2x125xi32, #tpu.memory_space<hbm>>
    %dma_start3A_25 = arith.constant 0 : i32
    %dma_start3A_26 = arith.constant 0 : i32
    %dma_start3A_27 = tpu.memref_slice %arg3[%add3A, %dma_start3A_20, %dma_start3A_25, %dma_start3A_26] : memref<32x80x2x125xi32, #tpu.memory_space<hbm>> -> memref<1x1x2x125xi32, #tpu.memory_space<hbm>>
    %dma_start3A_28 = tpu.memref_squeeze %dma_start3A_27 : memref<1x1x2x125xi32, #tpu.memory_space<hbm>> -> memref<2x125xi32, #tpu.memory_space<hbm>>
    tpu.enqueue_dma source(%dma_start3A_28 : memref<2x125xi32, #tpu.memory_space<hbm>>) target(%arg8 : memref<2x125xi32, #tpu.memory_space<vmem>>) target_semaphore(%arg15 : memref<!tpu.dma_semaphore, #tpu.memory_space<semaphore_mem>>)
    %dma_start3A_29 = arith.constant 3 : i32
    %dma_start3A_30 = arith.constant 0 : i32
    %dma_start3A_31 = arith.constant 0 : i32
    %dma_start3A_32 = tpu.memref_slice %arg3[%add3A, %dma_start3A_29, %dma_start3A_30, %dma_start3A_31] : memref<32x80x2x125xi32, #tpu.memory_space<hbm>> -> memref<1x1x2x125xi32, #tpu.memory_space<hbm>>
    %dma_start3A_33 = tpu.memref_squeeze %dma_start3A_32 : memref<1x1x2x125xi32, #tpu.memory_space<hbm>> -> memref<2x125xi32, #tpu.memory_space<hbm>>
    %dma_start3A_34 = arith.constant 0 : i32
    %dma_start3A_35 = arith.constant 0 : i32
    %dma_start3A_36 = tpu.memref_slice %arg3[%add3A, %dma_start3A_29, %dma_start3A_34, %dma_start3A_35] : memref<32x80x2x125xi32, #tpu.memory_space<hbm>> -> memref<1x1x2x125xi32, #tpu.memory_space<hbm>>
    %dma_start3A_37 = tpu.memref_squeeze %dma_start3A_36 : memref<1x1x2x125xi32, #tpu.memory_space<hbm>> -> memref<2x125xi32, #tpu.memory_space<hbm>>
    tpu.enqueue_dma source(%dma_start3A_37 : memref<2x125xi32, #tpu.memory_space<hbm>>) target(%arg9 : memref<2x125xi32, #tpu.memory_space<vmem>>) target_semaphore(%arg16 : memref<!tpu.dma_semaphore, #tpu.memory_space<semaphore_mem>>)
    %dma_wait3A = arith.constant 0 : i32
    %dma_wait3A_38 = arith.constant 0 : i32
    %dma_wait3A_39 = arith.constant 0 : i32
    %dma_wait3A_40 = tpu.memref_slice %arg3[%add3A, %dma_wait3A, %dma_wait3A_38, %dma_wait3A_39] : memref<32x80x2x125xi32, #tpu.memory_space<hbm>> -> memref<1x1x2x125xi32, #tpu.memory_space<hbm>>
    %dma_wait3A_41 = tpu.memref_squeeze %dma_wait3A_40 : memref<1x1x2x125xi32, #tpu.memory_space<hbm>> -> memref<2x125xi32, #tpu.memory_space<hbm>>
    %dma_wait3A_42 = arith.constant 0 : i32
    %dma_wait3A_43 = arith.constant 0 : i32
    %dma_wait3A_44 = tpu.memref_slice %arg3[%add3A, %dma_wait3A, %dma_wait3A_42, %dma_wait3A_43] : memref<32x80x2x125xi32, #tpu.memory_space<hbm>> -> memref<1x1x2x125xi32, #tpu.memory_space<hbm>>
    %dma_wait3A_45 = tpu.memref_squeeze %dma_wait3A_44 : memref<1x1x2x125xi32, #tpu.memory_space<hbm>> -> memref<2x125xi32, #tpu.memory_space<hbm>>
    tpu.wait_dma2 semaphore(%arg13 : memref<!tpu.dma_semaphore, #tpu.memory_space<semaphore_mem>>) src(%dma_wait3A_45 : memref<2x125xi32, #tpu.memory_space<hbm>>) dst(%arg6 : memref<2x125xi32, #tpu.memory_space<vmem>>)
    %dma_start3A_46 = arith.constant 0 : i32
    %dma_start3A_47 = arith.constant 0 : i32
    %dma_start3A_48 = tpu.memref_slice %arg6[%dma_start3A_46, %dma_start3A_47] : memref<2x125xi32, #tpu.memory_space<vmem>> -> memref<1x125xi32, #tpu.memory_space<vmem>>
    %dma_start3A_49 = tpu.memref_squeeze %dma_start3A_48 : memref<1x125xi32, #tpu.memory_space<vmem>> -> memref<125xi32, #tpu.memory_space<vmem>>
    %dma_start3A_50 = arith.constant 0 : i32
    %dma_start3A_51 = arith.constant 0 : i32
    %dma_start3A_52 = tpu.memref_slice %arg2[%dma_start3A_50, %dma_start3A_51] : memref<10000x128xf32, #tpu.memory_space<hbm>> -> memref<10000x128xf32, #tpu.memory_space<hbm>>
    tpu.enqueue_indirect_dma source(%dma_start3A_52 : memref<10000x128xf32, #tpu.memory_space<hbm>>) target(%arg10 : memref<125x128xf32, #tpu.memory_space<vmem>>) offsets(%dma_start3A_49 : memref<125xi32, #tpu.memory_space<vmem>>) semaphore(%arg17 : memref<!tpu.dma_semaphore, #tpu.memory_space<semaphore_mem>>)
    %dma_wait3A_53 = arith.constant 1 : i32
    %dma_wait3A_54 = arith.constant 0 : i32
    %dma_wait3A_55 = arith.constant 0 : i32
    %dma_wait3A_56 = tpu.memref_slice %arg3[%add3A, %dma_wait3A_53, %dma_wait3A_54, %dma_wait3A_55] : memref<32x80x2x125xi32, #tpu.memory_space<hbm>> -> memref<1x1x2x125xi32, #tpu.memory_space<hbm>>
    %dma_wait3A_57 = tpu.memref_squeeze %dma_wait3A_56 : memref<1x1x2x125xi32, #tpu.memory_space<hbm>> -> memref<2x125xi32, #tpu.memory_space<hbm>>
    %dma_wait3A_58 = arith.constant 0 : i32
    %dma_wait3A_59 = arith.constant 0 : i32
    %dma_wait3A_60 = tpu.memref_slice %arg3[%add3A, %dma_wait3A_53, %dma_wait3A_58, %dma_wait3A_59] : memref<32x80x2x125xi32, #tpu.memory_space<hbm>> -> memref<1x1x2x125xi32, #tpu.memory_space<hbm>>
    %dma_wait3A_61 = tpu.memref_squeeze %dma_wait3A_60 : memref<1x1x2x125xi32, #tpu.memory_space<hbm>> -> memref<2x125xi32, #tpu.memory_space<hbm>>
    tpu.wait_dma2 semaphore(%arg14 : memref<!tpu.dma_semaphore, #tpu.memory_space<semaphore_mem>>) src(%dma_wait3A_61 : memref<2x125xi32, #tpu.memory_space<hbm>>) dst(%arg7 : memref<2x125xi32, #tpu.memory_space<vmem>>)
    %dma_start3A_62 = arith.constant 0 : i32
    %dma_start3A_63 = arith.constant 0 : i32
    %dma_start3A_64 = tpu.memref_slice %arg7[%dma_start3A_62, %dma_start3A_63] : memref<2x125xi32, #tpu.memory_space<vmem>> -> memref<1x125xi32, #tpu.memory_space<vmem>>
    %dma_start3A_65 = tpu.memref_squeeze %dma_start3A_64 : memref<1x125xi32, #tpu.memory_space<vmem>> -> memref<125xi32, #tpu.memory_space<vmem>>
    %dma_start3A_66 = arith.constant 0 : i32
    %dma_start3A_67 = arith.constant 0 : i32
    %dma_start3A_68 = tpu.memref_slice %arg2[%dma_start3A_66, %dma_start3A_67] : memref<10000x128xf32, #tpu.memory_space<hbm>> -> memref<10000x128xf32, #tpu.memory_space<hbm>>
    tpu.enqueue_indirect_dma source(%dma_start3A_68 : memref<10000x128xf32, #tpu.memory_space<hbm>>) target(%arg11 : memref<125x128xf32, #tpu.memory_space<vmem>>) offsets(%dma_start3A_65 : memref<125xi32, #tpu.memory_space<vmem>>) semaphore(%arg18 : memref<!tpu.dma_semaphore, #tpu.memory_space<semaphore_mem>>)
    %barrier3A = arith.constant 0 : index
    tpu.barrier barrier_id(%barrier3A)
    %scan3A = arith.constant 0 : i32
    %scan3A_69 = arith.constant 0 : i32
    %scan3A_70 = arith.constant 20 : i32
    %scan3A_71 = arith.addi %scan3A_69, %scan3A_70 : i32
    %scan3A_72 = arith.constant 1 : i32
    scf.for %scan3A_75 = %scan3A_69 to %scan3A_71 step %scan3A_72  : i32 {
      %mul3A_76 = arith.constant 4 : i32
      %mul3A_77 = arith.muli %scan3A_75, %mul3A_76 : i32
      %add3A_78 = arith.constant 0 : i32
      %add3A_79 = arith.addi %mul3A_77, %add3A_78 : i32
      %dma_wait3A_80 = arith.constant 0 : i32
      %dma_wait3A_81 = arith.constant 0 : i32
      %dma_wait3A_82 = tpu.memref_slice %arg6[%dma_wait3A_80, %dma_wait3A_81] : memref<2x125xi32, #tpu.memory_space<vmem>> -> memref<1x125xi32, #tpu.memory_space<vmem>>
      %dma_wait3A_83 = tpu.memref_squeeze %dma_wait3A_82 : memref<1x125xi32, #tpu.memory_space<vmem>> -> memref<125xi32, #tpu.memory_space<vmem>>
      %dma_wait3A_84 = arith.constant 0 : i32
      %dma_wait3A_85 = arith.constant 0 : i32
      %dma_wait3A_86 = tpu.memref_slice %arg2[%dma_wait3A_84, %dma_wait3A_85] : memref<10000x128xf32, #tpu.memory_space<hbm>> -> memref<10000x128xf32, #tpu.memory_space<hbm>>
      tpu.wait_indirect_dma semaphore(%arg17 : memref<!tpu.dma_semaphore, #tpu.memory_space<semaphore_mem>>) src(%dma_wait3A_86 : memref<10000x128xf32, #tpu.memory_space<hbm>>) dst(%arg10 : memref<125x128xf32, #tpu.memory_space<vmem>>)
      %run_scoped3A = arith.constant 1 : i32
      "tpu.region"() ({
        %run_scoped3A_170 = tpu.sem_alloc : memref<!tpu.dma_semaphore, #tpu.memory_space<semaphore_mem>>
        %dma_start3A_171 = arith.constant 0 : i32
        %dma_start3A_172 = tpu.memref_slice %arg6[%run_scoped3A, %dma_start3A_171] : memref<2x125xi32, #tpu.memory_space<vmem>> -> memref<1x125xi32, #tpu.memory_space<vmem>>
        %dma_start3A_173 = tpu.memref_squeeze %dma_start3A_172 : memref<1x125xi32, #tpu.memory_space<vmem>> -> memref<125xi32, #tpu.memory_space<vmem>>
        %dma_start3A_174 = arith.constant 0 : i32
        %dma_start3A_175 = arith.constant 0 : i32
        %dma_start3A_176 = tpu.memref_slice %arg12[%dma_start3A_174, %dma_start3A_175] : memref<10240x128xf32, #tpu.memory_space<vmem_shared>> -> memref<10240x128xf32, #tpu.memory_space<vmem_shared>>
        tpu.enqueue_indirect_dma source(%arg10 : memref<125x128xf32, #tpu.memory_space<vmem>>) target(%dma_start3A_176 : memref<10240x128xf32, #tpu.memory_space<vmem_shared>>) offsets(%dma_start3A_173 : memref<125xi32, #tpu.memory_space<vmem>>) semaphore(%run_scoped3A_170 : memref<!tpu.dma_semaphore, #tpu.memory_space<semaphore_mem>>) {add = true}
        %dma_wait3A_177 = arith.constant 0 : i32
        %dma_wait3A_178 = tpu.memref_slice %arg6[%run_scoped3A, %dma_wait3A_177] : memref<2x125xi32, #tpu.memory_space<vmem>> -> memref<1x125xi32, #tpu.memory_space<vmem>>
        %dma_wait3A_179 = tpu.memref_squeeze %dma_wait3A_178 : memref<1x125xi32, #tpu.memory_space<vmem>> -> memref<125xi32, #tpu.memory_space<vmem>>
        %dma_wait3A_180 = arith.constant 0 : i32
        %dma_wait3A_181 = arith.constant 0 : i32
        %dma_wait3A_182 = tpu.memref_slice %arg12[%dma_wait3A_180, %dma_wait3A_181] : memref<10240x128xf32, #tpu.memory_space<vmem_shared>> -> memref<10240x128xf32, #tpu.memory_space<vmem_shared>>
        tpu.wait_indirect_dma semaphore(%run_scoped3A_170 : memref<!tpu.dma_semaphore, #tpu.memory_space<semaphore_mem>>) src(%arg10 : memref<125x128xf32, #tpu.memory_space<vmem>>) dst(%dma_wait3A_182 : memref<10240x128xf32, #tpu.memory_space<vmem_shared>>)
        tpu.yield
      }) : () -> ()
      %add3A_87 = arith.constant 4 : i32
      %add3A_88 = arith.addi %add3A_79, %add3A_87 : i32
      %lt3A = arith.constant 80 : i32
      %lt3A_89 = arith.cmpi slt, %add3A_88, %lt3A : i32
      %convert_element_type3A = arith.extui %lt3A_89 : i1 to i32
      %cond3A = arith.constant 0 : i32
      %cond3A_90 = arith.cmpi ne, %convert_element_type3A, %cond3A : i32
      scf.if %cond3A_90 {
        %dma_start3A_170 = arith.constant 0 : i32
        %dma_start3A_171 = arith.constant 0 : i32
        %dma_start3A_172 = tpu.memref_slice %arg3[%add3A, %add3A_88, %dma_start3A_170, %dma_start3A_171] : memref<32x80x2x125xi32, #tpu.memory_space<hbm>> -> memref<1x1x2x125xi32, #tpu.memory_space<hbm>>
        %dma_start3A_173 = tpu.memref_squeeze %dma_start3A_172 : memref<1x1x2x125xi32, #tpu.memory_space<hbm>> -> memref<2x125xi32, #tpu.memory_space<hbm>>
        %dma_start3A_174 = arith.constant 0 : i32
        %dma_start3A_175 = arith.constant 0 : i32
        %dma_start3A_176 = tpu.memref_slice %arg3[%add3A, %add3A_88, %dma_start3A_174, %dma_start3A_175] : memref<32x80x2x125xi32, #tpu.memory_space<hbm>> -> memref<1x1x2x125xi32, #tpu.memory_space<hbm>>
        %dma_start3A_177 = tpu.memref_squeeze %dma_start3A_176 : memref<1x1x2x125xi32, #tpu.memory_space<hbm>> -> memref<2x125xi32, #tpu.memory_space<hbm>>
        tpu.enqueue_dma source(%dma_start3A_177 : memref<2x125xi32, #tpu.memory_space<hbm>>) target(%arg6 : memref<2x125xi32, #tpu.memory_space<vmem>>) target_semaphore(%arg13 : memref<!tpu.dma_semaphore, #tpu.memory_space<semaphore_mem>>)
      } else {
      }
      %add3A_91 = arith.constant 2 : i32
      %add3A_92 = arith.addi %add3A_79, %add3A_91 : i32
      %lt3A_93 = arith.constant 80 : i32
      %lt3A_94 = arith.cmpi slt, %add3A_92, %lt3A_93 : i32
      %convert_element_type3A_95 = arith.extui %lt3A_94 : i1 to i32
      %cond3A_96 = arith.constant 0 : i32
      %cond3A_97 = arith.cmpi ne, %convert_element_type3A_95, %cond3A_96 : i32
      scf.if %cond3A_97 {
        %dma_wait3A_170 = arith.constant 0 : i32
        %dma_wait3A_171 = arith.constant 0 : i32
        %dma_wait3A_172 = tpu.memref_slice %arg3[%add3A, %add3A_92, %dma_wait3A_170, %dma_wait3A_171] : memref<32x80x2x125xi32, #tpu.memory_space<hbm>> -> memref<1x1x2x125xi32, #tpu.memory_space<hbm>>
        %dma_wait3A_173 = tpu.memref_squeeze %dma_wait3A_172 : memref<1x1x2x125xi32, #tpu.memory_space<hbm>> -> memref<2x125xi32, #tpu.memory_space<hbm>>
        %dma_wait3A_174 = arith.constant 0 : i32
        %dma_wait3A_175 = arith.constant 0 : i32
        %dma_wait3A_176 = tpu.memref_slice %arg3[%add3A, %add3A_92, %dma_wait3A_174, %dma_wait3A_175] : memref<32x80x2x125xi32, #tpu.memory_space<hbm>> -> memref<1x1x2x125xi32, #tpu.memory_space<hbm>>
        %dma_wait3A_177 = tpu.memref_squeeze %dma_wait3A_176 : memref<1x1x2x125xi32, #tpu.memory_space<hbm>> -> memref<2x125xi32, #tpu.memory_space<hbm>>
        tpu.wait_dma2 semaphore(%arg15 : memref<!tpu.dma_semaphore, #tpu.memory_space<semaphore_mem>>) src(%dma_wait3A_177 : memref<2x125xi32, #tpu.memory_space<hbm>>) dst(%arg8 : memref<2x125xi32, #tpu.memory_space<vmem>>)
        %dma_start3A_178 = arith.constant 0 : i32
        %dma_start3A_179 = arith.constant 0 : i32
        %dma_start3A_180 = tpu.memref_slice %arg8[%dma_start3A_178, %dma_start3A_179] : memref<2x125xi32, #tpu.memory_space<vmem>> -> memref<1x125xi32, #tpu.memory_space<vmem>>
        %dma_start3A_181 = tpu.memref_squeeze %dma_start3A_180 : memref<1x125xi32, #tpu.memory_space<vmem>> -> memref<125xi32, #tpu.memory_space<vmem>>
        %dma_start3A_182 = arith.constant 0 : i32
        %dma_start3A_183 = arith.constant 0 : i32
        %dma_start3A_184 = tpu.memref_slice %arg2[%dma_start3A_182, %dma_start3A_183] : memref<10000x128xf32, #tpu.memory_space<hbm>> -> memref<10000x128xf32, #tpu.memory_space<hbm>>
        tpu.enqueue_indirect_dma source(%dma_start3A_184 : memref<10000x128xf32, #tpu.memory_space<hbm>>) target(%arg10 : memref<125x128xf32, #tpu.memory_space<vmem>>) offsets(%dma_start3A_181 : memref<125xi32, #tpu.memory_space<vmem>>) semaphore(%arg17 : memref<!tpu.dma_semaphore, #tpu.memory_space<semaphore_mem>>)
      } else {
      }
      %add3A_98 = arith.constant 1 : i32
      %add3A_99 = arith.addi %mul3A_77, %add3A_98 : i32
      %dma_wait3A_100 = arith.constant 0 : i32
      %dma_wait3A_101 = arith.constant 0 : i32
      %dma_wait3A_102 = tpu.memref_slice %arg7[%dma_wait3A_100, %dma_wait3A_101] : memref<2x125xi32, #tpu.memory_space<vmem>> -> memref<1x125xi32, #tpu.memory_space<vmem>>
      %dma_wait3A_103 = tpu.memref_squeeze %dma_wait3A_102 : memref<1x125xi32, #tpu.memory_space<vmem>> -> memref<125xi32, #tpu.memory_space<vmem>>
      %dma_wait3A_104 = arith.constant 0 : i32
      %dma_wait3A_105 = arith.constant 0 : i32
      %dma_wait3A_106 = tpu.memref_slice %arg2[%dma_wait3A_104, %dma_wait3A_105] : memref<10000x128xf32, #tpu.memory_space<hbm>> -> memref<10000x128xf32, #tpu.memory_space<hbm>>
      tpu.wait_indirect_dma semaphore(%arg18 : memref<!tpu.dma_semaphore, #tpu.memory_space<semaphore_mem>>) src(%dma_wait3A_106 : memref<10000x128xf32, #tpu.memory_space<hbm>>) dst(%arg11 : memref<125x128xf32, #tpu.memory_space<vmem>>)
      %run_scoped3A_107 = arith.constant 1 : i32
      "tpu.region"() ({
        %run_scoped3A_170 = tpu.sem_alloc : memref<!tpu.dma_semaphore, #tpu.memory_space<semaphore_mem>>
        %dma_start3A_171 = arith.constant 0 : i32
        %dma_start3A_172 = tpu.memref_slice %arg7[%run_scoped3A_107, %dma_start3A_171] : memref<2x125xi32, #tpu.memory_space<vmem>> -> memref<1x125xi32, #tpu.memory_space<vmem>>
        %dma_start3A_173 = tpu.memref_squeeze %dma_start3A_172 : memref<1x125xi32, #tpu.memory_space<vmem>> -> memref<125xi32, #tpu.memory_space<vmem>>
        %dma_start3A_174 = arith.constant 0 : i32
        %dma_start3A_175 = arith.constant 0 : i32
        %dma_start3A_176 = tpu.memref_slice %arg12[%dma_start3A_174, %dma_start3A_175] : memref<10240x128xf32, #tpu.memory_space<vmem_shared>> -> memref<10240x128xf32, #tpu.memory_space<vmem_shared>>
        tpu.enqueue_indirect_dma source(%arg11 : memref<125x128xf32, #tpu.memory_space<vmem>>) target(%dma_start3A_176 : memref<10240x128xf32, #tpu.memory_space<vmem_shared>>) offsets(%dma_start3A_173 : memref<125xi32, #tpu.memory_space<vmem>>) semaphore(%run_scoped3A_170 : memref<!tpu.dma_semaphore, #tpu.memory_space<semaphore_mem>>) {add = true}
        %dma_wait3A_177 = arith.constant 0 : i32
        %dma_wait3A_178 = tpu.memref_slice %arg7[%run_scoped3A_107, %dma_wait3A_177] : memref<2x125xi32, #tpu.memory_space<vmem>> -> memref<1x125xi32, #tpu.memory_space<vmem>>
        %dma_wait3A_179 = tpu.memref_squeeze %dma_wait3A_178 : memref<1x125xi32, #tpu.memory_space<vmem>> -> memref<125xi32, #tpu.memory_space<vmem>>
        %dma_wait3A_180 = arith.constant 0 : i32
        %dma_wait3A_181 = arith.constant 0 : i32
        %dma_wait3A_182 = tpu.memref_slice %arg12[%dma_wait3A_180, %dma_wait3A_181] : memref<10240x128xf32, #tpu.memory_space<vmem_shared>> -> memref<10240x128xf32, #tpu.memory_space<vmem_shared>>
        tpu.wait_indirect_dma semaphore(%run_scoped3A_170 : memref<!tpu.dma_semaphore, #tpu.memory_space<semaphore_mem>>) src(%arg11 : memref<125x128xf32, #tpu.memory_space<vmem>>) dst(%dma_wait3A_182 : memref<10240x128xf32, #tpu.memory_space<vmem_shared>>)
        tpu.yield
      }) : () -> ()
      %add3A_108 = arith.constant 4 : i32
      %add3A_109 = arith.addi %add3A_99, %add3A_108 : i32
      %lt3A_110 = arith.constant 80 : i32
      %lt3A_111 = arith.cmpi slt, %add3A_109, %lt3A_110 : i32
      %convert_element_type3A_112 = arith.extui %lt3A_111 : i1 to i32
      %cond3A_113 = arith.constant 0 : i32
      %cond3A_114 = arith.cmpi ne, %convert_element_type3A_112, %cond3A_113 : i32
      scf.if %cond3A_114 {
        %dma_start3A_170 = arith.constant 0 : i32
        %dma_start3A_171 = arith.constant 0 : i32
        %dma_start3A_172 = tpu.memref_slice %arg3[%add3A, %add3A_109, %dma_start3A_170, %dma_start3A_171] : memref<32x80x2x125xi32, #tpu.memory_space<hbm>> -> memref<1x1x2x125xi32, #tpu.memory_space<hbm>>
        %dma_start3A_173 = tpu.memref_squeeze %dma_start3A_172 : memref<1x1x2x125xi32, #tpu.memory_space<hbm>> -> memref<2x125xi32, #tpu.memory_space<hbm>>
        %dma_start3A_174 = arith.constant 0 : i32
        %dma_start3A_175 = arith.constant 0 : i32
        %dma_start3A_176 = tpu.memref_slice %arg3[%add3A, %add3A_109, %dma_start3A_174, %dma_start3A_175] : memref<32x80x2x125xi32, #tpu.memory_space<hbm>> -> memref<1x1x2x125xi32, #tpu.memory_space<hbm>>
        %dma_start3A_177 = tpu.memref_squeeze %dma_start3A_176 : memref<1x1x2x125xi32, #tpu.memory_space<hbm>> -> memref<2x125xi32, #tpu.memory_space<hbm>>
        tpu.enqueue_dma source(%dma_start3A_177 : memref<2x125xi32, #tpu.memory_space<hbm>>) target(%arg7 : memref<2x125xi32, #tpu.memory_space<vmem>>) target_semaphore(%arg14 : memref<!tpu.dma_semaphore, #tpu.memory_space<semaphore_mem>>)
      } else {
      }
      %add3A_115 = arith.constant 2 : i32
      %add3A_116 = arith.addi %add3A_99, %add3A_115 : i32
      %lt3A_117 = arith.constant 80 : i32
      %lt3A_118 = arith.cmpi slt, %add3A_116, %lt3A_117 : i32
      %convert_element_type3A_119 = arith.extui %lt3A_118 : i1 to i32
      %cond3A_120 = arith.constant 0 : i32
      %cond3A_121 = arith.cmpi ne, %convert_element_type3A_119, %cond3A_120 : i32
      scf.if %cond3A_121 {
        %dma_wait3A_170 = arith.constant 0 : i32
        %dma_wait3A_171 = arith.constant 0 : i32
        %dma_wait3A_172 = tpu.memref_slice %arg3[%add3A, %add3A_116, %dma_wait3A_170, %dma_wait3A_171] : memref<32x80x2x125xi32, #tpu.memory_space<hbm>> -> memref<1x1x2x125xi32, #tpu.memory_space<hbm>>
        %dma_wait3A_173 = tpu.memref_squeeze %dma_wait3A_172 : memref<1x1x2x125xi32, #tpu.memory_space<hbm>> -> memref<2x125xi32, #tpu.memory_space<hbm>>
        %dma_wait3A_174 = arith.constant 0 : i32
        %dma_wait3A_175 = arith.constant 0 : i32
        %dma_wait3A_176 = tpu.memref_slice %arg3[%add3A, %add3A_116, %dma_wait3A_174, %dma_wait3A_175] : memref<32x80x2x125xi32, #tpu.memory_space<hbm>> -> memref<1x1x2x125xi32, #tpu.memory_space<hbm>>
        %dma_wait3A_177 = tpu.memref_squeeze %dma_wait3A_176 : memref<1x1x2x125xi32, #tpu.memory_space<hbm>> -> memref<2x125xi32, #tpu.memory_space<hbm>>
        tpu.wait_dma2 semaphore(%arg16 : memref<!tpu.dma_semaphore, #tpu.memory_space<semaphore_mem>>) src(%dma_wait3A_177 : memref<2x125xi32, #tpu.memory_space<hbm>>) dst(%arg9 : memref<2x125xi32, #tpu.memory_space<vmem>>)
        %dma_start3A_178 = arith.constant 0 : i32
        %dma_start3A_179 = arith.constant 0 : i32
        %dma_start3A_180 = tpu.memref_slice %arg9[%dma_start3A_178, %dma_start3A_179] : memref<2x125xi32, #tpu.memory_space<vmem>> -> memref<1x125xi32, #tpu.memory_space<vmem>>
        %dma_start3A_181 = tpu.memref_squeeze %dma_start3A_180 : memref<1x125xi32, #tpu.memory_space<vmem>> -> memref<125xi32, #tpu.memory_space<vmem>>
        %dma_start3A_182 = arith.constant 0 : i32
        %dma_start3A_183 = arith.constant 0 : i32
        %dma_start3A_184 = tpu.memref_slice %arg2[%dma_start3A_182, %dma_start3A_183] : memref<10000x128xf32, #tpu.memory_space<hbm>> -> memref<10000x128xf32, #tpu.memory_space<hbm>>
        tpu.enqueue_indirect_dma source(%dma_start3A_184 : memref<10000x128xf32, #tpu.memory_space<hbm>>) target(%arg11 : memref<125x128xf32, #tpu.memory_space<vmem>>) offsets(%dma_start3A_181 : memref<125xi32, #tpu.memory_space<vmem>>) semaphore(%arg18 : memref<!tpu.dma_semaphore, #tpu.memory_space<semaphore_mem>>)
      } else {
      }
      %add3A_122 = arith.constant 2 : i32
      %add3A_123 = arith.addi %mul3A_77, %add3A_122 : i32
      %dma_wait3A_124 = arith.constant 0 : i32
      %dma_wait3A_125 = arith.constant 0 : i32
      %dma_wait3A_126 = tpu.memref_slice %arg8[%dma_wait3A_124, %dma_wait3A_125] : memref<2x125xi32, #tpu.memory_space<vmem>> -> memref<1x125xi32, #tpu.memory_space<vmem>>
      %dma_wait3A_127 = tpu.memref_squeeze %dma_wait3A_126 : memref<1x125xi32, #tpu.memory_space<vmem>> -> memref<125xi32, #tpu.memory_space<vmem>>
      %dma_wait3A_128 = arith.constant 0 : i32
      %dma_wait3A_129 = arith.constant 0 : i32
      %dma_wait3A_130 = tpu.memref_slice %arg2[%dma_wait3A_128, %dma_wait3A_129] : memref<10000x128xf32, #tpu.memory_space<hbm>> -> memref<10000x128xf32, #tpu.memory_space<hbm>>
      tpu.wait_indirect_dma semaphore(%arg17 : memref<!tpu.dma_semaphore, #tpu.memory_space<semaphore_mem>>) src(%dma_wait3A_130 : memref<10000x128xf32, #tpu.memory_space<hbm>>) dst(%arg10 : memref<125x128xf32, #tpu.memory_space<vmem>>)
      %run_scoped3A_131 = arith.constant 1 : i32
      "tpu.region"() ({
        %run_scoped3A_170 = tpu.sem_alloc : memref<!tpu.dma_semaphore, #tpu.memory_space<semaphore_mem>>
        %dma_start3A_171 = arith.constant 0 : i32
        %dma_start3A_172 = tpu.memref_slice %arg8[%run_scoped3A_131, %dma_start3A_171] : memref<2x125xi32, #tpu.memory_space<vmem>> -> memref<1x125xi32, #tpu.memory_space<vmem>>
        %dma_start3A_173 = tpu.memref_squeeze %dma_start3A_172 : memref<1x125xi32, #tpu.memory_space<vmem>> -> memref<125xi32, #tpu.memory_space<vmem>>
        %dma_start3A_174 = arith.constant 0 : i32
        %dma_start3A_175 = arith.constant 0 : i32
        %dma_start3A_176 = tpu.memref_slice %arg12[%dma_start3A_174, %dma_start3A_175] : memref<10240x128xf32, #tpu.memory_space<vmem_shared>> -> memref<10240x128xf32, #tpu.memory_space<vmem_shared>>
        tpu.enqueue_indirect_dma source(%arg10 : memref<125x128xf32, #tpu.memory_space<vmem>>) target(%dma_start3A_176 : memref<10240x128xf32, #tpu.memory_space<vmem_shared>>) offsets(%dma_start3A_173 : memref<125xi32, #tpu.memory_space<vmem>>) semaphore(%run_scoped3A_170 : memref<!tpu.dma_semaphore, #tpu.memory_space<semaphore_mem>>) {add = true}
        %dma_wait3A_177 = arith.constant 0 : i32
        %dma_wait3A_178 = tpu.memref_slice %arg8[%run_scoped3A_131, %dma_wait3A_177] : memref<2x125xi32, #tpu.memory_space<vmem>> -> memref<1x125xi32, #tpu.memory_space<vmem>>
        %dma_wait3A_179 = tpu.memref_squeeze %dma_wait3A_178 : memref<1x125xi32, #tpu.memory_space<vmem>> -> memref<125xi32, #tpu.memory_space<vmem>>
        %dma_wait3A_180 = arith.constant 0 : i32
        %dma_wait3A_181 = arith.constant 0 : i32
        %dma_wait3A_182 = tpu.memref_slice %arg12[%dma_wait3A_180, %dma_wait3A_181] : memref<10240x128xf32, #tpu.memory_space<vmem_shared>> -> memref<10240x128xf32, #tpu.memory_space<vmem_shared>>
        tpu.wait_indirect_dma semaphore(%run_scoped3A_170 : memref<!tpu.dma_semaphore, #tpu.memory_space<semaphore_mem>>) src(%arg10 : memref<125x128xf32, #tpu.memory_space<vmem>>) dst(%dma_wait3A_182 : memref<10240x128xf32, #tpu.memory_space<vmem_shared>>)
        tpu.yield
      }) : () -> ()
      %add3A_132 = arith.constant 4 : i32
      %add3A_133 = arith.addi %add3A_123, %add3A_132 : i32
      %lt3A_134 = arith.constant 80 : i32
      %lt3A_135 = arith.cmpi slt, %add3A_133, %lt3A_134 : i32
      %convert_element_type3A_136 = arith.extui %lt3A_135 : i1 to i32
      %cond3A_137 = arith.constant 0 : i32
      %cond3A_138 = arith.cmpi ne, %convert_element_type3A_136, %cond3A_137 : i32
      scf.if %cond3A_138 {
        %dma_start3A_170 = arith.constant 0 : i32
        %dma_start3A_171 = arith.constant 0 : i32
        %dma_start3A_172 = tpu.memref_slice %arg3[%add3A, %add3A_133, %dma_start3A_170, %dma_start3A_171] : memref<32x80x2x125xi32, #tpu.memory_space<hbm>> -> memref<1x1x2x125xi32, #tpu.memory_space<hbm>>
        %dma_start3A_173 = tpu.memref_squeeze %dma_start3A_172 : memref<1x1x2x125xi32, #tpu.memory_space<hbm>> -> memref<2x125xi32, #tpu.memory_space<hbm>>
        %dma_start3A_174 = arith.constant 0 : i32
        %dma_start3A_175 = arith.constant 0 : i32
        %dma_start3A_176 = tpu.memref_slice %arg3[%add3A, %add3A_133, %dma_start3A_174, %dma_start3A_175] : memref<32x80x2x125xi32, #tpu.memory_space<hbm>> -> memref<1x1x2x125xi32, #tpu.memory_space<hbm>>
        %dma_start3A_177 = tpu.memref_squeeze %dma_start3A_176 : memref<1x1x2x125xi32, #tpu.memory_space<hbm>> -> memref<2x125xi32, #tpu.memory_space<hbm>>
        tpu.enqueue_dma source(%dma_start3A_177 : memref<2x125xi32, #tpu.memory_space<hbm>>) target(%arg8 : memref<2x125xi32, #tpu.memory_space<vmem>>) target_semaphore(%arg15 : memref<!tpu.dma_semaphore, #tpu.memory_space<semaphore_mem>>)
      } else {
      }
      %add3A_139 = arith.constant 2 : i32
      %add3A_140 = arith.addi %add3A_123, %add3A_139 : i32
      %lt3A_141 = arith.constant 80 : i32
      %lt3A_142 = arith.cmpi slt, %add3A_140, %lt3A_141 : i32
      %convert_element_type3A_143 = arith.extui %lt3A_142 : i1 to i32
      %cond3A_144 = arith.constant 0 : i32
      %cond3A_145 = arith.cmpi ne, %convert_element_type3A_143, %cond3A_144 : i32
      scf.if %cond3A_145 {
        %dma_wait3A_170 = arith.constant 0 : i32
        %dma_wait3A_171 = arith.constant 0 : i32
        %dma_wait3A_172 = tpu.memref_slice %arg3[%add3A, %add3A_140, %dma_wait3A_170, %dma_wait3A_171] : memref<32x80x2x125xi32, #tpu.memory_space<hbm>> -> memref<1x1x2x125xi32, #tpu.memory_space<hbm>>
        %dma_wait3A_173 = tpu.memref_squeeze %dma_wait3A_172 : memref<1x1x2x125xi32, #tpu.memory_space<hbm>> -> memref<2x125xi32, #tpu.memory_space<hbm>>
        %dma_wait3A_174 = arith.constant 0 : i32
        %dma_wait3A_175 = arith.constant 0 : i32
        %dma_wait3A_176 = tpu.memref_slice %arg3[%add3A, %add3A_140, %dma_wait3A_174, %dma_wait3A_175] : memref<32x80x2x125xi32, #tpu.memory_space<hbm>> -> memref<1x1x2x125xi32, #tpu.memory_space<hbm>>
        %dma_wait3A_177 = tpu.memref_squeeze %dma_wait3A_176 : memref<1x1x2x125xi32, #tpu.memory_space<hbm>> -> memref<2x125xi32, #tpu.memory_space<hbm>>
        tpu.wait_dma2 semaphore(%arg13 : memref<!tpu.dma_semaphore, #tpu.memory_space<semaphore_mem>>) src(%dma_wait3A_177 : memref<2x125xi32, #tpu.memory_space<hbm>>) dst(%arg6 : memref<2x125xi32, #tpu.memory_space<vmem>>)
        %dma_start3A_178 = arith.constant 0 : i32
        %dma_start3A_179 = arith.constant 0 : i32
        %dma_start3A_180 = tpu.memref_slice %arg6[%dma_start3A_178, %dma_start3A_179] : memref<2x125xi32, #tpu.memory_space<vmem>> -> memref<1x125xi32, #tpu.memory_space<vmem>>
        %dma_start3A_181 = tpu.memref_squeeze %dma_start3A_180 : memref<1x125xi32, #tpu.memory_space<vmem>> -> memref<125xi32, #tpu.memory_space<vmem>>
        %dma_start3A_182 = arith.constant 0 : i32
        %dma_start3A_183 = arith.constant 0 : i32
        %dma_start3A_184 = tpu.memref_slice %arg2[%dma_start3A_182, %dma_start3A_183] : memref<10000x128xf32, #tpu.memory_space<hbm>> -> memref<10000x128xf32, #tpu.memory_space<hbm>>
        tpu.enqueue_indirect_dma source(%dma_start3A_184 : memref<10000x128xf32, #tpu.memory_space<hbm>>) target(%arg10 : memref<125x128xf32, #tpu.memory_space<vmem>>) offsets(%dma_start3A_181 : memref<125xi32, #tpu.memory_space<vmem>>) semaphore(%arg17 : memref<!tpu.dma_semaphore, #tpu.memory_space<semaphore_mem>>)
      } else {
      }
      %add3A_146 = arith.constant 3 : i32
      %add3A_147 = arith.addi %mul3A_77, %add3A_146 : i32
      %dma_wait3A_148 = arith.constant 0 : i32
      %dma_wait3A_149 = arith.constant 0 : i32
      %dma_wait3A_150 = tpu.memref_slice %arg9[%dma_wait3A_148, %dma_wait3A_149] : memref<2x125xi32, #tpu.memory_space<vmem>> -> memref<1x125xi32, #tpu.memory_space<vmem>>
      %dma_wait3A_151 = tpu.memref_squeeze %dma_wait3A_150 : memref<1x125xi32, #tpu.memory_space<vmem>> -> memref<125xi32, #tpu.memory_space<vmem>>
      %dma_wait3A_152 = arith.constant 0 : i32
      %dma_wait3A_153 = arith.constant 0 : i32
      %dma_wait3A_154 = tpu.memref_slice %arg2[%dma_wait3A_152, %dma_wait3A_153] : memref<10000x128xf32, #tpu.memory_space<hbm>> -> memref<10000x128xf32, #tpu.memory_space<hbm>>
      tpu.wait_indirect_dma semaphore(%arg18 : memref<!tpu.dma_semaphore, #tpu.memory_space<semaphore_mem>>) src(%dma_wait3A_154 : memref<10000x128xf32, #tpu.memory_space<hbm>>) dst(%arg11 : memref<125x128xf32, #tpu.memory_space<vmem>>)
      %run_scoped3A_155 = arith.constant 1 : i32
      "tpu.region"() ({
        %run_scoped3A_170 = tpu.sem_alloc : memref<!tpu.dma_semaphore, #tpu.memory_space<semaphore_mem>>
        %dma_start3A_171 = arith.constant 0 : i32
        %dma_start3A_172 = tpu.memref_slice %arg9[%run_scoped3A_155, %dma_start3A_171] : memref<2x125xi32, #tpu.memory_space<vmem>> -> memref<1x125xi32, #tpu.memory_space<vmem>>
        %dma_start3A_173 = tpu.memref_squeeze %dma_start3A_172 : memref<1x125xi32, #tpu.memory_space<vmem>> -> memref<125xi32, #tpu.memory_space<vmem>>
        %dma_start3A_174 = arith.constant 0 : i32
        %dma_start3A_175 = arith.constant 0 : i32
        %dma_start3A_176 = tpu.memref_slice %arg12[%dma_start3A_174, %dma_start3A_175] : memref<10240x128xf32, #tpu.memory_space<vmem_shared>> -> memref<10240x128xf32, #tpu.memory_space<vmem_shared>>
        tpu.enqueue_indirect_dma source(%arg11 : memref<125x128xf32, #tpu.memory_space<vmem>>) target(%dma_start3A_176 : memref<10240x128xf32, #tpu.memory_space<vmem_shared>>) offsets(%dma_start3A_173 : memref<125xi32, #tpu.memory_space<vmem>>) semaphore(%run_scoped3A_170 : memref<!tpu.dma_semaphore, #tpu.memory_space<semaphore_mem>>) {add = true}
        %dma_wait3A_177 = arith.constant 0 : i32
        %dma_wait3A_178 = tpu.memref_slice %arg9[%run_scoped3A_155, %dma_wait3A_177] : memref<2x125xi32, #tpu.memory_space<vmem>> -> memref<1x125xi32, #tpu.memory_space<vmem>>
        %dma_wait3A_179 = tpu.memref_squeeze %dma_wait3A_178 : memref<1x125xi32, #tpu.memory_space<vmem>> -> memref<125xi32, #tpu.memory_space<vmem>>
        %dma_wait3A_180 = arith.constant 0 : i32
        %dma_wait3A_181 = arith.constant 0 : i32
        %dma_wait3A_182 = tpu.memref_slice %arg12[%dma_wait3A_180, %dma_wait3A_181] : memref<10240x128xf32, #tpu.memory_space<vmem_shared>> -> memref<10240x128xf32, #tpu.memory_space<vmem_shared>>
        tpu.wait_indirect_dma semaphore(%run_scoped3A_170 : memref<!tpu.dma_semaphore, #tpu.memory_space<semaphore_mem>>) src(%arg11 : memref<125x128xf32, #tpu.memory_space<vmem>>) dst(%dma_wait3A_182 : memref<10240x128xf32, #tpu.memory_space<vmem_shared>>)
        tpu.yield
      }) : () -> ()
      %add3A_156 = arith.constant 4 : i32
      %add3A_157 = arith.addi %add3A_147, %add3A_156 : i32
      %lt3A_158 = arith.constant 80 : i32
      %lt3A_159 = arith.cmpi slt, %add3A_157, %lt3A_158 : i32
      %convert_element_type3A_160 = arith.extui %lt3A_159 : i1 to i32
      %cond3A_161 = arith.constant 0 : i32
      %cond3A_162 = arith.cmpi ne, %convert_element_type3A_160, %cond3A_161 : i32
      scf.if %cond3A_162 {
        %dma_start3A_170 = arith.constant 0 : i32
        %dma_start3A_171 = arith.constant 0 : i32
        %dma_start3A_172 = tpu.memref_slice %arg3[%add3A, %add3A_157, %dma_start3A_170, %dma_start3A_171] : memref<32x80x2x125xi32, #tpu.memory_space<hbm>> -> memref<1x1x2x125xi32, #tpu.memory_space<hbm>>
        %dma_start3A_173 = tpu.memref_squeeze %dma_start3A_172 : memref<1x1x2x125xi32, #tpu.memory_space<hbm>> -> memref<2x125xi32, #tpu.memory_space<hbm>>
        %dma_start3A_174 = arith.constant 0 : i32
        %dma_start3A_175 = arith.constant 0 : i32
        %dma_start3A_176 = tpu.memref_slice %arg3[%add3A, %add3A_157, %dma_start3A_174, %dma_start3A_175] : memref<32x80x2x125xi32, #tpu.memory_space<hbm>> -> memref<1x1x2x125xi32, #tpu.memory_space<hbm>>
        %dma_start3A_177 = tpu.memref_squeeze %dma_start3A_176 : memref<1x1x2x125xi32, #tpu.memory_space<hbm>> -> memref<2x125xi32, #tpu.memory_space<hbm>>
        tpu.enqueue_dma source(%dma_start3A_177 : memref<2x125xi32, #tpu.memory_space<hbm>>) target(%arg9 : memref<2x125xi32, #tpu.memory_space<vmem>>) target_semaphore(%arg16 : memref<!tpu.dma_semaphore, #tpu.memory_space<semaphore_mem>>)
      } else {
      }
      %add3A_163 = arith.constant 2 : i32
      %add3A_164 = arith.addi %add3A_147, %add3A_163 : i32
      %lt3A_165 = arith.constant 80 : i32
      %lt3A_166 = arith.cmpi slt, %add3A_164, %lt3A_165 : i32
      %convert_element_type3A_167 = arith.extui %lt3A_166 : i1 to i32
      %cond3A_168 = arith.constant 0 : i32
      %cond3A_169 = arith.cmpi ne, %convert_element_type3A_167, %cond3A_168 : i32
      scf.if %cond3A_169 {
        %dma_wait3A_170 = arith.constant 0 : i32
        %dma_wait3A_171 = arith.constant 0 : i32
        %dma_wait3A_172 = tpu.memref_slice %arg3[%add3A, %add3A_164, %dma_wait3A_170, %dma_wait3A_171] : memref<32x80x2x125xi32, #tpu.memory_space<hbm>> -> memref<1x1x2x125xi32, #tpu.memory_space<hbm>>
        %dma_wait3A_173 = tpu.memref_squeeze %dma_wait3A_172 : memref<1x1x2x125xi32, #tpu.memory_space<hbm>> -> memref<2x125xi32, #tpu.memory_space<hbm>>
        %dma_wait3A_174 = arith.constant 0 : i32
        %dma_wait3A_175 = arith.constant 0 : i32
        %dma_wait3A_176 = tpu.memref_slice %arg3[%add3A, %add3A_164, %dma_wait3A_174, %dma_wait3A_175] : memref<32x80x2x125xi32, #tpu.memory_space<hbm>> -> memref<1x1x2x125xi32, #tpu.memory_space<hbm>>
        %dma_wait3A_177 = tpu.memref_squeeze %dma_wait3A_176 : memref<1x1x2x125xi32, #tpu.memory_space<hbm>> -> memref<2x125xi32, #tpu.memory_space<hbm>>
        tpu.wait_dma2 semaphore(%arg14 : memref<!tpu.dma_semaphore, #tpu.memory_space<semaphore_mem>>) src(%dma_wait3A_177 : memref<2x125xi32, #tpu.memory_space<hbm>>) dst(%arg7 : memref<2x125xi32, #tpu.memory_space<vmem>>)
        %dma_start3A_178 = arith.constant 0 : i32
        %dma_start3A_179 = arith.constant 0 : i32
        %dma_start3A_180 = tpu.memref_slice %arg7[%dma_start3A_178, %dma_start3A_179] : memref<2x125xi32, #tpu.memory_space<vmem>> -> memref<1x125xi32, #tpu.memory_space<vmem>>
        %dma_start3A_181 = tpu.memref_squeeze %dma_start3A_180 : memref<1x125xi32, #tpu.memory_space<vmem>> -> memref<125xi32, #tpu.memory_space<vmem>>
        %dma_start3A_182 = arith.constant 0 : i32
        %dma_start3A_183 = arith.constant 0 : i32
        %dma_start3A_184 = tpu.memref_slice %arg2[%dma_start3A_182, %dma_start3A_183] : memref<10000x128xf32, #tpu.memory_space<hbm>> -> memref<10000x128xf32, #tpu.memory_space<hbm>>
        tpu.enqueue_indirect_dma source(%dma_start3A_184 : memref<10000x128xf32, #tpu.memory_space<hbm>>) target(%arg11 : memref<125x128xf32, #tpu.memory_space<vmem>>) offsets(%dma_start3A_181 : memref<125xi32, #tpu.memory_space<vmem>>) semaphore(%arg18 : memref<!tpu.dma_semaphore, #tpu.memory_space<semaphore_mem>>)
      } else {
      }
    }
    %scan3A_73 = arith.constant 20 : i32
    %barrier3A_74 = arith.constant 0 : index
    tpu.barrier barrier_id(%barrier3A_74)
    "tpu.region"() ({
      %run_scoped3A = tpu.sem_alloc : memref<!tpu.dma_semaphore, #tpu.memory_space<semaphore_mem>>
      %dma_start3A_75 = arith.constant 0 : i32
      %dma_start3A_76 = tpu.memref_slice %arg5[%arg0, %mul3A_2, %dma_start3A_75] : memref<2x10240x128xf32, #tpu.memory_space<hbm>> -> memref<1x640x128xf32, #tpu.memory_space<hbm>>
      %dma_start3A_77 = tpu.memref_squeeze %dma_start3A_76 : memref<1x640x128xf32, #tpu.memory_space<hbm>> -> memref<640x128xf32, #tpu.memory_space<hbm>>
      %dma_start3A_78 = arith.constant 0 : i32
      %dma_start3A_79 = tpu.memref_slice %arg12[%mul3A_2, %dma_start3A_78] : memref<10240x128xf32, #tpu.memory_space<vmem_shared>> -> memref<640x128xf32, #tpu.memory_space<vmem_shared>>
      tpu.enqueue_dma source(%dma_start3A_79 : memref<640x128xf32, #tpu.memory_space<vmem_shared>>) target(%dma_start3A_77 : memref<640x128xf32, #tpu.memory_space<hbm>>) target_semaphore(%run_scoped3A : memref<!tpu.dma_semaphore, #tpu.memory_space<semaphore_mem>>)
      %dma_wait3A_80 = arith.constant 0 : i32
      %dma_wait3A_81 = tpu.memref_slice %arg5[%arg0, %mul3A_2, %dma_wait3A_80] : memref<2x10240x128xf32, #tpu.memory_space<hbm>> -> memref<1x640x128xf32, #tpu.memory_space<hbm>>
      %dma_wait3A_82 = tpu.memref_squeeze %dma_wait3A_81 : memref<1x640x128xf32, #tpu.memory_space<hbm>> -> memref<640x128xf32, #tpu.memory_space<hbm>>
      %dma_wait3A_83 = arith.constant 0 : i32
      %dma_wait3A_84 = tpu.memref_slice %arg12[%mul3A_2, %dma_wait3A_83] : memref<10240x128xf32, #tpu.memory_space<vmem_shared>> -> memref<640x128xf32, #tpu.memory_space<vmem_shared>>
      tpu.wait_dma2 semaphore(%run_scoped3A : memref<!tpu.dma_semaphore, #tpu.memory_space<semaphore_mem>>) src(%dma_wait3A_84 : memref<640x128xf32, #tpu.memory_space<vmem_shared>>) dst(%dma_wait3A_82 : memref<640x128xf32, #tpu.memory_space<hbm>>)
      tpu.yield
    }) : () -> ()
    return
  }
}

module attributes {stable_mosaic.version = 14 : i64} {
  func.func @_pre_body(%arg0: i32, %arg1: memref<2x2000x128xf32, #tpu.memory_space<vmem>>, %arg2: memref<2000x128xf32, #tpu.memory_space<vmem>>, %arg3: memref<128x128xf32, #tpu.memory_space<vmem>>, %arg4: memref<2000x128xf32, #tpu.memory_space<vmem>>, %arg5: memref<2000x1xf32, #tpu.memory_space<vmem>>) attributes {dimension_semantics = [#tpu.dimension_semantics<arbitrary>], iteration_bounds = array<i64: 5>, scalar_prefetch = 0 : i64, scratch_operands = 0 : i64, tpu.core_type = #tpu.core_type<tc>, window_params = [{transform_indices = @transform_0, window_bounds = array<i64: 2, 2000, 128>}, {transform_indices = @transform_1, window_bounds = array<i64: 2000, 128>}, {pipeline_mode = #tpu.pipeline_mode<synchronous>, transform_indices = @transform_2, window_bounds = array<i64: 128, 128>}, {transform_indices = @transform_3, window_bounds = array<i64: 2000, 128>}, {transform_indices = @transform_4, window_bounds = array<i64: 2000, 1>}]} {
    %get3A = arith.constant 0 : index
    %get3A_0 = arith.constant 0 : index
    %get3A_1 = arith.constant 0 : index
    %get3A_2 = vector.load %arg1[%get3A, %get3A_0, %get3A_1] : memref<2x2000x128xf32, #tpu.memory_space<vmem>>, vector<1x2000x1xf32>
    %get3A_3 = vector.shape_cast %get3A_2 : vector<1x2000x1xf32> to vector<2000x1xf32>
    %get3A_4 = arith.constant 1 : index
    %get3A_5 = arith.constant 0 : index
    %get3A_6 = arith.constant 0 : index
    %get3A_7 = vector.load %arg1[%get3A_4, %get3A_5, %get3A_6] : memref<2x2000x128xf32, #tpu.memory_space<vmem>>, vector<1x2000x1xf32>
    %get3A_8 = vector.shape_cast %get3A_7 : vector<1x2000x1xf32> to vector<2000x1xf32>
    %add3A = arith.addf %get3A_3, %get3A_8 : vector<2000x1xf32>
    %add3A_9 = arith.constant 1.000000e+00 : f32
    %add3A_10 = vector.broadcast %add3A_9 : f32 to vector<2000x1xf32>
    %add3A_11 = arith.addf %add3A, %add3A_10 : vector<2000x1xf32>
    %rsqrt3A = math.rsqrt %add3A_11 : vector<2000x1xf32>
    %swap3A = arith.constant 0 : index
    %swap3A_12 = arith.constant 0 : index
    %swap3A_13 = vector.load %arg5[%swap3A, %swap3A_12] : memref<2000x1xf32, #tpu.memory_space<vmem>>, vector<2000x1xf32>
    tpu.vector_store %arg5[%swap3A, %swap3A_12], %rsqrt3A {strides = array<i32>} : memref<2000x1xf32, #tpu.memory_space<vmem>>, vector<2000x1xf32>,
    %get3A_14 = arith.constant 0 : index
    %get3A_15 = arith.constant 0 : index
    %get3A_16 = vector.load %arg2[%get3A_14, %get3A_15] : memref<2000x128xf32, #tpu.memory_space<vmem>>, vector<2000x128xf32>
    %mul3A = vector.broadcast %rsqrt3A : vector<2000x1xf32> to vector<2000x128xf32>
    %mul3A_17 = arith.mulf %get3A_16, %mul3A : vector<2000x128xf32>
    %get3A_18 = arith.constant 0 : index
    %get3A_19 = arith.constant 0 : index
    %get3A_20 = vector.load %arg3[%get3A_18, %get3A_19] : memref<128x128xf32, #tpu.memory_space<vmem>>, vector<128x128xf32>
    %dot_general3A = arith.constant dense<0.000000e+00> : vector<2000x128xf32>
    %dot_general3A_21 = tpu.matmul %mul3A_17, %get3A_20, %dot_general3A {dimension_numbers = #tpu.dot_dimension_numbers<[1], [0], [0], [1], [0, 0, 1, 1], [], []>, transpose_lhs_hint = false} : vector<2000x128xf32>, vector<128x128xf32>, vector<2000x128xf32> -> vector<2000x128xf32>
    %swap3A_22 = arith.constant 0 : index
    %swap3A_23 = arith.constant 0 : index
    %swap3A_24 = vector.load %arg4[%swap3A_22, %swap3A_23] : memref<2000x128xf32, #tpu.memory_space<vmem>>, vector<2000x128xf32>
    tpu.vector_store %arg4[%swap3A_22, %swap3A_23], %dot_general3A_21 {strides = array<i32>} : memref<2000x128xf32, #tpu.memory_space<vmem>>, vector<2000x128xf32>,
    return
  }
  func.func @transform_0(%arg0: i32) -> (i32, i32, i32) {
    %c0_i32 = arith.constant 0 : i32
    %c0_i32_0 = arith.constant 0 : i32
    %c0_i32_1 = arith.constant 0 : i32
    return %c0_i32, %arg0, %c0_i32_0 : i32, i32, i32
  }
  func.func @transform_1(%arg0: i32) -> (i32, i32) {
    %c0_i32 = arith.constant 0 : i32
    %c0_i32_0 = arith.constant 0 : i32
    return %arg0, %c0_i32 : i32, i32
  }
  func.func @transform_2(%arg0: i32) -> (i32, i32) {
    %c0_i32 = arith.constant 0 : i32
    %c0_i32_0 = arith.constant 0 : i32
    %c0_i32_1 = arith.constant 0 : i32
    return %c0_i32, %c0_i32_0 : i32, i32
  }
  func.func @transform_3(%arg0: i32) -> (i32, i32) {
    %c0_i32 = arith.constant 0 : i32
    %c0_i32_0 = arith.constant 0 : i32
    return %arg0, %c0_i32 : i32, i32
  }
  func.func @transform_4(%arg0: i32) -> (i32, i32) {
    %c0_i32 = arith.constant 0 : i32
    %c0_i32_0 = arith.constant 0 : i32
    return %arg0, %c0_i32 : i32, i32
  }
}

module attributes {stable_mosaic.version = 14 : i64} {
  func.func @_mid_body(%arg0: i32, %arg1: memref<2x2000x128xf32, #tpu.memory_space<vmem>>, %arg2: memref<2000x128xf32, #tpu.memory_space<vmem>>, %arg3: memref<2000x1xf32, #tpu.memory_space<vmem>>, %arg4: memref<1x128xf32, #tpu.memory_space<vmem>>, %arg5: memref<128x128xf32, #tpu.memory_space<vmem>>, %arg6: memref<2000x128xf32, #tpu.memory_space<vmem>>) attributes {dimension_semantics = [#tpu.dimension_semantics<arbitrary>], iteration_bounds = array<i64: 5>, scalar_prefetch = 0 : i64, scratch_operands = 0 : i64, tpu.core_type = #tpu.core_type<tc>, window_params = [{transform_indices = @transform_0, window_bounds = array<i64: 2, 2000, 128>}, {transform_indices = @transform_1, window_bounds = array<i64: 2000, 128>}, {transform_indices = @transform_2, window_bounds = array<i64: 2000, 1>}, {pipeline_mode = #tpu.pipeline_mode<synchronous>, transform_indices = @transform_3, window_bounds = array<i64: 1, 128>}, {pipeline_mode = #tpu.pipeline_mode<synchronous>, transform_indices = @transform_4, window_bounds = array<i64: 128, 128>}, {transform_indices = @transform_5, window_bounds = array<i64: 2000, 128>}]} {
    %get3A = arith.constant 0 : index
    %get3A_0 = arith.constant 0 : index
    %get3A_1 = arith.constant 0 : index
    %get3A_2 = vector.load %arg1[%get3A, %get3A_0, %get3A_1] : memref<2x2000x128xf32, #tpu.memory_space<vmem>>, vector<1x2000x128xf32>
    %get3A_3 = vector.shape_cast %get3A_2 : vector<1x2000x128xf32> to vector<2000x128xf32>
    %get3A_4 = arith.constant 1 : index
    %get3A_5 = arith.constant 0 : index
    %get3A_6 = arith.constant 0 : index
    %get3A_7 = vector.load %arg1[%get3A_4, %get3A_5, %get3A_6] : memref<2x2000x128xf32, #tpu.memory_space<vmem>>, vector<1x2000x128xf32>
    %get3A_8 = vector.shape_cast %get3A_7 : vector<1x2000x128xf32> to vector<2000x128xf32>
    %add3A = arith.addf %get3A_3, %get3A_8 : vector<2000x128xf32>
    %get3A_9 = arith.constant 0 : index
    %get3A_10 = arith.constant 0 : index
    %get3A_11 = vector.load %arg2[%get3A_9, %get3A_10] : memref<2000x128xf32, #tpu.memory_space<vmem>>, vector<2000x128xf32>
    %add3A_12 = arith.addf %add3A, %get3A_11 : vector<2000x128xf32>
    %get3A_13 = arith.constant 0 : index
    %get3A_14 = arith.constant 0 : index
    %get3A_15 = vector.load %arg3[%get3A_13, %get3A_14] : memref<2000x1xf32, #tpu.memory_space<vmem>>, vector<2000x1xf32>
    %mul3A = vector.broadcast %get3A_15 : vector<2000x1xf32> to vector<2000x128xf32>
    %mul3A_16 = arith.mulf %mul3A, %add3A_12 : vector<2000x128xf32>
    %get3A_17 = arith.constant 0 : index
    %get3A_18 = arith.constant 0 : index
    %get3A_19 = vector.load %arg4[%get3A_17, %get3A_18] : memref<1x128xf32, #tpu.memory_space<vmem>>, vector<1x128xf32>
    %add3A_20 = vector.broadcast %get3A_19 : vector<1x128xf32> to vector<2000x128xf32>
    %add3A_21 = arith.addf %mul3A_16, %add3A_20 : vector<2000x128xf32>
    %max3A = arith.constant 0.000000e+00 : f32
    %max3A_22 = vector.broadcast %max3A : f32 to vector<2000x128xf32>
    %max3A_23 = arith.maximumf %add3A_21, %max3A_22 : vector<2000x128xf32>
    %get3A_24 = arith.constant 0 : index
    %get3A_25 = arith.constant 0 : index
    %get3A_26 = vector.load %arg3[%get3A_24, %get3A_25] : memref<2000x1xf32, #tpu.memory_space<vmem>>, vector<2000x1xf32>
    %mul3A_27 = vector.broadcast %get3A_26 : vector<2000x1xf32> to vector<2000x128xf32>
    %mul3A_28 = arith.mulf %mul3A_27, %max3A_23 : vector<2000x128xf32>
    %get3A_29 = arith.constant 0 : index
    %get3A_30 = arith.constant 0 : index
    %get3A_31 = vector.load %arg5[%get3A_29, %get3A_30] : memref<128x128xf32, #tpu.memory_space<vmem>>, vector<128x128xf32>
    %dot_general3A = arith.constant dense<0.000000e+00> : vector<2000x128xf32>
    %dot_general3A_32 = tpu.matmul %mul3A_28, %get3A_31, %dot_general3A {dimension_numbers = #tpu.dot_dimension_numbers<[1], [0], [0], [1], [0, 0, 1, 1], [], []>, transpose_lhs_hint = false} : vector<2000x128xf32>, vector<128x128xf32>, vector<2000x128xf32> -> vector<2000x128xf32>
    %swap3A = arith.constant 0 : index
    %swap3A_33 = arith.constant 0 : index
    %swap3A_34 = vector.load %arg6[%swap3A, %swap3A_33] : memref<2000x128xf32, #tpu.memory_space<vmem>>, vector<2000x128xf32>
    tpu.vector_store %arg6[%swap3A, %swap3A_33], %dot_general3A_32 {strides = array<i32>} : memref<2000x128xf32, #tpu.memory_space<vmem>>, vector<2000x128xf32>,
    return
  }
  func.func @transform_0(%arg0: i32) -> (i32, i32, i32) {
    %c0_i32 = arith.constant 0 : i32
    %c0_i32_0 = arith.constant 0 : i32
    %c0_i32_1 = arith.constant 0 : i32
    return %c0_i32, %arg0, %c0_i32_0 : i32, i32, i32
  }
  func.func @transform_1(%arg0: i32) -> (i32, i32) {
    %c0_i32 = arith.constant 0 : i32
    %c0_i32_0 = arith.constant 0 : i32
    return %arg0, %c0_i32 : i32, i32
  }
  func.func @transform_2(%arg0: i32) -> (i32, i32) {
    %c0_i32 = arith.constant 0 : i32
    %c0_i32_0 = arith.constant 0 : i32
    return %arg0, %c0_i32 : i32, i32
  }
  func.func @transform_3(%arg0: i32) -> (i32, i32) {
    %c0_i32 = arith.constant 0 : i32
    %c0_i32_0 = arith.constant 0 : i32
    %c0_i32_1 = arith.constant 0 : i32
    return %c0_i32, %c0_i32_0 : i32, i32
  }
  func.func @transform_4(%arg0: i32) -> (i32, i32) {
    %c0_i32 = arith.constant 0 : i32
    %c0_i32_0 = arith.constant 0 : i32
    %c0_i32_1 = arith.constant 0 : i32
    return %c0_i32, %c0_i32_0 : i32, i32
  }
  func.func @transform_5(%arg0: i32) -> (i32, i32) {
    %c0_i32 = arith.constant 0 : i32
    %c0_i32_0 = arith.constant 0 : i32
    return %arg0, %c0_i32 : i32, i32
  }
}

module attributes {stable_mosaic.version = 14 : i64} {
  func.func @_final_body(%arg0: i32, %arg1: memref<2x2000x128xf32, #tpu.memory_space<vmem>>, %arg2: memref<2000x128xf32, #tpu.memory_space<vmem>>, %arg3: memref<2000x1xf32, #tpu.memory_space<vmem>>, %arg4: memref<1x128xf32, #tpu.memory_space<vmem>>, %arg5: memref<1x1x2000xi32, #tpu.memory_space<vmem>>, %arg6: memref<16x128xf32, #tpu.memory_space<vmem>>, %arg7: memref<16x128xf32, #tpu.memory_space<vmem>>, %arg8: memref<16x1xf32, #tpu.memory_space<vmem>>) attributes {dimension_semantics = [#tpu.dimension_semantics<arbitrary>], iteration_bounds = array<i64: 5>, scalar_prefetch = 0 : i64, scratch_operands = 2 : i64, tpu.core_type = #tpu.core_type<tc>, window_params = [{transform_indices = @transform_0, window_bounds = array<i64: 2, 2000, 128>}, {transform_indices = @transform_1, window_bounds = array<i64: 2000, 128>}, {transform_indices = @transform_2, window_bounds = array<i64: 2000, 1>}, {pipeline_mode = #tpu.pipeline_mode<synchronous>, transform_indices = @transform_3, window_bounds = array<i64: 1, 128>}, {transform_indices = @transform_4, window_bounds = array<i64: 1, 1, 2000>}, {pipeline_mode = #tpu.pipeline_mode<synchronous>, transform_indices = @transform_5, window_bounds = array<i64: 16, 128>}]} {
    %get3A = arith.constant 0 : index
    %get3A_0 = arith.constant 0 : index
    %get3A_1 = arith.constant 0 : index
    %get3A_2 = vector.load %arg1[%get3A, %get3A_0, %get3A_1] : memref<2x2000x128xf32, #tpu.memory_space<vmem>>, vector<1x2000x128xf32>
    %get3A_3 = vector.shape_cast %get3A_2 : vector<1x2000x128xf32> to vector<2000x128xf32>
    %get3A_4 = arith.constant 1 : index
    %get3A_5 = arith.constant 0 : index
    %get3A_6 = arith.constant 0 : index
    %get3A_7 = vector.load %arg1[%get3A_4, %get3A_5, %get3A_6] : memref<2x2000x128xf32, #tpu.memory_space<vmem>>, vector<1x2000x128xf32>
    %get3A_8 = vector.shape_cast %get3A_7 : vector<1x2000x128xf32> to vector<2000x128xf32>
    %add3A = arith.addf %get3A_3, %get3A_8 : vector<2000x128xf32>
    %get3A_9 = arith.constant 0 : index
    %get3A_10 = arith.constant 0 : index
    %get3A_11 = vector.load %arg2[%get3A_9, %get3A_10] : memref<2000x128xf32, #tpu.memory_space<vmem>>, vector<2000x128xf32>
    %add3A_12 = arith.addf %add3A, %get3A_11 : vector<2000x128xf32>
    %get3A_13 = arith.constant 0 : index
    %get3A_14 = arith.constant 0 : index
    %get3A_15 = vector.load %arg3[%get3A_13, %get3A_14] : memref<2000x1xf32, #tpu.memory_space<vmem>>, vector<2000x1xf32>
    %mul3A = vector.broadcast %get3A_15 : vector<2000x1xf32> to vector<2000x128xf32>
    %mul3A_16 = arith.mulf %mul3A, %add3A_12 : vector<2000x128xf32>
    %get3A_17 = arith.constant 0 : index
    %get3A_18 = arith.constant 0 : index
    %get3A_19 = vector.load %arg4[%get3A_17, %get3A_18] : memref<1x128xf32, #tpu.memory_space<vmem>>, vector<1x128xf32>
    %add3A_20 = vector.broadcast %get3A_19 : vector<1x128xf32> to vector<2000x128xf32>
    %add3A_21 = arith.addf %mul3A_16, %add3A_20 : vector<2000x128xf32>
    %max3A = arith.constant 0.000000e+00 : f32
    %max3A_22 = vector.broadcast %max3A : f32 to vector<2000x128xf32>
    %max3A_23 = arith.maximumf %add3A_21, %max3A_22 : vector<2000x128xf32>
    %get3A_24 = arith.constant 0 : index
    %get3A_25 = arith.constant 0 : index
    %get3A_26 = arith.constant 0 : index
    %get3A_27 = vector.load %arg5[%get3A_24, %get3A_25, %get3A_26] : memref<1x1x2000xi32, #tpu.memory_space<vmem>>, vector<1x1x2000xi32>
    %get3A_28 = vector.shape_cast %get3A_27 : vector<1x1x2000xi32> to vector<2000xi32>
    %broadcast_in_dim3A = vector.shape_cast %get3A_28 : vector<2000xi32> to vector<2000x1xi32>
    %iota3A = tpu.iota {dimensions = array<i32: 1>} : vector<1x16xi32>
    %eq3A = vector.broadcast %broadcast_in_dim3A : vector<2000x1xi32> to vector<2000x16xi32>
    %eq3A_29 = vector.broadcast %iota3A : vector<1x16xi32> to vector<2000x16xi32>
    %eq3A_30 = arith.cmpi eq, %eq3A, %eq3A_29 : vector<2000x16xi32>
    %convert_element_type3A = arith.extui %eq3A_30 : vector<2000x16xi1> to vector<2000x16xi32>
    %convert_element_type3A_31 = arith.sitofp %convert_element_type3A : vector<2000x16xi32> to vector<2000x16xf32>
    %dot_general3A = arith.constant dense<0.000000e+00> : vector<16x128xf32>
    %dot_general3A_32 = tpu.matmul %convert_element_type3A_31, %max3A_23, %dot_general3A {dimension_numbers = #tpu.dot_dimension_numbers<[0], [0], [1], [1], [0, 1, 1, 1], [], []>, transpose_lhs_hint = false} : vector<2000x16xf32>, vector<2000x128xf32>, vector<16x128xf32> -> vector<16x128xf32>
    %reduce_sum3A = arith.constant dense<0.000000e+00> : vector<16xf32>
    %reduce_sum3A_33 = vector.multi_reduction <add>, %convert_element_type3A_31, %reduce_sum3A [0] : vector<2000x16xf32> to vector<16xf32>
    %broadcast_in_dim3A_34 = vector.shape_cast %reduce_sum3A_33 : vector<16xf32> to vector<16x1xf32>
    %eq3A_35 = arith.constant 0 : i32
    %eq3A_36 = arith.cmpi eq, %arg0, %eq3A_35 : i32
    %convert_element_type3A_37 = arith.extui %eq3A_36 : i1 to i32
    %cond3A = arith.constant 0 : i32
    %cond3A_38 = arith.cmpi ne, %convert_element_type3A_37, %cond3A : i32
    scf.if %cond3A_38 {
      %swap3A = arith.constant 0 : index
      %swap3A_48 = arith.constant 0 : index
      %swap3A_49 = vector.load %arg7[%swap3A, %swap3A_48] : memref<16x128xf32, #tpu.memory_space<vmem>>, vector<16x128xf32>
      tpu.vector_store %arg7[%swap3A, %swap3A_48], %dot_general3A_32 {strides = array<i32>} : memref<16x128xf32, #tpu.memory_space<vmem>>, vector<16x128xf32>,
      %swap3A_50 = arith.constant 0 : index
      %swap3A_51 = arith.constant 0 : index
      %swap3A_52 = vector.load %arg8[%swap3A_50, %swap3A_51] : memref<16x1xf32, #tpu.memory_space<vmem>>, vector<16x1xf32>
      tpu.vector_store %arg8[%swap3A_50, %swap3A_51], %broadcast_in_dim3A_34 {strides = array<i32>} : memref<16x1xf32, #tpu.memory_space<vmem>>, vector<16x1xf32>,
    } else {
    }
    %gt3A = arith.constant 0 : i32
    %gt3A_39 = arith.cmpi sgt, %arg0, %gt3A : i32
    %convert_element_type3A_40 = arith.extui %gt3A_39 : i1 to i32
    %cond3A_41 = arith.constant 0 : i32
    %cond3A_42 = arith.cmpi ne, %convert_element_type3A_40, %cond3A_41 : i32
    scf.if %cond3A_42 {
      %get3A_48 = arith.constant 0 : index
      %get3A_49 = arith.constant 0 : index
      %get3A_50 = vector.load %arg7[%get3A_48, %get3A_49] : memref<16x128xf32, #tpu.memory_space<vmem>>, vector<16x128xf32>
      %add3A_51 = arith.addf %get3A_50, %dot_general3A_32 : vector<16x128xf32>
      %swap3A = arith.constant 0 : index
      %swap3A_52 = arith.constant 0 : index
      %swap3A_53 = vector.load %arg7[%swap3A, %swap3A_52] : memref<16x128xf32, #tpu.memory_space<vmem>>, vector<16x128xf32>
      tpu.vector_store %arg7[%swap3A, %swap3A_52], %add3A_51 {strides = array<i32>} : memref<16x128xf32, #tpu.memory_space<vmem>>, vector<16x128xf32>,
      %get3A_54 = arith.constant 0 : index
      %get3A_55 = arith.constant 0 : index
      %get3A_56 = vector.load %arg8[%get3A_54, %get3A_55] : memref<16x1xf32, #tpu.memory_space<vmem>>, vector<16x1xf32>
      %add3A_57 = arith.addf %get3A_56, %broadcast_in_dim3A_34 : vector<16x1xf32>
      %swap3A_58 = arith.constant 0 : index
      %swap3A_59 = arith.constant 0 : index
      %swap3A_60 = vector.load %arg8[%swap3A_58, %swap3A_59] : memref<16x1xf32, #tpu.memory_space<vmem>>, vector<16x1xf32>
      tpu.vector_store %arg8[%swap3A_58, %swap3A_59], %add3A_57 {strides = array<i32>} : memref<16x1xf32, #tpu.memory_space<vmem>>, vector<16x1xf32>,
    } else {
    }
    %eq3A_43 = arith.constant 4 : i32
    %eq3A_44 = arith.cmpi eq, %arg0, %eq3A_43 : i32
    %convert_element_type3A_45 = arith.extui %eq3A_44 : i1 to i32
    %cond3A_46 = arith.constant 0 : i32
    %cond3A_47 = arith.cmpi ne, %convert_element_type3A_45, %cond3A_46 : i32
    scf.if %cond3A_47 {
      %get3A_48 = arith.constant 0 : index
      %get3A_49 = arith.constant 0 : index
      %get3A_50 = vector.load %arg7[%get3A_48, %get3A_49] : memref<16x128xf32, #tpu.memory_space<vmem>>, vector<16x128xf32>
      %get3A_51 = arith.constant 0 : index
      %get3A_52 = arith.constant 0 : index
      %get3A_53 = vector.load %arg8[%get3A_51, %get3A_52] : memref<16x1xf32, #tpu.memory_space<vmem>>, vector<16x1xf32>
      %max3A_54 = arith.constant 1.000000e+00 : f32
      %max3A_55 = vector.broadcast %max3A_54 : f32 to vector<16x1xf32>
      %max3A_56 = arith.maximumf %get3A_53, %max3A_55 : vector<16x1xf32>
      %div3A = vector.broadcast %max3A_56 : vector<16x1xf32> to vector<16x128xf32>
      %div3A_57 = arith.divf %get3A_50, %div3A : vector<16x128xf32>
      %swap3A = arith.constant 0 : index
      %swap3A_58 = arith.constant 0 : index
      %swap3A_59 = vector.load %arg6[%swap3A, %swap3A_58] : memref<16x128xf32, #tpu.memory_space<vmem>>, vector<16x128xf32>
      tpu.vector_store %arg6[%swap3A, %swap3A_58], %div3A_57 {strides = array<i32>} : memref<16x128xf32, #tpu.memory_space<vmem>>, vector<16x128xf32>,
    } else {
    }
    return
  }
  func.func @transform_0(%arg0: i32) -> (i32, i32, i32) {
    %c0_i32 = arith.constant 0 : i32
    %c0_i32_0 = arith.constant 0 : i32
    %c0_i32_1 = arith.constant 0 : i32
    return %c0_i32, %arg0, %c0_i32_0 : i32, i32, i32
  }
  func.func @transform_1(%arg0: i32) -> (i32, i32) {
    %c0_i32 = arith.constant 0 : i32
    %c0_i32_0 = arith.constant 0 : i32
    return %arg0, %c0_i32 : i32, i32
  }
  func.func @transform_2(%arg0: i32) -> (i32, i32) {
    %c0_i32 = arith.constant 0 : i32
    %c0_i32_0 = arith.constant 0 : i32
    return %arg0, %c0_i32 : i32, i32
  }
  func.func @transform_3(%arg0: i32) -> (i32, i32) {
    %c0_i32 = arith.constant 0 : i32
    %c0_i32_0 = arith.constant 0 : i32
    %c0_i32_1 = arith.constant 0 : i32
    return %c0_i32, %c0_i32_0 : i32, i32
  }
  func.func @transform_4(%arg0: i32) -> (i32, i32, i32) {
    %c0_i32 = arith.constant 0 : i32
    %c0_i32_0 = arith.constant 0 : i32
    %c0_i32_1 = arith.constant 0 : i32
    return %arg0, %c0_i32, %c0_i32_0 : i32, i32, i32
  }
  func.func @transform_5(%arg0: i32) -> (i32, i32) {
    %c0_i32 = arith.constant 0 : i32
    %c0_i32_0 = arith.constant 0 : i32
    %c0_i32_1 = arith.constant 0 : i32
    return %c0_i32, %c0_i32_0 : i32, i32
  }
}

</mosaic_0001>

<sc_bundles>
// kernel: kernel.10.cloned.1.call-start
scs
__scs_entry_jumppad:
0x0: {  	(pc) =	sbr.rel $0x88, $3  }
0x1: {  	(tag) =	ssettag $0x0;
	lr =	simm.s32 $0x1  }
0x2: {  	[smem:$0x3F98] =	sst lr;
	_ =	strace $0xD0000000  }
0x3: {  	_ = 	snop  }
0x4: {  	_ = 	snop  }
0x5: {  	_ = 	snop  }
0x6: {  	_ = 	snop  }
0x7: {  	_ = 	snop  }
__scs_overlays_trampoline_lowered:
0x8: {  	[smem:$0x3FA7] =	sst s0  }
0x9: {  	[smem:$0x3FA8] =	sst s1  }
0xa: {  	[smem:$0x3FA9] =	sst s2  }
0xb: {  	[smem:$0x3FAA] =	sst s3  }
0xc: {  	[smem:$0x3FAB] =	sst s4  }
0xd: {  	[smem:$0x3FAC] =	sst s5  }
0xe: {  	[smem:$0x3FAD] =	sst s6  }
0xf: {  	[smem:$0x3FAE] =	sst s7  }
0x10: {  	[smem:$0x3FAF] =	sst s8  }
0x11: {  	[smem:$0x3FB0] =	sst s9;
	s0 =	simm.s32 @!p0 $0x0  }
0x12: {  	s1 =	sld [smem:$0x3F96];
	s0 =	simm.s32 @p0 $0x1  }
0x13: {  	[smem:$0x3FB1] =	sst s0;
	s0 =	simm.s32 @!p1 $0x0  }
0x14: {  	s2 =	sld [smem:$0x3F95];
	s0 =	simm.s32 @p1 $0x1  }
0x15: {  	[smem:$0x3FB2] =	sst s0;
	s0 =	simm.s32 @!p2 $0x0  }
0x16: {  	s3 =	sld [smem:$0x3FDB];
	s0 =	simm.s32 @p2 $0x1  }
0x17: {  	s4 =	simm.s32 $0x1BF5;
	[smem:$0x3FB4] =	sst s0  }
0x18: {  	s0 =	sld [smem:$0x3F97];
	_ =	swait.ge [sflag:s4], $0x0  }
0x19: {  	s7 =	sld [smem:$0x3F98]  }
0x1a: {  	s8 =	sadd.s32 $0xFFFFE003, lr  }
0x1b: {  	s9 =	sadd.s32 $0xFFFFFEF7, lr;
	s5 =	simm.s32 $0xFFFFFFFF;
	p2 =	slt.u32 s8, $0xFFFFF086  }
0x1c: {  	p1 =	slt.u32 s9, $0xF7A;
	s5 =	simm.s32 @!p2 $0x0  }
0x1d: {  	s5 =	simm.s32 @p1 $0x1;
	p0 =	seq.s32 s7, s2  }
0x1e: {  	s7 =	smul.u32 @!p0 $0xF7A, s2;
	p2 =	seq.s32 @!p0 s5, $0x0  }
0x1f: {  	s9 =	smul.u32 $0xF7A, s1;
	s8 =	simm.s32 @!p0 $0x1BF5;
	p2 =	por !p2, p0  }
0x20: {  	[sflag:s8] =	ssyncset.s32 @!p0 $0xFFFFF086;
	s6 =	sadd.s32 @!p0 s3, s7;
	s7 =	simm.s32 @!p0 $0x108  }
0x21: {  	s3 =	sadd.s32 s3, s9;
	s6 =	sadd.s32 @!p0 $0x88, s6;
	s7 =	simm.s32 @p2 $0x1082  }
0x22: {  	[simem:s7], [sflag:s8] =	dma.local @!p0 [hbm:s6], $0xF7A  }
0x23: {  	s9 =	sor.u32 $0xD0000000, s2;
	s6 =	simm.s32 $0x108;
	_ =	swait.ge @!p0 [sflag:s8], $0x0  }
0x24: {  	s3 =	sadd.s32 $0x88, s3;
	s6 =	simm.s32 @!p1 $0x1082;
	[sflag:s4] =	ssyncset.s32 $0xFFFFF086  }
0x25: {  	[simem:s6], [sflag:s4] =	dma.local [hbm:s3], $0xF7A  }
0x26: {  	[smem:$0x3F98] =	sst s1;
	(tag) =	ssettag s2;
	_ =	strace s9  }
0x27: {  	s1 =	sld [smem:$0x3FA8]  }
0x28: {  	s2 =	sld [smem:$0x3FA9]  }
0x29: {  	s4 =	sld [smem:$0x3FAB]  }
0x2a: {  	p0 =	seq.s32 s5, $0x0;
	s5 =	sld [smem:$0x3FAC]  }
0x2b: {  	s6 =	sld [smem:$0x3FAD]  }
0x2c: {  	s7 =	sld [smem:$0x3FAE]  }
0x2d: {  	s3 =	simm.s32 $0x108;
	s8 =	sld [smem:$0x3FAF]  }
0x2e: {  	s3 =	simm.s32 @!p0 $0x1082;
	s9 =	sld [smem:$0x3FB0]  }
0x2f: {  	lr =	sadd.s32 s0, s3;
	s0 =	sld [smem:$0x3FA7]  }
0x30: {  	s3 =	sld [smem:$0x3FAA]  }
0x31: {  	[smem:$0x3FB3] =	sst s10  }
0x32: {  	s10 =	sld [smem:$0x3FB1];
	_ =	sdelay $0x3  }
0x33: {  	p0 =	seq.s32 s10, $0x1;
	s10 =	sld [smem:$0x3FB3];
	_ =	sdelay $0x3  }
0x34: {  	[smem:$0x3FB3] =	sst s10  }
0x35: {  	s10 =	sld [smem:$0x3FB2];
	_ =	sdelay $0x3  }
0x36: {  	p1 =	seq.s32 s10, $0x1;
	s10 =	sld [smem:$0x3FB3];
	_ =	sdelay $0x3  }
0x37: {  	[smem:$0x3FB3] =	sst s10  }
0x38: {  	s10 =	sld [smem:$0x3FB4]  }
0x39: {  	_ = 	snop;
	(pc) =	sbr.ind lr, $3  }
0x3a: {  	_ = 	snop  }
0x3b: {  	_ = 	snop  }
0x3c: {  	p2 =	seq.s32 s10, $0x1;
	s10 =	sld [smem:$0x3FB3]  }
0x3d: {  	_ =	shalt  }
0x3e: {  	_ =	shalt  }
0x3f: {  	_ =	shalt  }
0x40: {  	_ =	shalt  }
0x41: {  	_ =	shalt  }
0x42: {  	_ =	shalt  }
0x43: {  	_ =	shalt  }
0x44: {  	_ =	shalt  }
0x45: {  	_ =	shalt  }
0x46: {  	_ =	shalt  }
0x47: {  	_ =	shalt  }
0x48: {  	_ =	shalt  }
0x49: {  	_ =	shalt  }
0x4a: {  	_ =	shalt  }
0x4b: {  	_ =	shalt  }
0x4c: {  	_ =	shalt  }
0x4d: {  	_ =	shalt  }
0x4e: {  	_ =	shalt  }
0x4f: {  	_ =	shalt  }
0x50: {  	_ =	shalt  }
0x51: {  	_ =	shalt  }
0x52: {  	_ =	shalt  }
0x53: {  	_ =	shalt  }
0x54: {  	_ =	shalt  }
0x55: {  	_ =	shalt  }
0x56: {  	_ =	shalt  }
0x57: {  	_ =	shalt  }
0x58: {  	_ =	shalt  }
0x59: {  	_ =	shalt  }
0x5a: {  	_ =	shalt  }
0x5b: {  	_ =	shalt  }
0x5c: {  	_ =	shalt  }
0x5d: {  	_ =	shalt  }
0x5e: {  	_ =	shalt  }
0x5f: {  	_ =	shalt  }
0x60: {  	_ =	shalt  }
0x61: {  	_ =	shalt  }
0x62: {  	_ =	shalt  }
0x63: {  	_ =	shalt  }
0x64: {  	_ =	shalt  }
0x65: {  	_ =	shalt  }
0x66: {  	_ =	shalt  }
0x67: {  	_ =	shalt  }
0x68: {  	_ =	shalt  }
0x69: {  	_ =	shalt  }
0x6a: {  	_ =	shalt  }
0x6b: {  	_ =	shalt  }
0x6c: {  	_ =	shalt  }
0x6d: {  	_ =	shalt  }
0x6e: {  	_ =	shalt  }
0x6f: {  	_ =	shalt  }
0x70: {  	_ =	shalt  }
0x71: {  	_ =	shalt  }
0x72: {  	_ =	shalt  }
0x73: {  	_ =	shalt  }
0x74: {  	_ =	shalt  }
0x75: {  	_ =	shalt  }
0x76: {  	_ =	shalt  }
0x77: {  	_ =	shalt  }
0x78: {  	_ =	shalt  }
0x79: {  	_ =	shalt  }
0x7a: {  	_ =	shalt  }
0x7b: {  	_ =	shalt  }
0x7c: {  	_ =	shalt  }
0x7d: {  	_ =	shalt  }
0x7e: {  	_ =	shalt  }
0x7f: {  	_ =	shalt  }
0x80: {  	_ =	shalt  }
0x81: {  	_ =	shalt  }
0x82: {  	_ =	shalt  }
0x83: {  	_ =	shalt  }
0x84: {  	_ =	shalt  }
0x85: {  	_ =	shalt  }
0x86: {  	_ =	shalt  }
0x87: {  	_ =	shalt  }
.Lfunc_end0:
.L_simem_size_0:
called_computation_lowered:
.L_overlay_start_0:
0x88: {  	s2 =	sld [smem:$0x3FD9]  }
0x89: {  	s3 =	sld [smem:$0x3FFE];
	_ =	sdelay $0x1  }
0x8a: {  	s1 =	srdreg.scid  }
0x8b: {  	s0 =	sand.u32 $0x1, s1  }
0x8c: {  	s16 =	sshll.u32 s0, $0xA;
	s2 =	sadd.s32 s3, s2  }
0x8d: {  	s2 =	sadd.s32 s2, s16  }
0x8e: {  	[smem:$0x3FBF] =	sst s2  }
0x8f: {  	_ = 	snop  }
0x90: {  	(tm) =	ssettm $0x1  }
0x91: {  	s17 =	sld [smem:$0x3FFB];
	_ =	sdelay $0x3  }
0x92: {  	_ =	strace s17  }
0x93: {  	s2 =	sld [smem:$0x3FFC];
	_ =	sdelay $0x3  }
0x94: {  	_ =	strace s2  }
0x95: {  	s2 =	sld [smem:$0x3FFD];
	_ =	sdelay $0x3  }
0x96: {  	_ =	strace s2  }
0x97: {  	_ =	strace $0x8FFFFFFF  }
0x98: {  	s18 =	sld [smem:$0x3FDB];
	_ =	sdelay $0x1  }
0x99: {  	s19 =	simm.s32 $_scs_section_size  }
0x9a: {  	s4 =	simm.s32 $_size__tile_overlayer_lowered;
	s5 =	simm.s32 $_tile_overlayer_lowered  }
0x9b: {  	s22 =	simm.s32 $0x1BFF;
	s21 =	sshll.u32 s5, $0x1;
	s2 =	sadd.s32 s19, s18  }
0x9c: {  	s6 =	simm.s32 $0x0;
	s20 =	sshll.u32 s4, $0x1;
	s4 =	sadd.s32 s21, s2  }
0x9d: {  	[timem:s6], [sflag:s22] =	dma.local [hbm:s4], s20  }
0x9e: {  	_ =	swait.ge [sflag:s22], s20  }
0x9f: {  	s3 =	ssub.s32 $0x0, s20;
	[sflag:s22] =	ssyncset.done $0x0  }
0xa0: {  	[sflag:s22] =	ssyncadd.s32 s3;
	_ =	sdelay $0x1  }
0xa1: {  	s23 =	simm.s32 $0x1B8B  }
0xa2: {  	_ =	swait.ge [sflag:s23], $0x1  }
0xa3: {  	[sflag:s23] =	ssyncset.done $0x0  }
0xa4: {  	s25 =	simm.s32 $0x1B8E;
	s24 =	sld [smem:$0x3FFE];
	[sflag:s23] =	ssyncadd.s32 $0xFFFFFFFF  }
0xa5: {  	s26 =	simm.s32 $execute0_lowered;
	[smem:$0x3FD2] =	sst s25  }
0xa6: {  	s4 =	sshll.u32 s26, $0x1;
	_ =	strace $0x80000046;
	[dreg:$0x1] =	wrdreg $0xFFFFFFFF  }
0xa7: {  	s28 =	simm.s32 $_size_execute0_lowered;
	s2 =	sadd.s32 s2, s4;
	[dreg:$0x0] =	wrdreg $0x0  }
0xa8: {  	s4 =	sshll.u32 s28, $0x1;
	[dreg:$0x2] =	wrdreg s2  }
0xa9: {  	[dreg:$0x3] =	wrdreg s4  }
0xaa: {  	[dreg:$0x4] =	wrdreg $0xC0  }
0xab: {  	_ =	task [dreg:s6], $0x5FFFF  }
0xac: {  	[dreg:$0x1] =	wrdreg $0xFFFFFFFF  }
0xad: {  	[dreg:$0x0] =	wrdreg $0x60  }
0xae: {  	[dreg:$0x2] =	wrdreg s24  }
0xaf: {  	[dreg:$0x3] =	wrdreg $0x84000  }
0xb0: {  	[dreg:$0x4] =	wrdreg $0x9  }
0xb1: {  	_ =	task.clear_ibuf [dreg:s6], $0x5FFFF;
	_ =	strace $0x90000046  }
0xb2: {  	s29 =	simm.s32 $0x9;
	_ =	strace $0x80000048  }
0xb3: {  	_ =	swait.ge [sflag:s29], $0x1  }
0xb4: {  	[sflag:s29] =	ssyncadd.s32 $0xFFFFFFFF  }
0xb5: {  	_ =	strace $0x90000048  }
0xb6: {  	_ =	sfence  }
0xb7: {  	s30 =	sld [smem:$0x0];
	_ =	sdelay $0x2  }
0xb8: {  	s31 =	sshll.u32 s1, $0xD;
	s1 =	sshrl.u32 s1, $0x2  }
0xb9: {  	s3 =	sand.u32 $0x4000, s31;
	s1 =	sadd.s32 s1, s30  }
0xba: {  	s0 =	sor.u32 s3, s0;
	s1 =	sshll.u32 s1, $0x11  }
0xbb: {  	s0 =	sor.u32 s1, s0  }
0xbc: {  	s0 =	sadd.s32 $0x8F2B, s0  }
0xbd: {  	[sflag:s0] =	ssyncadd.remote.s32 $0x1  }
0xbe: {  	_ =	sfence.sel $0xFFFF  }
0xbf: {  	[dreg:$0x0] =	wrdreg $0xFFFFFFFF;
	(pc) =	sbr.abs _section_cstart, $3  }
0xc0: {  	[dreg:$0x1] =	wrdreg $0xFFFFFFFF  }
0xc1: {  	_ =	task.clear_ibuf [dreg:s6], $0x2FFFF;
	_ =	strace $0x9FFFFFFF  }
0xc2: {  	(tm) =	ssettm $0x7FFFFFFF  }
0xc3: {  	_ =	shalt  }
tec
execute0_lowered:
.L_overlay_start_1:
0x0: {  	(tag) =	ssettag $0x1  }
0x1: {  	s0 =	rddreg [dreg:$0x0]  }
0x2: {  	s2 =	rddreg [dreg:$0x1];
	s3 =	simm.s32 $0x0  }
0x3: {  	s12 =	stileid.u32;
	s1 =	srdreg.scid;
	s28 =	simm.s32 $0x5  }
0x4: {  	s29 =	simm.s32 $0x80;
	s30 =	simm.s32 $0x3;
	s31 =	simm.s32 $0x6  }
0x5: {  	[smem:$0x7FF] =	sst s3;
	s5 =	smul.u32 $0x14000, s12;
	s1 =	sand.u32 $0x1, s1  }
0x6: {  	s4 =	sadd.s32 $0x3F400, s0;
	s8 =	sadd.s32 $0x3400, s0;
	s9 =	smul.u32 $0x50000, s12  }
0x7: {  	s16 =	sshll.u32 s12, $0x1;
	s11 =	smul.u32 $0xA000, s12;
	s18 =	sshll.u32 s12, $0x6  }
0x8: {  	_ =	strace $0x80000047;
	s6 =	smul.u32 $0x140000, s1;
	s17 =	ssub.s32 $0x2, s1  }
0x9: {  	s7 =	sshrl.u32 s5, $0x3;
	s10 =	sshrl.u32 s17, $0x1;
	s9 =	sshrl.u32 s9, $0x2  }
0xa: {  	s7 =	sadd.s32 s7, s0;
	s5 =	sadd.s32 s5, s6;
	s6 =	sor.u32 s1, s16  }
0xb: {  	s9 =	sadd.s32 s9, s2;
	s1 =	smul.u32 $0x5000, s1;
	s5 =	sshrl.u32 s5, $0x3  }
0xc: {  	s6 =	smul.u32 $0x5000, s6;
	s7 =	sadd.s32 $0x17400, s7;
	s0 =	sadd.s32 s5, s0  }
0xd: {  	s5 =	ssub.s32 s17, s10;
	[dreg:$0x3] =	wrdreg s7;
	s1 =	sadd.s32 s1, s11  }
0xe: {  	s17 =	sshrl.u32 s9, $0x3;
	s9 =	simm.s32 $0x0;
	s19 =	sshrl.u32 s6, $0x3  }
0xf: {  	s6 =	sor.u32 $0x1C07, s18;
	s22 =	sor.u32 $0x700, s1;
	s0 =	sadd.s32 $0x66600, s0  }
0x10: {  	s5 =	smax.u32 s5, $0x1;
	s24 =	sor.u32 $0x600, s1;
	s25 =	sor.u32 $0x500, s1  }
0x11: {  	s1 =	sor.u32 $0x400, s1;
	s18 =	simm.s32 $0x7;
	[dreg:$0x8] =	wrdreg s0  }
0x12: {  	s20 =	sadd.s32 s8, s19;
	s23 =	sshrl.u32 s22, $0x3;
	[dreg:$0x9] =	wrdreg s5  }
0x13: {  	s0 =	sshrl.u32 s24, $0x3;
	s26 =	sshrl.u32 s25, $0x3;
	s1 =	sshrl.u32 s1, $0x3  }
0x14: {  	s19 =	simm.s32 $0x100;
	s22 =	simm.s32 $0x1;
	s24 =	simm.s32 $0x400  }
0x15: {  	s25 =	simm.s32 $0x2;
	s5 =	simm.s32 $0x280;
	s10 =	sadd.s32 $0x20, s20  }
0x16: {  	s21 =	sadd.s32 $0x40, s20;
	[dreg:$0x4] =	wrdreg s20;
	s7 =	sadd.s32 $0x60, s20  }
.Ltmp0:
0x17: {  	s13 =	sadd.s32 s23, s8;
	s14 =	sadd.s32 s0, s8;
	(pc) =	sbr.rel .LBB2_1-.Ltmp0, $4  }
0x18: {  	s15 =	sadd.s32 s26, s8;
	s16 =	sadd.s32 s1, s8;
	s20 =	simm.s32 $0x200  }
0x19: {  	s23 =	simm.s32 $0x7D;
	s26 =	simm.s32 $0x4400;
	[dreg:$0x5] =	wrdreg s10  }
0x1a: {  	s0 =	simm.s32 $0x180;
	s1 =	simm.s32 $0x4;
	[dreg:$0x6] =	wrdreg s21  }
0x1b: {  	s8 =	simm.s32 $0x380;
	[dreg:$0x7] =	wrdreg s7;
	s21 =	simm.s32 $0x300  }
.LBB2_4:
0x1c: {  	_ =	swait.ge [sflag:s31], $0x3E80  }
0x1d: {  	[sflag:s31] =	ssyncset.done $0x0  }
0x1e: {  	[sflag:s31] =	ssyncadd.s32 $0xFFFFC180  }
0x1f: {  	[spmem:s2] =	stream.indirect.scatter.add.f32 [tilespmem:s26], [sflag:$0x7], $0x80, s8, s23, $0xb8;
	[tilespmem:$0x1C400] =	vst v63  }
0x20: {  	_ =	swait.ge [sflag:s18], $0x3E80  }
0x21: {  	[sflag:s18] =	ssyncset.done $0x0  }
0x22: {  	[sflag:s18] =	ssyncadd.s32 $0xFFFFC180  }
0x23: {  	[bflag:$0x0] =	sbarrier.arrive $0xFFFF  }
0x24: {  	s7 =	rddreg [dreg:$0x8]  }
0x25: {  	[hbm:s7], [sflag:s6] =	dma.local [spmem:s17], $0x2800  }
0x26: {  	_ =	swait.ge [sflag:s18], $0x2800  }
0x27: {  	s9 =	sadd.s32 $0x1, s9;
	s12 =	rddreg [dreg:$0x9]  }
0x28: {  	p0 =	sne.s32 s9, s12  }
.Ltmp1:
0x29: {  	_ = 	snop;
	(pc) =	sbr.rel @!p0 .LBB2_5-.Ltmp1, $3  }
0x2a: {  	_ =	sdelay $0x1  }
0x2b: {  	[sflag:s18] =	ssyncset.done $0x0  }
0x2c: {  	[sflag:s18] =	ssyncadd.s32 $0xFFFFD800  }
.LBB2_1:
0x2d: {  	s7 =	rddreg [dreg:$0x3]  }
0x2e: {  	[spmem:s17], [sflag:s6] =	dma.local [hbm:s7], $0x2800  }
0x2f: {  	_ =	swait.ge [sflag:s18], $0x2800  }
0x30: {  	[sflag:s18] =	ssyncset.done $0x0  }
0x31: {  	s12 =	rddreg [dreg:$0x4];
	[sflag:s18] =	ssyncadd.s32 $0xFFFFD800  }
0x32: {  	[tilespmem:s3], [sflag:$0x1] =	stream.linear.gather [hbm4b:s12+s3], $0x100, $0x38;
	[tilespmem:$0x1C400] =	vst v63  }
0x33: {  	s10 =	rddreg [dreg:$0x5]  }
0x34: {  	[tilespmem:s19], [sflag:$0x2] =	stream.linear.gather [hbm4b:s10+s3], $0x100, $0x38;
	[tilespmem:$0x1C400] =	vst v63  }
0x35: {  	s11 =	rddreg [dreg:$0x6]  }
0x36: {  	[tilespmem:s20], [sflag:$0x3] =	stream.linear.gather [hbm4b:s11+s3], $0x100, $0x38;
	[tilespmem:$0x1C400] =	vst v63  }
0x37: {  	s12 =	rddreg [dreg:$0x7]  }
0x38: {  	[tilespmem:s21], [sflag:$0x4] =	stream.linear.gather [hbm4b:s12+s3], $0x100, $0x38;
	[tilespmem:$0x1C400] =	vst v63  }
0x39: {  	_ =	swait.ge [sflag:s22], $0x100  }
0x3a: {  	[sflag:s22] =	ssyncset.done $0x0  }
0x3b: {  	[sflag:s22] =	ssyncadd.s32 $0xFFFFFF00  }
0x3c: {  	[tilespmem:s24], [sflag:$0x5] =	stream.indirect.gather [hbm4b:s4+s23], $0x80, s3, s23, $0xb8;
	[tilespmem:$0x1C400] =	vst v63  }
0x3d: {  	_ =	swait.ge [sflag:s25], $0x100  }
0x3e: {  	[sflag:s25] =	ssyncset.done $0x0  }
0x3f: {  	[sflag:s25] =	ssyncadd.s32 $0xFFFFFF00  }
0x40: {  	[tilespmem:s26], [sflag:$0x6] =	stream.indirect.gather [hbm4b:s4+s23], $0x80, s19, s23, $0xb8;
	[tilespmem:$0x1C400] =	vst v63  }
0x41: {  	s10 =	simm.s32 $0x0;
	[bflag:$0x0] =	sbarrier.arrive $0xFFFF  }
.LBB2_2:
0x42: {  	_ =	swait.ge [sflag:s28], $0x3E80  }
0x43: {  	[sflag:s28] =	ssyncset.done $0x0  }
0x44: {  	[sflag:s28] =	ssyncadd.s32 $0xFFFFC180  }
0x45: {  	[spmem:s2] =	stream.indirect.scatter.add.f32 [tilespmem:s24], [sflag:$0x7], $0x80, s29, s23, $0xb8;
	[tilespmem:$0x1C400] =	vst v63  }
0x46: {  	_ =	swait.ge [sflag:s18], $0x3E80  }
0x47: {  	p0 =	seq.s32 s10, $0x980;
	[sflag:s18] =	ssyncset.done $0x0  }
0x48: {  	s11 =	sadd.s32 @!p0 s10, s16;
	s12 =	simm.s32 @!p0 $0x0;
	[sflag:s18] =	ssyncadd.s32 $0xFFFFC180  }
0x49: {  	[tilespmem:s12], [sflag:$0x1] =	stream.linear.gather @!p0 [hbm4b:s11+s12], $0x100, $0x38;
	[tilespmem:$0x1C400] =	vst v63  }
0x4a: {  	_ =	swait.ge [sflag:s30], $0x100  }
0x4b: {  	[sflag:s30] =	ssyncset.done $0x0  }
0x4c: {  	[sflag:s30] =	ssyncadd.s32 $0xFFFFFF00  }
0x4d: {  	[tilespmem:s24], [sflag:$0x5] =	stream.indirect.gather [hbm4b:s4+s23], $0x80, s20, s23, $0xb8;
	[tilespmem:$0x1C400] =	vst v63  }
0x4e: {  	_ =	swait.ge [sflag:s31], $0x3E80  }
0x4f: {  	[sflag:s31] =	ssyncset.done $0x0  }
0x50: {  	[sflag:s31] =	ssyncadd.s32 $0xFFFFC180  }
0x51: {  	[spmem:s2] =	stream.indirect.scatter.add.f32 [tilespmem:s26], [sflag:$0x7], $0x80, s0, s23, $0xb8;
	[tilespmem:$0x1C400] =	vst v63  }
0x52: {  	_ =	swait.ge [sflag:s18], $0x3E80  }
0x53: {  	[sflag:s18] =	ssyncset.done $0x0  }
0x54: {  	s7 =	simm.s32 @!p0 $0x100;
	s11 =	sadd.s32 @!p0 s10, s15;
	[sflag:s18] =	ssyncadd.s32 $0xFFFFC180  }
0x55: {  	[tilespmem:s7], [sflag:$0x2] =	stream.linear.gather @!p0 [hbm4b:s11+s12], $0x100, $0x38;
	[tilespmem:$0x1C400] =	vst v63  }
0x56: {  	_ =	swait.ge [sflag:s1], $0x100  }
0x57: {  	[sflag:s1] =	ssyncset.done $0x0  }
0x58: {  	[sflag:s1] =	ssyncadd.s32 $0xFFFFFF00  }
0x59: {  	[tilespmem:s26], [sflag:$0x6] =	stream.indirect.gather [hbm4b:s4+s23], $0x80, s21, s23, $0xb8;
	[tilespmem:$0x1C400] =	vst v63  }
0x5a: {  	_ =	swait.ge [sflag:s28], $0x3E80  }
0x5b: {  	[sflag:s28] =	ssyncset.done $0x0  }
.Ltmp2:
0x5c: {  	[sflag:s28] =	ssyncadd.s32 $0xFFFFC180;
	(pc) =	sbr.rel @p0 .LBB2_4-.Ltmp2, $4  }
0x5d: {  	[spmem:s2] =	stream.indirect.scatter.add.f32 [tilespmem:s24], [sflag:$0x7], $0x80, s5, s23, $0xb8;
	[tilespmem:$0x1C400] =	vst v63  }
0x5e: {  	_ =	swait.ge [sflag:s18], $0x3E80  }
0x5f: {  	[sflag:s18] =	ssyncset.done $0x0  }
0x60: {  	[sflag:s18] =	ssyncadd.s32 $0xFFFFC180  }
0x61: {  	s7 =	sadd.s32 s10, s14  }
0x62: {  	[tilespmem:s20], [sflag:$0x3] =	stream.linear.gather [hbm4b:s7+s3], $0x100, $0x38;
	[tilespmem:$0x1C400] =	vst v63  }
0x63: {  	_ =	swait.ge [sflag:s22], $0x100  }
0x64: {  	[sflag:s22] =	ssyncset.done $0x0  }
0x65: {  	[sflag:s22] =	ssyncadd.s32 $0xFFFFFF00  }
0x66: {  	[tilespmem:s24], [sflag:$0x5] =	stream.indirect.gather [hbm4b:s4+s23], $0x80, s3, s23, $0xb8;
	[tilespmem:$0x1C400] =	vst v63  }
0x67: {  	_ =	swait.ge [sflag:s31], $0x3E80  }
0x68: {  	[sflag:s31] =	ssyncset.done $0x0  }
0x69: {  	[sflag:s31] =	ssyncadd.s32 $0xFFFFC180  }
0x6a: {  	[spmem:s2] =	stream.indirect.scatter.add.f32 [tilespmem:s26], [sflag:$0x7], $0x80, s8, s23, $0xb8;
	[tilespmem:$0x1C400] =	vst v63  }
0x6b: {  	_ =	swait.ge [sflag:s18], $0x3E80  }
0x6c: {  	[sflag:s18] =	ssyncset.done $0x0  }
0x6d: {  	s12 =	sadd.s32 s10, s13;
	[sflag:s18] =	ssyncadd.s32 $0xFFFFC180  }
0x6e: {  	[tilespmem:s21], [sflag:$0x4] =	stream.linear.gather [hbm4b:s12+s3], $0x100, $0x38;
	[tilespmem:$0x1C400] =	vst v63  }
.Ltmp3:
0x6f: {  	_ = 	snop;
	(pc) =	sbr.rel .LBB2_2-.Ltmp3, $4  }
0x70: {  	_ =	swait.ge [sflag:s25], $0x100  }
0x71: {  	[sflag:s25] =	ssyncset.done $0x0  }
0x72: {  	s10 =	sadd.s32 $0x80, s10;
	[sflag:s25] =	ssyncadd.s32 $0xFFFFFF00  }
0x73: {  	[tilespmem:s26], [sflag:$0x6] =	stream.indirect.gather [hbm4b:s4+s23], $0x80, s19, s23, $0xb8;
	[tilespmem:$0x1C400] =	vst v63  }
.LBB2_5:
0x74: {  	_ =	sfence.sel $0x180000  }
0x75: {  	[bflag:$0x0] =	sbarrier.arrive $0xFFFF  }
0x76: {  	_ =	strace $0x90000047  }
0x77: {  	s0 =	stileid.u32;
	[bflag:$0x2] =	sbarrier.arrive $0xFFFF  }
0x78: {  	p0 =	sne.s32 s0, $0x0;
	s0 =	rddreg [dreg:$0x2]  }
0x79: {  	s0 =	sadd.s32 @!p0 $0x100000, s0  }
0x7a: {  	[sflag:s0] =	ssyncadd.tile.s32 @!p0 $0x1;
	_ =	shalt  }
.Lfunc_end2:
_tile_overlayer_lowered:
.L_overlay_start_2:
0x7b: {  	(tag) =	ssettag $0x2  }
0x7c: {  	s0 =	rddreg [dreg:$0x0];
	s2 =	stileid.u32  }
0x7d: {  	s1 =	rddreg [dreg:$0x1];
	p0 =	sne.s32 s2, $0x0  }
0x7e: {  	s3 =	rddreg [dreg:$0x2];
	[bflag:$0x3] =	sbarrier.arrive $0xFFFF;
	s2 =	simm.s32 @!p0 $0x1C07  }
0x7f: {  	[timem:s3], [sflag:s2] =	dma.local @!p0 [hbm:s0], s1  }
0x80: {  	s0 =	simm.s32 @!p0 $0x7  }
0x81: {  	_ =	swait.ge @!p0 [sflag:s0], s1  }
0x82: {  	s1 =	ssub.s32 @!p0 $0x0, s1;
	[sflag:s0] =	ssyncset.done @!p0 $0x0  }
0x83: {  	[sflag:s0] =	ssyncadd.s32 @!p0 s1  }
0x84: {  	[bflag:$0x3] =	sbarrier.arrive $0xFFFF  }
0x85: {  	_ =	shalt  }

// kernel: kernel.13.cloned.1.call-start
scs
__scs_entry_jumppad:
0x0: {  	(pc) =	sbr.rel $0x88, $3  }
0x1: {  	(tag) =	ssettag $0x0;
	lr =	simm.s32 $0x1  }
0x2: {  	[smem:$0x3F98] =	sst lr;
	_ =	strace $0xD0000000  }
0x3: {  	_ = 	snop  }
0x4: {  	_ = 	snop  }
0x5: {  	_ = 	snop  }
0x6: {  	_ = 	snop  }
0x7: {  	_ = 	snop  }
__scs_overlays_trampoline_lowered:
0x8: {  	[smem:$0x3FA7] =	sst s0  }
0x9: {  	[smem:$0x3FA8] =	sst s1  }
0xa: {  	[smem:$0x3FA9] =	sst s2  }
0xb: {  	[smem:$0x3FAA] =	sst s3  }
0xc: {  	[smem:$0x3FAB] =	sst s4  }
0xd: {  	[smem:$0x3FAC] =	sst s5  }
0xe: {  	[smem:$0x3FAD] =	sst s6  }
0xf: {  	[smem:$0x3FAE] =	sst s7  }
0x10: {  	[smem:$0x3FAF] =	sst s8  }
0x11: {  	[smem:$0x3FB0] =	sst s9;
	s0 =	simm.s32 @!p0 $0x0  }
0x12: {  	s1 =	sld [smem:$0x3F96];
	s0 =	simm.s32 @p0 $0x1  }
0x13: {  	[smem:$0x3FB1] =	sst s0;
	s0 =	simm.s32 @!p1 $0x0  }
0x14: {  	s2 =	sld [smem:$0x3F95];
	s0 =	simm.s32 @p1 $0x1  }
0x15: {  	[smem:$0x3FB2] =	sst s0;
	s0 =	simm.s32 @!p2 $0x0  }
0x16: {  	s3 =	sld [smem:$0x3FDB];
	s0 =	simm.s32 @p2 $0x1  }
0x17: {  	s4 =	simm.s32 $0x1BF5;
	[smem:$0x3FB4] =	sst s0  }
0x18: {  	s0 =	sld [smem:$0x3F97];
	_ =	swait.ge [sflag:s4], $0x0  }
0x19: {  	s7 =	sld [smem:$0x3F98]  }
0x1a: {  	s8 =	sadd.s32 $0xFFFFE003, lr  }
0x1b: {  	s9 =	sadd.s32 $0xFFFFFEF7, lr;
	s5 =	simm.s32 $0xFFFFFFFF;
	p2 =	slt.u32 s8, $0xFFFFF086  }
0x1c: {  	p1 =	slt.u32 s9, $0xF7A;
	s5 =	simm.s32 @!p2 $0x0  }
0x1d: {  	s5 =	simm.s32 @p1 $0x1;
	p0 =	seq.s32 s7, s2  }
0x1e: {  	s7 =	smul.u32 @!p0 $0xF7A, s2;
	p2 =	seq.s32 @!p0 s5, $0x0  }
0x1f: {  	s9 =	smul.u32 $0xF7A, s1;
	s8 =	simm.s32 @!p0 $0x1BF5;
	p2 =	por !p2, p0  }
0x20: {  	[sflag:s8] =	ssyncset.s32 @!p0 $0xFFFFF086;
	s6 =	sadd.s32 @!p0 s3, s7;
	s7 =	simm.s32 @!p0 $0x108  }
0x21: {  	s3 =	sadd.s32 s3, s9;
	s6 =	sadd.s32 @!p0 $0x88, s6;
	s7 =	simm.s32 @p2 $0x1082  }
0x22: {  	[simem:s7], [sflag:s8] =	dma.local @!p0 [hbm:s6], $0xF7A  }
0x23: {  	s9 =	sor.u32 $0xD0000000, s2;
	s6 =	simm.s32 $0x108;
	_ =	swait.ge @!p0 [sflag:s8], $0x0  }
0x24: {  	s3 =	sadd.s32 $0x88, s3;
	s6 =	simm.s32 @!p1 $0x1082;
	[sflag:s4] =	ssyncset.s32 $0xFFFFF086  }
0x25: {  	[simem:s6], [sflag:s4] =	dma.local [hbm:s3], $0xF7A  }
0x26: {  	[smem:$0x3F98] =	sst s1;
	(tag) =	ssettag s2;
	_ =	strace s9  }
0x27: {  	s1 =	sld [smem:$0x3FA8]  }
0x28: {  	s2 =	sld [smem:$0x3FA9]  }
0x29: {  	s4 =	sld [smem:$0x3FAB]  }
0x2a: {  	p0 =	seq.s32 s5, $0x0;
	s5 =	sld [smem:$0x3FAC]  }
0x2b: {  	s6 =	sld [smem:$0x3FAD]  }
0x2c: {  	s7 =	sld [smem:$0x3FAE]  }
0x2d: {  	s3 =	simm.s32 $0x108;
	s8 =	sld [smem:$0x3FAF]  }
0x2e: {  	s3 =	simm.s32 @!p0 $0x1082;
	s9 =	sld [smem:$0x3FB0]  }
0x2f: {  	lr =	sadd.s32 s0, s3;
	s0 =	sld [smem:$0x3FA7]  }
0x30: {  	s3 =	sld [smem:$0x3FAA]  }
0x31: {  	[smem:$0x3FB3] =	sst s10  }
0x32: {  	s10 =	sld [smem:$0x3FB1];
	_ =	sdelay $0x3  }
0x33: {  	p0 =	seq.s32 s10, $0x1;
	s10 =	sld [smem:$0x3FB3];
	_ =	sdelay $0x3  }
0x34: {  	[smem:$0x3FB3] =	sst s10  }
0x35: {  	s10 =	sld [smem:$0x3FB2];
	_ =	sdelay $0x3  }
0x36: {  	p1 =	seq.s32 s10, $0x1;
	s10 =	sld [smem:$0x3FB3];
	_ =	sdelay $0x3  }
0x37: {  	[smem:$0x3FB3] =	sst s10  }
0x38: {  	s10 =	sld [smem:$0x3FB4]  }
0x39: {  	_ = 	snop;
	(pc) =	sbr.ind lr, $3  }
0x3a: {  	_ = 	snop  }
0x3b: {  	_ = 	snop  }
0x3c: {  	p2 =	seq.s32 s10, $0x1;
	s10 =	sld [smem:$0x3FB3]  }
0x3d: {  	_ =	shalt  }
0x3e: {  	_ =	shalt  }
0x3f: {  	_ =	shalt  }
0x40: {  	_ =	shalt  }
0x41: {  	_ =	shalt  }
0x42: {  	_ =	shalt  }
0x43: {  	_ =	shalt  }
0x44: {  	_ =	shalt  }
0x45: {  	_ =	shalt  }
0x46: {  	_ =	shalt  }
0x47: {  	_ =	shalt  }
0x48: {  	_ =	shalt  }
0x49: {  	_ =	shalt  }
0x4a: {  	_ =	shalt  }
0x4b: {  	_ =	shalt  }
0x4c: {  	_ =	shalt  }
0x4d: {  	_ =	shalt  }
0x4e: {  	_ =	shalt  }
0x4f: {  	_ =	shalt  }
0x50: {  	_ =	shalt  }
0x51: {  	_ =	shalt  }
0x52: {  	_ =	shalt  }
0x53: {  	_ =	shalt  }
0x54: {  	_ =	shalt  }
0x55: {  	_ =	shalt  }
0x56: {  	_ =	shalt  }
0x57: {  	_ =	shalt  }
0x58: {  	_ =	shalt  }
0x59: {  	_ =	shalt  }
0x5a: {  	_ =	shalt  }
0x5b: {  	_ =	shalt  }
0x5c: {  	_ =	shalt  }
0x5d: {  	_ =	shalt  }
0x5e: {  	_ =	shalt  }
0x5f: {  	_ =	shalt  }
0x60: {  	_ =	shalt  }
0x61: {  	_ =	shalt  }
0x62: {  	_ =	shalt  }
0x63: {  	_ =	shalt  }
0x64: {  	_ =	shalt  }
0x65: {  	_ =	shalt  }
0x66: {  	_ =	shalt  }
0x67: {  	_ =	shalt  }
0x68: {  	_ =	shalt  }
0x69: {  	_ =	shalt  }
0x6a: {  	_ =	shalt  }
0x6b: {  	_ =	shalt  }
0x6c: {  	_ =	shalt  }
0x6d: {  	_ =	shalt  }
0x6e: {  	_ =	shalt  }
0x6f: {  	_ =	shalt  }
0x70: {  	_ =	shalt  }
0x71: {  	_ =	shalt  }
0x72: {  	_ =	shalt  }
0x73: {  	_ =	shalt  }
0x74: {  	_ =	shalt  }
0x75: {  	_ =	shalt  }
0x76: {  	_ =	shalt  }
0x77: {  	_ =	shalt  }
0x78: {  	_ =	shalt  }
0x79: {  	_ =	shalt  }
0x7a: {  	_ =	shalt  }
0x7b: {  	_ =	shalt  }
0x7c: {  	_ =	shalt  }
0x7d: {  	_ =	shalt  }
0x7e: {  	_ =	shalt  }
0x7f: {  	_ =	shalt  }
0x80: {  	_ =	shalt  }
0x81: {  	_ =	shalt  }
0x82: {  	_ =	shalt  }
0x83: {  	_ =	shalt  }
0x84: {  	_ =	shalt  }
0x85: {  	_ =	shalt  }
0x86: {  	_ =	shalt  }
0x87: {  	_ =	shalt  }
.Lfunc_end0:
.L_simem_size_0:
called_computation.1_lowered:
.L_overlay_start_0:
0x88: {  	s2 =	sld [smem:$0x3FD9]  }
0x89: {  	s3 =	sld [smem:$0x3FFE];
	_ =	sdelay $0x1  }
0x8a: {  	s1 =	srdreg.scid  }
0x8b: {  	s0 =	sand.u32 $0x1, s1  }
0x8c: {  	s16 =	sshll.u32 s0, $0xA;
	s2 =	sadd.s32 s3, s2  }
0x8d: {  	s2 =	sadd.s32 s2, s16  }
0x8e: {  	[smem:$0x3FBF] =	sst s2  }
0x8f: {  	_ = 	snop  }
0x90: {  	(tm) =	ssettm $0x1  }
0x91: {  	s17 =	sld [smem:$0x3FFB];
	_ =	sdelay $0x3  }
0x92: {  	_ =	strace s17  }
0x93: {  	s2 =	sld [smem:$0x3FFC];
	_ =	sdelay $0x3  }
0x94: {  	_ =	strace s2  }
0x95: {  	s2 =	sld [smem:$0x3FFD];
	_ =	sdelay $0x3  }
0x96: {  	_ =	strace s2  }
0x97: {  	_ =	strace $0x8FFFFFFF  }
0x98: {  	s18 =	sld [smem:$0x3FDB];
	_ =	sdelay $0x1  }
0x99: {  	s19 =	simm.s32 $_scs_section_size  }
0x9a: {  	s4 =	simm.s32 $_size__tile_overlayer_lowered;
	s5 =	simm.s32 $_tile_overlayer_lowered  }
0x9b: {  	s22 =	simm.s32 $0x1BFF;
	s21 =	sshll.u32 s5, $0x1;
	s2 =	sadd.s32 s19, s18  }
0x9c: {  	s6 =	simm.s32 $0x0;
	s20 =	sshll.u32 s4, $0x1;
	s4 =	sadd.s32 s21, s2  }
0x9d: {  	[timem:s6], [sflag:s22] =	dma.local [hbm:s4], s20  }
0x9e: {  	_ =	swait.ge [sflag:s22], s20  }
0x9f: {  	s3 =	ssub.s32 $0x0, s20;
	[sflag:s22] =	ssyncset.done $0x0  }
0xa0: {  	[sflag:s22] =	ssyncadd.s32 s3;
	_ =	sdelay $0x1  }
0xa1: {  	s23 =	simm.s32 $0x1B8B  }
0xa2: {  	_ =	swait.ge [sflag:s23], $0x1  }
0xa3: {  	[sflag:s23] =	ssyncset.done $0x0  }
0xa4: {  	s25 =	simm.s32 $0x1B8E;
	s24 =	sld [smem:$0x3FFE];
	[sflag:s23] =	ssyncadd.s32 $0xFFFFFFFF  }
0xa5: {  	s26 =	simm.s32 $execute0_lowered;
	[smem:$0x3FD2] =	sst s25  }
0xa6: {  	s4 =	sshll.u32 s26, $0x1;
	_ =	strace $0x80000049;
	[dreg:$0x1] =	wrdreg $0xFFFFFFFF  }
0xa7: {  	s28 =	simm.s32 $_size_execute0_lowered;
	s2 =	sadd.s32 s2, s4;
	[dreg:$0x0] =	wrdreg $0x0  }
0xa8: {  	s4 =	sshll.u32 s28, $0x1;
	[dreg:$0x2] =	wrdreg s2  }
0xa9: {  	[dreg:$0x3] =	wrdreg s4  }
0xaa: {  	[dreg:$0x4] =	wrdreg $0xC0  }
0xab: {  	_ =	task [dreg:s6], $0x5FFFF  }
0xac: {  	[dreg:$0x1] =	wrdreg $0xFFFFFFFF  }
0xad: {  	[dreg:$0x0] =	wrdreg $0x60  }
0xae: {  	[dreg:$0x2] =	wrdreg s24  }
0xaf: {  	[dreg:$0x3] =	wrdreg $0x84000  }
0xb0: {  	[dreg:$0x4] =	wrdreg $0x9  }
0xb1: {  	_ =	task.clear_ibuf [dreg:s6], $0x5FFFF;
	_ =	strace $0x90000049  }
0xb2: {  	s29 =	simm.s32 $0x9;
	_ =	strace $0x8000004B  }
0xb3: {  	_ =	swait.ge [sflag:s29], $0x1  }
0xb4: {  	[sflag:s29] =	ssyncadd.s32 $0xFFFFFFFF  }
0xb5: {  	_ =	strace $0x9000004B  }
0xb6: {  	_ =	sfence  }
0xb7: {  	s30 =	sld [smem:$0x0];
	_ =	sdelay $0x2  }
0xb8: {  	s31 =	sshll.u32 s1, $0xD;
	s1 =	sshrl.u32 s1, $0x2  }
0xb9: {  	s3 =	sand.u32 $0x4000, s31;
	s1 =	sadd.s32 s1, s30  }
0xba: {  	s0 =	sor.u32 s3, s0;
	s1 =	sshll.u32 s1, $0x11  }
0xbb: {  	s0 =	sor.u32 s1, s0  }
0xbc: {  	s0 =	sadd.s32 $0x8F2B, s0  }
0xbd: {  	[sflag:s0] =	ssyncadd.remote.s32 $0x1  }
0xbe: {  	_ =	sfence.sel $0xFFFF  }
0xbf: {  	[dreg:$0x0] =	wrdreg $0xFFFFFFFF;
	(pc) =	sbr.abs _section_cstart, $3  }
0xc0: {  	[dreg:$0x1] =	wrdreg $0xFFFFFFFF  }
0xc1: {  	_ =	task.clear_ibuf [dreg:s6], $0x2FFFF;
	_ =	strace $0x9FFFFFFF  }
0xc2: {  	(tm) =	ssettm $0x7FFFFFFF  }
0xc3: {  	_ =	shalt  }
tec
execute0_lowered:
.L_overlay_start_1:
0x0: {  	(tag) =	ssettag $0x1  }
0x1: {  	s0 =	rddreg [dreg:$0x0]  }
0x2: {  	s2 =	rddreg [dreg:$0x1];
	s3 =	simm.s32 $0x0  }
0x3: {  	s12 =	stileid.u32;
	s1 =	srdreg.scid;
	s28 =	simm.s32 $0x5  }
0x4: {  	s29 =	simm.s32 $0x80;
	s30 =	simm.s32 $0x3;
	s31 =	simm.s32 $0x6  }
0x5: {  	[smem:$0x7FF] =	sst s3;
	s5 =	smul.u32 $0x14000, s12;
	s1 =	sand.u32 $0x1, s1  }
0x6: {  	s4 =	sadd.s32 $0x3F400, s0;
	s8 =	sadd.s32 $0x3400, s0;
	s9 =	smul.u32 $0x50000, s12  }
0x7: {  	s16 =	sshll.u32 s12, $0x1;
	s11 =	smul.u32 $0xA000, s12;
	s18 =	sshll.u32 s12, $0x6  }
0x8: {  	_ =	strace $0x8000004A;
	s6 =	smul.u32 $0x140000, s1;
	s17 =	ssub.s32 $0x2, s1  }
0x9: {  	s7 =	sshrl.u32 s5, $0x3;
	s10 =	sshrl.u32 s17, $0x1;
	s9 =	sshrl.u32 s9, $0x2  }
0xa: {  	s7 =	sadd.s32 s7, s0;
	s5 =	sadd.s32 s5, s6;
	s6 =	sor.u32 s1, s16  }
0xb: {  	s9 =	sadd.s32 s9, s2;
	s1 =	smul.u32 $0x5000, s1;
	s5 =	sshrl.u32 s5, $0x3  }
0xc: {  	s6 =	smul.u32 $0x5000, s6;
	s7 =	sadd.s32 $0x17400, s7;
	s0 =	sadd.s32 s5, s0  }
0xd: {  	s5 =	ssub.s32 s17, s10;
	[dreg:$0x3] =	wrdreg s7;
	s1 =	sadd.s32 s1, s11  }
0xe: {  	s17 =	sshrl.u32 s9, $0x3;
	s9 =	simm.s32 $0x0;
	s19 =	sshrl.u32 s6, $0x3  }
0xf: {  	s6 =	sor.u32 $0x1C07, s18;
	s22 =	sor.u32 $0x700, s1;
	s0 =	sadd.s32 $0x66600, s0  }
0x10: {  	s5 =	smax.u32 s5, $0x1;
	s24 =	sor.u32 $0x600, s1;
	s25 =	sor.u32 $0x500, s1  }
0x11: {  	s1 =	sor.u32 $0x400, s1;
	s18 =	simm.s32 $0x7;
	[dreg:$0x8] =	wrdreg s0  }
0x12: {  	s20 =	sadd.s32 s8, s19;
	s23 =	sshrl.u32 s22, $0x3;
	[dreg:$0x9] =	wrdreg s5  }
0x13: {  	s0 =	sshrl.u32 s24, $0x3;
	s26 =	sshrl.u32 s25, $0x3;
	s1 =	sshrl.u32 s1, $0x3  }
0x14: {  	s19 =	simm.s32 $0x100;
	s22 =	simm.s32 $0x1;
	s24 =	simm.s32 $0x400  }
0x15: {  	s25 =	simm.s32 $0x2;
	s5 =	simm.s32 $0x280;
	s10 =	sadd.s32 $0x20, s20  }
0x16: {  	s21 =	sadd.s32 $0x40, s20;
	[dreg:$0x4] =	wrdreg s20;
	s7 =	sadd.s32 $0x60, s20  }
.Ltmp0:
0x17: {  	s13 =	sadd.s32 s23, s8;
	s14 =	sadd.s32 s0, s8;
	(pc) =	sbr.rel .LBB2_1-.Ltmp0, $4  }
0x18: {  	s15 =	sadd.s32 s26, s8;
	s16 =	sadd.s32 s1, s8;
	s20 =	simm.s32 $0x200  }
0x19: {  	s23 =	simm.s32 $0x7D;
	s26 =	simm.s32 $0x4400;
	[dreg:$0x5] =	wrdreg s10  }
0x1a: {  	s0 =	simm.s32 $0x180;
	s1 =	simm.s32 $0x4;
	[dreg:$0x6] =	wrdreg s21  }
0x1b: {  	s8 =	simm.s32 $0x380;
	[dreg:$0x7] =	wrdreg s7;
	s21 =	simm.s32 $0x300  }
.LBB2_4:
0x1c: {  	_ =	swait.ge [sflag:s31], $0x3E80  }
0x1d: {  	[sflag:s31] =	ssyncset.done $0x0  }
0x1e: {  	[sflag:s31] =	ssyncadd.s32 $0xFFFFC180  }
0x1f: {  	[spmem:s2] =	stream.indirect.scatter.add.f32 [tilespmem:s26], [sflag:$0x7], $0x80, s8, s23, $0xb8;
	[tilespmem:$0x1C400] =	vst v63  }
0x20: {  	_ =	swait.ge [sflag:s18], $0x3E80  }
0x21: {  	[sflag:s18] =	ssyncset.done $0x0  }
0x22: {  	[sflag:s18] =	ssyncadd.s32 $0xFFFFC180  }
0x23: {  	[bflag:$0x0] =	sbarrier.arrive $0xFFFF  }
0x24: {  	s7 =	rddreg [dreg:$0x8]  }
0x25: {  	[hbm:s7], [sflag:s6] =	dma.local [spmem:s17], $0x2800  }
0x26: {  	_ =	swait.ge [sflag:s18], $0x2800  }
0x27: {  	s9 =	sadd.s32 $0x1, s9;
	s12 =	rddreg [dreg:$0x9]  }
0x28: {  	p0 =	sne.s32 s9, s12  }
.Ltmp1:
0x29: {  	_ = 	snop;
	(pc) =	sbr.rel @!p0 .LBB2_5-.Ltmp1, $3  }
0x2a: {  	_ =	sdelay $0x1  }
0x2b: {  	[sflag:s18] =	ssyncset.done $0x0  }
0x2c: {  	[sflag:s18] =	ssyncadd.s32 $0xFFFFD800  }
.LBB2_1:
0x2d: {  	s7 =	rddreg [dreg:$0x3]  }
0x2e: {  	[spmem:s17], [sflag:s6] =	dma.local [hbm:s7], $0x2800  }
0x2f: {  	_ =	swait.ge [sflag:s18], $0x2800  }
0x30: {  	[sflag:s18] =	ssyncset.done $0x0  }
0x31: {  	s12 =	rddreg [dreg:$0x4];
	[sflag:s18] =	ssyncadd.s32 $0xFFFFD800  }
0x32: {  	[tilespmem:s3], [sflag:$0x1] =	stream.linear.gather [hbm4b:s12+s3], $0x100, $0x38;
	[tilespmem:$0x1C400] =	vst v63  }
0x33: {  	s10 =	rddreg [dreg:$0x5]  }
0x34: {  	[tilespmem:s19], [sflag:$0x2] =	stream.linear.gather [hbm4b:s10+s3], $0x100, $0x38;
	[tilespmem:$0x1C400] =	vst v63  }
0x35: {  	s11 =	rddreg [dreg:$0x6]  }
0x36: {  	[tilespmem:s20], [sflag:$0x3] =	stream.linear.gather [hbm4b:s11+s3], $0x100, $0x38;
	[tilespmem:$0x1C400] =	vst v63  }
0x37: {  	s12 =	rddreg [dreg:$0x7]  }
0x38: {  	[tilespmem:s21], [sflag:$0x4] =	stream.linear.gather [hbm4b:s12+s3], $0x100, $0x38;
	[tilespmem:$0x1C400] =	vst v63  }
0x39: {  	_ =	swait.ge [sflag:s22], $0x100  }
0x3a: {  	[sflag:s22] =	ssyncset.done $0x0  }
0x3b: {  	[sflag:s22] =	ssyncadd.s32 $0xFFFFFF00  }
0x3c: {  	[tilespmem:s24], [sflag:$0x5] =	stream.indirect.gather [hbm4b:s4+s23], $0x80, s3, s23, $0xb8;
	[tilespmem:$0x1C400] =	vst v63  }
0x3d: {  	_ =	swait.ge [sflag:s25], $0x100  }
0x3e: {  	[sflag:s25] =	ssyncset.done $0x0  }
0x3f: {  	[sflag:s25] =	ssyncadd.s32 $0xFFFFFF00  }
0x40: {  	[tilespmem:s26], [sflag:$0x6] =	stream.indirect.gather [hbm4b:s4+s23], $0x80, s19, s23, $0xb8;
	[tilespmem:$0x1C400] =	vst v63  }
0x41: {  	s10 =	simm.s32 $0x0;
	[bflag:$0x0] =	sbarrier.arrive $0xFFFF  }
.LBB2_2:
0x42: {  	_ =	swait.ge [sflag:s28], $0x3E80  }
0x43: {  	[sflag:s28] =	ssyncset.done $0x0  }
0x44: {  	[sflag:s28] =	ssyncadd.s32 $0xFFFFC180  }
0x45: {  	[spmem:s2] =	stream.indirect.scatter.add.f32 [tilespmem:s24], [sflag:$0x7], $0x80, s29, s23, $0xb8;
	[tilespmem:$0x1C400] =	vst v63  }
0x46: {  	_ =	swait.ge [sflag:s18], $0x3E80  }
0x47: {  	p0 =	seq.s32 s10, $0x980;
	[sflag:s18] =	ssyncset.done $0x0  }
0x48: {  	s11 =	sadd.s32 @!p0 s10, s16;
	s12 =	simm.s32 @!p0 $0x0;
	[sflag:s18] =	ssyncadd.s32 $0xFFFFC180  }
0x49: {  	[tilespmem:s12], [sflag:$0x1] =	stream.linear.gather @!p0 [hbm4b:s11+s12], $0x100, $0x38;
	[tilespmem:$0x1C400] =	vst v63  }
0x4a: {  	_ =	swait.ge [sflag:s30], $0x100  }
0x4b: {  	[sflag:s30] =	ssyncset.done $0x0  }
0x4c: {  	[sflag:s30] =	ssyncadd.s32 $0xFFFFFF00  }
0x4d: {  	[tilespmem:s24], [sflag:$0x5] =	stream.indirect.gather [hbm4b:s4+s23], $0x80, s20, s23, $0xb8;
	[tilespmem:$0x1C400] =	vst v63  }
0x4e: {  	_ =	swait.ge [sflag:s31], $0x3E80  }
0x4f: {  	[sflag:s31] =	ssyncset.done $0x0  }
0x50: {  	[sflag:s31] =	ssyncadd.s32 $0xFFFFC180  }
0x51: {  	[spmem:s2] =	stream.indirect.scatter.add.f32 [tilespmem:s26], [sflag:$0x7], $0x80, s0, s23, $0xb8;
	[tilespmem:$0x1C400] =	vst v63  }
0x52: {  	_ =	swait.ge [sflag:s18], $0x3E80  }
0x53: {  	[sflag:s18] =	ssyncset.done $0x0  }
0x54: {  	s7 =	simm.s32 @!p0 $0x100;
	s11 =	sadd.s32 @!p0 s10, s15;
	[sflag:s18] =	ssyncadd.s32 $0xFFFFC180  }
0x55: {  	[tilespmem:s7], [sflag:$0x2] =	stream.linear.gather @!p0 [hbm4b:s11+s12], $0x100, $0x38;
	[tilespmem:$0x1C400] =	vst v63  }
0x56: {  	_ =	swait.ge [sflag:s1], $0x100  }
0x57: {  	[sflag:s1] =	ssyncset.done $0x0  }
0x58: {  	[sflag:s1] =	ssyncadd.s32 $0xFFFFFF00  }
0x59: {  	[tilespmem:s26], [sflag:$0x6] =	stream.indirect.gather [hbm4b:s4+s23], $0x80, s21, s23, $0xb8;
	[tilespmem:$0x1C400] =	vst v63  }
0x5a: {  	_ =	swait.ge [sflag:s28], $0x3E80  }
0x5b: {  	[sflag:s28] =	ssyncset.done $0x0  }
.Ltmp2:
0x5c: {  	[sflag:s28] =	ssyncadd.s32 $0xFFFFC180;
	(pc) =	sbr.rel @p0 .LBB2_4-.Ltmp2, $4  }
0x5d: {  	[spmem:s2] =	stream.indirect.scatter.add.f32 [tilespmem:s24], [sflag:$0x7], $0x80, s5, s23, $0xb8;
	[tilespmem:$0x1C400] =	vst v63  }
0x5e: {  	_ =	swait.ge [sflag:s18], $0x3E80  }
0x5f: {  	[sflag:s18] =	ssyncset.done $0x0  }
0x60: {  	[sflag:s18] =	ssyncadd.s32 $0xFFFFC180  }
0x61: {  	s7 =	sadd.s32 s10, s14  }
0x62: {  	[tilespmem:s20], [sflag:$0x3] =	stream.linear.gather [hbm4b:s7+s3], $0x100, $0x38;
	[tilespmem:$0x1C400] =	vst v63  }
0x63: {  	_ =	swait.ge [sflag:s22], $0x100  }
0x64: {  	[sflag:s22] =	ssyncset.done $0x0  }
0x65: {  	[sflag:s22] =	ssyncadd.s32 $0xFFFFFF00  }
0x66: {  	[tilespmem:s24], [sflag:$0x5] =	stream.indirect.gather [hbm4b:s4+s23], $0x80, s3, s23, $0xb8;
	[tilespmem:$0x1C400] =	vst v63  }
0x67: {  	_ =	swait.ge [sflag:s31], $0x3E80  }
0x68: {  	[sflag:s31] =	ssyncset.done $0x0  }
0x69: {  	[sflag:s31] =	ssyncadd.s32 $0xFFFFC180  }
0x6a: {  	[spmem:s2] =	stream.indirect.scatter.add.f32 [tilespmem:s26], [sflag:$0x7], $0x80, s8, s23, $0xb8;
	[tilespmem:$0x1C400] =	vst v63  }
0x6b: {  	_ =	swait.ge [sflag:s18], $0x3E80  }
0x6c: {  	[sflag:s18] =	ssyncset.done $0x0  }
0x6d: {  	s12 =	sadd.s32 s10, s13;
	[sflag:s18] =	ssyncadd.s32 $0xFFFFC180  }
0x6e: {  	[tilespmem:s21], [sflag:$0x4] =	stream.linear.gather [hbm4b:s12+s3], $0x100, $0x38;
	[tilespmem:$0x1C400] =	vst v63  }
.Ltmp3:
0x6f: {  	_ = 	snop;
	(pc) =	sbr.rel .LBB2_2-.Ltmp3, $4  }
0x70: {  	_ =	swait.ge [sflag:s25], $0x100  }
0x71: {  	[sflag:s25] =	ssyncset.done $0x0  }
0x72: {  	s10 =	sadd.s32 $0x80, s10;
	[sflag:s25] =	ssyncadd.s32 $0xFFFFFF00  }
0x73: {  	[tilespmem:s26], [sflag:$0x6] =	stream.indirect.gather [hbm4b:s4+s23], $0x80, s19, s23, $0xb8;
	[tilespmem:$0x1C400] =	vst v63  }
.LBB2_5:
0x74: {  	_ =	sfence.sel $0x180000  }
0x75: {  	[bflag:$0x0] =	sbarrier.arrive $0xFFFF  }
0x76: {  	_ =	strace $0x9000004A  }
0x77: {  	s0 =	stileid.u32;
	[bflag:$0x2] =	sbarrier.arrive $0xFFFF  }
0x78: {  	p0 =	sne.s32 s0, $0x0;
	s0 =	rddreg [dreg:$0x2]  }
0x79: {  	s0 =	sadd.s32 @!p0 $0x100000, s0  }
0x7a: {  	[sflag:s0] =	ssyncadd.tile.s32 @!p0 $0x1;
	_ =	shalt  }
.Lfunc_end2:
_tile_overlayer_lowered:
.L_overlay_start_2:
0x7b: {  	(tag) =	ssettag $0x2  }
0x7c: {  	s0 =	rddreg [dreg:$0x0];
	s2 =	stileid.u32  }
0x7d: {  	s1 =	rddreg [dreg:$0x1];
	p0 =	sne.s32 s2, $0x0  }
0x7e: {  	s3 =	rddreg [dreg:$0x2];
	[bflag:$0x3] =	sbarrier.arrive $0xFFFF;
	s2 =	simm.s32 @!p0 $0x1C07  }
0x7f: {  	[timem:s3], [sflag:s2] =	dma.local @!p0 [hbm:s0], s1  }
0x80: {  	s0 =	simm.s32 @!p0 $0x7  }
0x81: {  	_ =	swait.ge @!p0 [sflag:s0], s1  }
0x82: {  	s1 =	ssub.s32 @!p0 $0x0, s1;
	[sflag:s0] =	ssyncset.done @!p0 $0x0  }
0x83: {  	[sflag:s0] =	ssyncadd.s32 @!p0 s1  }
0x84: {  	[bflag:$0x3] =	sbarrier.arrive $0xFFFF  }
0x85: {  	_ =	shalt  }

// kernel: kernel.16.cloned.1.call-start
scs
__scs_entry_jumppad:
0x0: {  	(pc) =	sbr.rel $0x88, $3  }
0x1: {  	(tag) =	ssettag $0x0;
	lr =	simm.s32 $0x1  }
0x2: {  	[smem:$0x3F98] =	sst lr;
	_ =	strace $0xD0000000  }
0x3: {  	_ = 	snop  }
0x4: {  	_ = 	snop  }
0x5: {  	_ = 	snop  }
0x6: {  	_ = 	snop  }
0x7: {  	_ = 	snop  }
__scs_overlays_trampoline_lowered:
0x8: {  	[smem:$0x3FA7] =	sst s0  }
0x9: {  	[smem:$0x3FA8] =	sst s1  }
0xa: {  	[smem:$0x3FA9] =	sst s2  }
0xb: {  	[smem:$0x3FAA] =	sst s3  }
0xc: {  	[smem:$0x3FAB] =	sst s4  }
0xd: {  	[smem:$0x3FAC] =	sst s5  }
0xe: {  	[smem:$0x3FAD] =	sst s6  }
0xf: {  	[smem:$0x3FAE] =	sst s7  }
0x10: {  	[smem:$0x3FAF] =	sst s8  }
0x11: {  	[smem:$0x3FB0] =	sst s9;
	s0 =	simm.s32 @!p0 $0x0  }
0x12: {  	s1 =	sld [smem:$0x3F96];
	s0 =	simm.s32 @p0 $0x1  }
0x13: {  	[smem:$0x3FB1] =	sst s0;
	s0 =	simm.s32 @!p1 $0x0  }
0x14: {  	s2 =	sld [smem:$0x3F95];
	s0 =	simm.s32 @p1 $0x1  }
0x15: {  	[smem:$0x3FB2] =	sst s0;
	s0 =	simm.s32 @!p2 $0x0  }
0x16: {  	s3 =	sld [smem:$0x3FDB];
	s0 =	simm.s32 @p2 $0x1  }
0x17: {  	s4 =	simm.s32 $0x1BF5;
	[smem:$0x3FB4] =	sst s0  }
0x18: {  	s0 =	sld [smem:$0x3F97];
	_ =	swait.ge [sflag:s4], $0x0  }
0x19: {  	s7 =	sld [smem:$0x3F98]  }
0x1a: {  	s8 =	sadd.s32 $0xFFFFE003, lr  }
0x1b: {  	s9 =	sadd.s32 $0xFFFFFEF7, lr;
	s5 =	simm.s32 $0xFFFFFFFF;
	p2 =	slt.u32 s8, $0xFFFFF086  }
0x1c: {  	p1 =	slt.u32 s9, $0xF7A;
	s5 =	simm.s32 @!p2 $0x0  }
0x1d: {  	s5 =	simm.s32 @p1 $0x1;
	p0 =	seq.s32 s7, s2  }
0x1e: {  	s7 =	smul.u32 @!p0 $0xF7A, s2;
	p2 =	seq.s32 @!p0 s5, $0x0  }
0x1f: {  	s9 =	smul.u32 $0xF7A, s1;
	s8 =	simm.s32 @!p0 $0x1BF5;
	p2 =	por !p2, p0  }
0x20: {  	[sflag:s8] =	ssyncset.s32 @!p0 $0xFFFFF086;
	s6 =	sadd.s32 @!p0 s3, s7;
	s7 =	simm.s32 @!p0 $0x108  }
0x21: {  	s3 =	sadd.s32 s3, s9;
	s6 =	sadd.s32 @!p0 $0x88, s6;
	s7 =	simm.s32 @p2 $0x1082  }
0x22: {  	[simem:s7], [sflag:s8] =	dma.local @!p0 [hbm:s6], $0xF7A  }
0x23: {  	s9 =	sor.u32 $0xD0000000, s2;
	s6 =	simm.s32 $0x108;
	_ =	swait.ge @!p0 [sflag:s8], $0x0  }
0x24: {  	s3 =	sadd.s32 $0x88, s3;
	s6 =	simm.s32 @!p1 $0x1082;
	[sflag:s4] =	ssyncset.s32 $0xFFFFF086  }
0x25: {  	[simem:s6], [sflag:s4] =	dma.local [hbm:s3], $0xF7A  }
0x26: {  	[smem:$0x3F98] =	sst s1;
	(tag) =	ssettag s2;
	_ =	strace s9  }
0x27: {  	s1 =	sld [smem:$0x3FA8]  }
0x28: {  	s2 =	sld [smem:$0x3FA9]  }
0x29: {  	s4 =	sld [smem:$0x3FAB]  }
0x2a: {  	p0 =	seq.s32 s5, $0x0;
	s5 =	sld [smem:$0x3FAC]  }
0x2b: {  	s6 =	sld [smem:$0x3FAD]  }
0x2c: {  	s7 =	sld [smem:$0x3FAE]  }
0x2d: {  	s3 =	simm.s32 $0x108;
	s8 =	sld [smem:$0x3FAF]  }
0x2e: {  	s3 =	simm.s32 @!p0 $0x1082;
	s9 =	sld [smem:$0x3FB0]  }
0x2f: {  	lr =	sadd.s32 s0, s3;
	s0 =	sld [smem:$0x3FA7]  }
0x30: {  	s3 =	sld [smem:$0x3FAA]  }
0x31: {  	[smem:$0x3FB3] =	sst s10  }
0x32: {  	s10 =	sld [smem:$0x3FB1];
	_ =	sdelay $0x3  }
0x33: {  	p0 =	seq.s32 s10, $0x1;
	s10 =	sld [smem:$0x3FB3];
	_ =	sdelay $0x3  }
0x34: {  	[smem:$0x3FB3] =	sst s10  }
0x35: {  	s10 =	sld [smem:$0x3FB2];
	_ =	sdelay $0x3  }
0x36: {  	p1 =	seq.s32 s10, $0x1;
	s10 =	sld [smem:$0x3FB3];
	_ =	sdelay $0x3  }
0x37: {  	[smem:$0x3FB3] =	sst s10  }
0x38: {  	s10 =	sld [smem:$0x3FB4]  }
0x39: {  	_ = 	snop;
	(pc) =	sbr.ind lr, $3  }
0x3a: {  	_ = 	snop  }
0x3b: {  	_ = 	snop  }
0x3c: {  	p2 =	seq.s32 s10, $0x1;
	s10 =	sld [smem:$0x3FB3]  }
0x3d: {  	_ =	shalt  }
0x3e: {  	_ =	shalt  }
0x3f: {  	_ =	shalt  }
0x40: {  	_ =	shalt  }
0x41: {  	_ =	shalt  }
0x42: {  	_ =	shalt  }
0x43: {  	_ =	shalt  }
0x44: {  	_ =	shalt  }
0x45: {  	_ =	shalt  }
0x46: {  	_ =	shalt  }
0x47: {  	_ =	shalt  }
0x48: {  	_ =	shalt  }
0x49: {  	_ =	shalt  }
0x4a: {  	_ =	shalt  }
0x4b: {  	_ =	shalt  }
0x4c: {  	_ =	shalt  }
0x4d: {  	_ =	shalt  }
0x4e: {  	_ =	shalt  }
0x4f: {  	_ =	shalt  }
0x50: {  	_ =	shalt  }
0x51: {  	_ =	shalt  }
0x52: {  	_ =	shalt  }
0x53: {  	_ =	shalt  }
0x54: {  	_ =	shalt  }
0x55: {  	_ =	shalt  }
0x56: {  	_ =	shalt  }
0x57: {  	_ =	shalt  }
0x58: {  	_ =	shalt  }
0x59: {  	_ =	shalt  }
0x5a: {  	_ =	shalt  }
0x5b: {  	_ =	shalt  }
0x5c: {  	_ =	shalt  }
0x5d: {  	_ =	shalt  }
0x5e: {  	_ =	shalt  }
0x5f: {  	_ =	shalt  }
0x60: {  	_ =	shalt  }
0x61: {  	_ =	shalt  }
0x62: {  	_ =	shalt  }
0x63: {  	_ =	shalt  }
0x64: {  	_ =	shalt  }
0x65: {  	_ =	shalt  }
0x66: {  	_ =	shalt  }
0x67: {  	_ =	shalt  }
0x68: {  	_ =	shalt  }
0x69: {  	_ =	shalt  }
0x6a: {  	_ =	shalt  }
0x6b: {  	_ =	shalt  }
0x6c: {  	_ =	shalt  }
0x6d: {  	_ =	shalt  }
0x6e: {  	_ =	shalt  }
0x6f: {  	_ =	shalt  }
0x70: {  	_ =	shalt  }
0x71: {  	_ =	shalt  }
0x72: {  	_ =	shalt  }
0x73: {  	_ =	shalt  }
0x74: {  	_ =	shalt  }
0x75: {  	_ =	shalt  }
0x76: {  	_ =	shalt  }
0x77: {  	_ =	shalt  }
0x78: {  	_ =	shalt  }
0x79: {  	_ =	shalt  }
0x7a: {  	_ =	shalt  }
0x7b: {  	_ =	shalt  }
0x7c: {  	_ =	shalt  }
0x7d: {  	_ =	shalt  }
0x7e: {  	_ =	shalt  }
0x7f: {  	_ =	shalt  }
0x80: {  	_ =	shalt  }
0x81: {  	_ =	shalt  }
0x82: {  	_ =	shalt  }
0x83: {  	_ =	shalt  }
0x84: {  	_ =	shalt  }
0x85: {  	_ =	shalt  }
0x86: {  	_ =	shalt  }
0x87: {  	_ =	shalt  }
.Lfunc_end0:
.L_simem_size_0:
called_computation.2_lowered:
.L_overlay_start_0:
0x88: {  	s2 =	sld [smem:$0x3FD9]  }
0x89: {  	s3 =	sld [smem:$0x3FFE];
	_ =	sdelay $0x1  }
0x8a: {  	s1 =	srdreg.scid  }
0x8b: {  	s0 =	sand.u32 $0x1, s1  }
0x8c: {  	s16 =	sshll.u32 s0, $0xA;
	s2 =	sadd.s32 s3, s2  }
0x8d: {  	s2 =	sadd.s32 s2, s16  }
0x8e: {  	[smem:$0x3FBF] =	sst s2  }
0x8f: {  	_ = 	snop  }
0x90: {  	(tm) =	ssettm $0x1  }
0x91: {  	s17 =	sld [smem:$0x3FFB];
	_ =	sdelay $0x3  }
0x92: {  	_ =	strace s17  }
0x93: {  	s2 =	sld [smem:$0x3FFC];
	_ =	sdelay $0x3  }
0x94: {  	_ =	strace s2  }
0x95: {  	s2 =	sld [smem:$0x3FFD];
	_ =	sdelay $0x3  }
0x96: {  	_ =	strace s2  }
0x97: {  	_ =	strace $0x8FFFFFFF  }
0x98: {  	s18 =	sld [smem:$0x3FDB];
	_ =	sdelay $0x1  }
0x99: {  	s19 =	simm.s32 $_scs_section_size  }
0x9a: {  	s4 =	simm.s32 $_size__tile_overlayer_lowered;
	s5 =	simm.s32 $_tile_overlayer_lowered  }
0x9b: {  	s22 =	simm.s32 $0x1BFF;
	s21 =	sshll.u32 s5, $0x1;
	s2 =	sadd.s32 s19, s18  }
0x9c: {  	s6 =	simm.s32 $0x0;
	s20 =	sshll.u32 s4, $0x1;
	s4 =	sadd.s32 s21, s2  }
0x9d: {  	[timem:s6], [sflag:s22] =	dma.local [hbm:s4], s20  }
0x9e: {  	_ =	swait.ge [sflag:s22], s20  }
0x9f: {  	s3 =	ssub.s32 $0x0, s20;
	[sflag:s22] =	ssyncset.done $0x0  }
0xa0: {  	[sflag:s22] =	ssyncadd.s32 s3;
	_ =	sdelay $0x1  }
0xa1: {  	s23 =	simm.s32 $0x1B8B  }
0xa2: {  	_ =	swait.ge [sflag:s23], $0x1  }
0xa3: {  	[sflag:s23] =	ssyncset.done $0x0  }
0xa4: {  	s25 =	simm.s32 $0x1B8E;
	s24 =	sld [smem:$0x3FFE];
	[sflag:s23] =	ssyncadd.s32 $0xFFFFFFFF  }
0xa5: {  	s26 =	simm.s32 $execute0_lowered;
	[smem:$0x3FD2] =	sst s25  }
0xa6: {  	s4 =	sshll.u32 s26, $0x1;
	_ =	strace $0x8000004C;
	[dreg:$0x1] =	wrdreg $0xFFFFFFFF  }
0xa7: {  	s28 =	simm.s32 $_size_execute0_lowered;
	s2 =	sadd.s32 s2, s4;
	[dreg:$0x0] =	wrdreg $0x0  }
0xa8: {  	s4 =	sshll.u32 s28, $0x1;
	[dreg:$0x2] =	wrdreg s2  }
0xa9: {  	[dreg:$0x3] =	wrdreg s4  }
0xaa: {  	[dreg:$0x4] =	wrdreg $0xC0  }
0xab: {  	_ =	task [dreg:s6], $0x5FFFF  }
0xac: {  	[dreg:$0x1] =	wrdreg $0xFFFFFFFF  }
0xad: {  	[dreg:$0x0] =	wrdreg $0x60  }
0xae: {  	[dreg:$0x2] =	wrdreg s24  }
0xaf: {  	[dreg:$0x3] =	wrdreg $0x84000  }
0xb0: {  	[dreg:$0x4] =	wrdreg $0x9  }
0xb1: {  	_ =	task.clear_ibuf [dreg:s6], $0x5FFFF;
	_ =	strace $0x9000004C  }
0xb2: {  	s29 =	simm.s32 $0x9;
	_ =	strace $0x8000004E  }
0xb3: {  	_ =	swait.ge [sflag:s29], $0x1  }
0xb4: {  	[sflag:s29] =	ssyncadd.s32 $0xFFFFFFFF  }
0xb5: {  	_ =	strace $0x9000004E  }
0xb6: {  	_ =	sfence  }
0xb7: {  	s30 =	sld [smem:$0x0];
	_ =	sdelay $0x2  }
0xb8: {  	s31 =	sshll.u32 s1, $0xD;
	s1 =	sshrl.u32 s1, $0x2  }
0xb9: {  	s3 =	sand.u32 $0x4000, s31;
	s1 =	sadd.s32 s1, s30  }
0xba: {  	s0 =	sor.u32 s3, s0;
	s1 =	sshll.u32 s1, $0x11  }
0xbb: {  	s0 =	sor.u32 s1, s0  }
0xbc: {  	s0 =	sadd.s32 $0x8F2B, s0  }
0xbd: {  	[sflag:s0] =	ssyncadd.remote.s32 $0x1  }
0xbe: {  	_ =	sfence.sel $0xFFFF  }
0xbf: {  	[dreg:$0x0] =	wrdreg $0xFFFFFFFF;
	(pc) =	sbr.abs _section_cstart, $3  }
0xc0: {  	[dreg:$0x1] =	wrdreg $0xFFFFFFFF  }
0xc1: {  	_ =	task.clear_ibuf [dreg:s6], $0x2FFFF;
	_ =	strace $0x9FFFFFFF  }
0xc2: {  	(tm) =	ssettm $0x7FFFFFFF  }
0xc3: {  	_ =	shalt  }
tec
execute0_lowered:
.L_overlay_start_1:
0x0: {  	(tag) =	ssettag $0x1  }
0x1: {  	s0 =	rddreg [dreg:$0x0]  }
0x2: {  	s2 =	rddreg [dreg:$0x1];
	s3 =	simm.s32 $0x0  }
0x3: {  	s12 =	stileid.u32;
	s1 =	srdreg.scid;
	s28 =	simm.s32 $0x5  }
0x4: {  	s29 =	simm.s32 $0x80;
	s30 =	simm.s32 $0x3;
	s31 =	simm.s32 $0x6  }
0x5: {  	[smem:$0x7FF] =	sst s3;
	s5 =	smul.u32 $0x14000, s12;
	s1 =	sand.u32 $0x1, s1  }
0x6: {  	s4 =	sadd.s32 $0x3F400, s0;
	s8 =	sadd.s32 $0x3400, s0;
	s9 =	smul.u32 $0x50000, s12  }
0x7: {  	s16 =	sshll.u32 s12, $0x1;
	s11 =	smul.u32 $0xA000, s12;
	s18 =	sshll.u32 s12, $0x6  }
0x8: {  	_ =	strace $0x8000004D;
	s6 =	smul.u32 $0x140000, s1;
	s17 =	ssub.s32 $0x2, s1  }
0x9: {  	s7 =	sshrl.u32 s5, $0x3;
	s10 =	sshrl.u32 s17, $0x1;
	s9 =	sshrl.u32 s9, $0x2  }
0xa: {  	s7 =	sadd.s32 s7, s0;
	s5 =	sadd.s32 s5, s6;
	s6 =	sor.u32 s1, s16  }
0xb: {  	s9 =	sadd.s32 s9, s2;
	s1 =	smul.u32 $0x5000, s1;
	s5 =	sshrl.u32 s5, $0x3  }
0xc: {  	s6 =	smul.u32 $0x5000, s6;
	s7 =	sadd.s32 $0x17400, s7;
	s0 =	sadd.s32 s5, s0  }
0xd: {  	s5 =	ssub.s32 s17, s10;
	[dreg:$0x3] =	wrdreg s7;
	s1 =	sadd.s32 s1, s11  }
0xe: {  	s17 =	sshrl.u32 s9, $0x3;
	s9 =	simm.s32 $0x0;
	s19 =	sshrl.u32 s6, $0x3  }
0xf: {  	s6 =	sor.u32 $0x1C07, s18;
	s22 =	sor.u32 $0x700, s1;
	s0 =	sadd.s32 $0x66600, s0  }
0x10: {  	s5 =	smax.u32 s5, $0x1;
	s24 =	sor.u32 $0x600, s1;
	s25 =	sor.u32 $0x500, s1  }
0x11: {  	s1 =	sor.u32 $0x400, s1;
	s18 =	simm.s32 $0x7;
	[dreg:$0x8] =	wrdreg s0  }
0x12: {  	s20 =	sadd.s32 s8, s19;
	s23 =	sshrl.u32 s22, $0x3;
	[dreg:$0x9] =	wrdreg s5  }
0x13: {  	s0 =	sshrl.u32 s24, $0x3;
	s26 =	sshrl.u32 s25, $0x3;
	s1 =	sshrl.u32 s1, $0x3  }
0x14: {  	s19 =	simm.s32 $0x100;
	s22 =	simm.s32 $0x1;
	s24 =	simm.s32 $0x400  }
0x15: {  	s25 =	simm.s32 $0x2;
	s5 =	simm.s32 $0x280;
	s10 =	sadd.s32 $0x20, s20  }
0x16: {  	s21 =	sadd.s32 $0x40, s20;
	[dreg:$0x4] =	wrdreg s20;
	s7 =	sadd.s32 $0x60, s20  }
.Ltmp0:
0x17: {  	s13 =	sadd.s32 s23, s8;
	s14 =	sadd.s32 s0, s8;
	(pc) =	sbr.rel .LBB2_1-.Ltmp0, $4  }
0x18: {  	s15 =	sadd.s32 s26, s8;
	s16 =	sadd.s32 s1, s8;
	s20 =	simm.s32 $0x200  }
0x19: {  	s23 =	simm.s32 $0x7D;
	s26 =	simm.s32 $0x4400;
	[dreg:$0x5] =	wrdreg s10  }
0x1a: {  	s0 =	simm.s32 $0x180;
	s1 =	simm.s32 $0x4;
	[dreg:$0x6] =	wrdreg s21  }
0x1b: {  	s8 =	simm.s32 $0x380;
	[dreg:$0x7] =	wrdreg s7;
	s21 =	simm.s32 $0x300  }
.LBB2_4:
0x1c: {  	_ =	swait.ge [sflag:s31], $0x3E80  }
0x1d: {  	[sflag:s31] =	ssyncset.done $0x0  }
0x1e: {  	[sflag:s31] =	ssyncadd.s32 $0xFFFFC180  }
0x1f: {  	[spmem:s2] =	stream.indirect.scatter.add.f32 [tilespmem:s26], [sflag:$0x7], $0x80, s8, s23, $0xb8;
	[tilespmem:$0x1C400] =	vst v63  }
0x20: {  	_ =	swait.ge [sflag:s18], $0x3E80  }
0x21: {  	[sflag:s18] =	ssyncset.done $0x0  }
0x22: {  	[sflag:s18] =	ssyncadd.s32 $0xFFFFC180  }
0x23: {  	[bflag:$0x0] =	sbarrier.arrive $0xFFFF  }
0x24: {  	s7 =	rddreg [dreg:$0x8]  }
0x25: {  	[hbm:s7], [sflag:s6] =	dma.local [spmem:s17], $0x2800  }
0x26: {  	_ =	swait.ge [sflag:s18], $0x2800  }
0x27: {  	s9 =	sadd.s32 $0x1, s9;
	s12 =	rddreg [dreg:$0x9]  }
0x28: {  	p0 =	sne.s32 s9, s12  }
.Ltmp1:
0x29: {  	_ = 	snop;
	(pc) =	sbr.rel @!p0 .LBB2_5-.Ltmp1, $3  }
0x2a: {  	_ =	sdelay $0x1  }
0x2b: {  	[sflag:s18] =	ssyncset.done $0x0  }
0x2c: {  	[sflag:s18] =	ssyncadd.s32 $0xFFFFD800  }
.LBB2_1:
0x2d: {  	s7 =	rddreg [dreg:$0x3]  }
0x2e: {  	[spmem:s17], [sflag:s6] =	dma.local [hbm:s7], $0x2800  }
0x2f: {  	_ =	swait.ge [sflag:s18], $0x2800  }
0x30: {  	[sflag:s18] =	ssyncset.done $0x0  }
0x31: {  	s12 =	rddreg [dreg:$0x4];
	[sflag:s18] =	ssyncadd.s32 $0xFFFFD800  }
0x32: {  	[tilespmem:s3], [sflag:$0x1] =	stream.linear.gather [hbm4b:s12+s3], $0x100, $0x38;
	[tilespmem:$0x1C400] =	vst v63  }
0x33: {  	s10 =	rddreg [dreg:$0x5]  }
0x34: {  	[tilespmem:s19], [sflag:$0x2] =	stream.linear.gather [hbm4b:s10+s3], $0x100, $0x38;
	[tilespmem:$0x1C400] =	vst v63  }
0x35: {  	s11 =	rddreg [dreg:$0x6]  }
0x36: {  	[tilespmem:s20], [sflag:$0x3] =	stream.linear.gather [hbm4b:s11+s3], $0x100, $0x38;
	[tilespmem:$0x1C400] =	vst v63  }
0x37: {  	s12 =	rddreg [dreg:$0x7]  }
0x38: {  	[tilespmem:s21], [sflag:$0x4] =	stream.linear.gather [hbm4b:s12+s3], $0x100, $0x38;
	[tilespmem:$0x1C400] =	vst v63  }
0x39: {  	_ =	swait.ge [sflag:s22], $0x100  }
0x3a: {  	[sflag:s22] =	ssyncset.done $0x0  }
0x3b: {  	[sflag:s22] =	ssyncadd.s32 $0xFFFFFF00  }
0x3c: {  	[tilespmem:s24], [sflag:$0x5] =	stream.indirect.gather [hbm4b:s4+s23], $0x80, s3, s23, $0xb8;
	[tilespmem:$0x1C400] =	vst v63  }
0x3d: {  	_ =	swait.ge [sflag:s25], $0x100  }
0x3e: {  	[sflag:s25] =	ssyncset.done $0x0  }
0x3f: {  	[sflag:s25] =	ssyncadd.s32 $0xFFFFFF00  }
0x40: {  	[tilespmem:s26], [sflag:$0x6] =	stream.indirect.gather [hbm4b:s4+s23], $0x80, s19, s23, $0xb8;
	[tilespmem:$0x1C400] =	vst v63  }
0x41: {  	s10 =	simm.s32 $0x0;
	[bflag:$0x0] =	sbarrier.arrive $0xFFFF  }
.LBB2_2:
0x42: {  	_ =	swait.ge [sflag:s28], $0x3E80  }
0x43: {  	[sflag:s28] =	ssyncset.done $0x0  }
0x44: {  	[sflag:s28] =	ssyncadd.s32 $0xFFFFC180  }
0x45: {  	[spmem:s2] =	stream.indirect.scatter.add.f32 [tilespmem:s24], [sflag:$0x7], $0x80, s29, s23, $0xb8;
	[tilespmem:$0x1C400] =	vst v63  }
0x46: {  	_ =	swait.ge [sflag:s18], $0x3E80  }
0x47: {  	p0 =	seq.s32 s10, $0x980;
	[sflag:s18] =	ssyncset.done $0x0  }
0x48: {  	s11 =	sadd.s32 @!p0 s10, s16;
	s12 =	simm.s32 @!p0 $0x0;
	[sflag:s18] =	ssyncadd.s32 $0xFFFFC180  }
0x49: {  	[tilespmem:s12], [sflag:$0x1] =	stream.linear.gather @!p0 [hbm4b:s11+s12], $0x100, $0x38;
	[tilespmem:$0x1C400] =	vst v63  }
0x4a: {  	_ =	swait.ge [sflag:s30], $0x100  }
0x4b: {  	[sflag:s30] =	ssyncset.done $0x0  }
0x4c: {  	[sflag:s30] =	ssyncadd.s32 $0xFFFFFF00  }
0x4d: {  	[tilespmem:s24], [sflag:$0x5] =	stream.indirect.gather [hbm4b:s4+s23], $0x80, s20, s23, $0xb8;
	[tilespmem:$0x1C400] =	vst v63  }
0x4e: {  	_ =	swait.ge [sflag:s31], $0x3E80  }
0x4f: {  	[sflag:s31] =	ssyncset.done $0x0  }
0x50: {  	[sflag:s31] =	ssyncadd.s32 $0xFFFFC180  }
0x51: {  	[spmem:s2] =	stream.indirect.scatter.add.f32 [tilespmem:s26], [sflag:$0x7], $0x80, s0, s23, $0xb8;
	[tilespmem:$0x1C400] =	vst v63  }
0x52: {  	_ =	swait.ge [sflag:s18], $0x3E80  }
0x53: {  	[sflag:s18] =	ssyncset.done $0x0  }
0x54: {  	s7 =	simm.s32 @!p0 $0x100;
	s11 =	sadd.s32 @!p0 s10, s15;
	[sflag:s18] =	ssyncadd.s32 $0xFFFFC180  }
0x55: {  	[tilespmem:s7], [sflag:$0x2] =	stream.linear.gather @!p0 [hbm4b:s11+s12], $0x100, $0x38;
	[tilespmem:$0x1C400] =	vst v63  }
0x56: {  	_ =	swait.ge [sflag:s1], $0x100  }
0x57: {  	[sflag:s1] =	ssyncset.done $0x0  }
0x58: {  	[sflag:s1] =	ssyncadd.s32 $0xFFFFFF00  }
0x59: {  	[tilespmem:s26], [sflag:$0x6] =	stream.indirect.gather [hbm4b:s4+s23], $0x80, s21, s23, $0xb8;
	[tilespmem:$0x1C400] =	vst v63  }
0x5a: {  	_ =	swait.ge [sflag:s28], $0x3E80  }
0x5b: {  	[sflag:s28] =	ssyncset.done $0x0  }
.Ltmp2:
0x5c: {  	[sflag:s28] =	ssyncadd.s32 $0xFFFFC180;
	(pc) =	sbr.rel @p0 .LBB2_4-.Ltmp2, $4  }
0x5d: {  	[spmem:s2] =	stream.indirect.scatter.add.f32 [tilespmem:s24], [sflag:$0x7], $0x80, s5, s23, $0xb8;
	[tilespmem:$0x1C400] =	vst v63  }
0x5e: {  	_ =	swait.ge [sflag:s18], $0x3E80  }
0x5f: {  	[sflag:s18] =	ssyncset.done $0x0  }
0x60: {  	[sflag:s18] =	ssyncadd.s32 $0xFFFFC180  }
0x61: {  	s7 =	sadd.s32 s10, s14  }
0x62: {  	[tilespmem:s20], [sflag:$0x3] =	stream.linear.gather [hbm4b:s7+s3], $0x100, $0x38;
	[tilespmem:$0x1C400] =	vst v63  }
0x63: {  	_ =	swait.ge [sflag:s22], $0x100  }
0x64: {  	[sflag:s22] =	ssyncset.done $0x0  }
0x65: {  	[sflag:s22] =	ssyncadd.s32 $0xFFFFFF00  }
0x66: {  	[tilespmem:s24], [sflag:$0x5] =	stream.indirect.gather [hbm4b:s4+s23], $0x80, s3, s23, $0xb8;
	[tilespmem:$0x1C400] =	vst v63  }
0x67: {  	_ =	swait.ge [sflag:s31], $0x3E80  }
0x68: {  	[sflag:s31] =	ssyncset.done $0x0  }
0x69: {  	[sflag:s31] =	ssyncadd.s32 $0xFFFFC180  }
0x6a: {  	[spmem:s2] =	stream.indirect.scatter.add.f32 [tilespmem:s26], [sflag:$0x7], $0x80, s8, s23, $0xb8;
	[tilespmem:$0x1C400] =	vst v63  }
0x6b: {  	_ =	swait.ge [sflag:s18], $0x3E80  }
0x6c: {  	[sflag:s18] =	ssyncset.done $0x0  }
0x6d: {  	s12 =	sadd.s32 s10, s13;
	[sflag:s18] =	ssyncadd.s32 $0xFFFFC180  }
0x6e: {  	[tilespmem:s21], [sflag:$0x4] =	stream.linear.gather [hbm4b:s12+s3], $0x100, $0x38;
	[tilespmem:$0x1C400] =	vst v63  }
.Ltmp3:
0x6f: {  	_ = 	snop;
	(pc) =	sbr.rel .LBB2_2-.Ltmp3, $4  }
0x70: {  	_ =	swait.ge [sflag:s25], $0x100  }
0x71: {  	[sflag:s25] =	ssyncset.done $0x0  }
0x72: {  	s10 =	sadd.s32 $0x80, s10;
	[sflag:s25] =	ssyncadd.s32 $0xFFFFFF00  }
0x73: {  	[tilespmem:s26], [sflag:$0x6] =	stream.indirect.gather [hbm4b:s4+s23], $0x80, s19, s23, $0xb8;
	[tilespmem:$0x1C400] =	vst v63  }
.LBB2_5:
0x74: {  	_ =	sfence.sel $0x180000  }
0x75: {  	[bflag:$0x0] =	sbarrier.arrive $0xFFFF  }
0x76: {  	_ =	strace $0x9000004D  }
0x77: {  	s0 =	stileid.u32;
	[bflag:$0x2] =	sbarrier.arrive $0xFFFF  }
0x78: {  	p0 =	sne.s32 s0, $0x0;
	s0 =	rddreg [dreg:$0x2]  }
0x79: {  	s0 =	sadd.s32 @!p0 $0x100000, s0  }
0x7a: {  	[sflag:s0] =	ssyncadd.tile.s32 @!p0 $0x1;
	_ =	shalt  }
.Lfunc_end2:
_tile_overlayer_lowered:
.L_overlay_start_2:
0x7b: {  	(tag) =	ssettag $0x2  }
0x7c: {  	s0 =	rddreg [dreg:$0x0];
	s2 =	stileid.u32  }
0x7d: {  	s1 =	rddreg [dreg:$0x1];
	p0 =	sne.s32 s2, $0x0  }
0x7e: {  	s3 =	rddreg [dreg:$0x2];
	[bflag:$0x3] =	sbarrier.arrive $0xFFFF;
	s2 =	simm.s32 @!p0 $0x1C07  }
0x7f: {  	[timem:s3], [sflag:s2] =	dma.local @!p0 [hbm:s0], s1  }
0x80: {  	s0 =	simm.s32 @!p0 $0x7  }
0x81: {  	_ =	swait.ge @!p0 [sflag:s0], s1  }
0x82: {  	s1 =	ssub.s32 @!p0 $0x0, s1;
	[sflag:s0] =	ssyncset.done @!p0 $0x0  }
0x83: {  	[sflag:s0] =	ssyncadd.s32 @!p0 s1  }
0x84: {  	[bflag:$0x3] =	sbarrier.arrive $0xFFFF  }
0x85: {  	_ =	shalt  }

// kernel: kernel.19.cloned.1.call-start
scs
__scs_entry_jumppad:
0x0: {  	(pc) =	sbr.rel $0x88, $3  }
0x1: {  	(tag) =	ssettag $0x0;
	lr =	simm.s32 $0x1  }
0x2: {  	[smem:$0x3F98] =	sst lr;
	_ =	strace $0xD0000000  }
0x3: {  	_ = 	snop  }
0x4: {  	_ = 	snop  }
0x5: {  	_ = 	snop  }
0x6: {  	_ = 	snop  }
0x7: {  	_ = 	snop  }
__scs_overlays_trampoline_lowered:
0x8: {  	[smem:$0x3FA7] =	sst s0  }
0x9: {  	[smem:$0x3FA8] =	sst s1  }
0xa: {  	[smem:$0x3FA9] =	sst s2  }
0xb: {  	[smem:$0x3FAA] =	sst s3  }
0xc: {  	[smem:$0x3FAB] =	sst s4  }
0xd: {  	[smem:$0x3FAC] =	sst s5  }
0xe: {  	[smem:$0x3FAD] =	sst s6  }
0xf: {  	[smem:$0x3FAE] =	sst s7  }
0x10: {  	[smem:$0x3FAF] =	sst s8  }
0x11: {  	[smem:$0x3FB0] =	sst s9;
	s0 =	simm.s32 @!p0 $0x0  }
0x12: {  	s1 =	sld [smem:$0x3F96];
	s0 =	simm.s32 @p0 $0x1  }
0x13: {  	[smem:$0x3FB1] =	sst s0;
	s0 =	simm.s32 @!p1 $0x0  }
0x14: {  	s2 =	sld [smem:$0x3F95];
	s0 =	simm.s32 @p1 $0x1  }
0x15: {  	[smem:$0x3FB2] =	sst s0;
	s0 =	simm.s32 @!p2 $0x0  }
0x16: {  	s3 =	sld [smem:$0x3FDB];
	s0 =	simm.s32 @p2 $0x1  }
0x17: {  	s4 =	simm.s32 $0x1BF5;
	[smem:$0x3FB4] =	sst s0  }
0x18: {  	s0 =	sld [smem:$0x3F97];
	_ =	swait.ge [sflag:s4], $0x0  }
0x19: {  	s7 =	sld [smem:$0x3F98]  }
0x1a: {  	s8 =	sadd.s32 $0xFFFFE003, lr  }
0x1b: {  	s9 =	sadd.s32 $0xFFFFFEF7, lr;
	s5 =	simm.s32 $0xFFFFFFFF;
	p2 =	slt.u32 s8, $0xFFFFF086  }
0x1c: {  	p1 =	slt.u32 s9, $0xF7A;
	s5 =	simm.s32 @!p2 $0x0  }
0x1d: {  	s5 =	simm.s32 @p1 $0x1;
	p0 =	seq.s32 s7, s2  }
0x1e: {  	s7 =	smul.u32 @!p0 $0xF7A, s2;
	p2 =	seq.s32 @!p0 s5, $0x0  }
0x1f: {  	s9 =	smul.u32 $0xF7A, s1;
	s8 =	simm.s32 @!p0 $0x1BF5;
	p2 =	por !p2, p0  }
0x20: {  	[sflag:s8] =	ssyncset.s32 @!p0 $0xFFFFF086;
	s6 =	sadd.s32 @!p0 s3, s7;
	s7 =	simm.s32 @!p0 $0x108  }
0x21: {  	s3 =	sadd.s32 s3, s9;
	s6 =	sadd.s32 @!p0 $0x88, s6;
	s7 =	simm.s32 @p2 $0x1082  }
0x22: {  	[simem:s7], [sflag:s8] =	dma.local @!p0 [hbm:s6], $0xF7A  }
0x23: {  	s9 =	sor.u32 $0xD0000000, s2;
	s6 =	simm.s32 $0x108;
	_ =	swait.ge @!p0 [sflag:s8], $0x0  }
0x24: {  	s3 =	sadd.s32 $0x88, s3;
	s6 =	simm.s32 @!p1 $0x1082;
	[sflag:s4] =	ssyncset.s32 $0xFFFFF086  }
0x25: {  	[simem:s6], [sflag:s4] =	dma.local [hbm:s3], $0xF7A  }
0x26: {  	[smem:$0x3F98] =	sst s1;
	(tag) =	ssettag s2;
	_ =	strace s9  }
0x27: {  	s1 =	sld [smem:$0x3FA8]  }
0x28: {  	s2 =	sld [smem:$0x3FA9]  }
0x29: {  	s4 =	sld [smem:$0x3FAB]  }
0x2a: {  	p0 =	seq.s32 s5, $0x0;
	s5 =	sld [smem:$0x3FAC]  }
0x2b: {  	s6 =	sld [smem:$0x3FAD]  }
0x2c: {  	s7 =	sld [smem:$0x3FAE]  }
0x2d: {  	s3 =	simm.s32 $0x108;
	s8 =	sld [smem:$0x3FAF]  }
0x2e: {  	s3 =	simm.s32 @!p0 $0x1082;
	s9 =	sld [smem:$0x3FB0]  }
0x2f: {  	lr =	sadd.s32 s0, s3;
	s0 =	sld [smem:$0x3FA7]  }
0x30: {  	s3 =	sld [smem:$0x3FAA]  }
0x31: {  	[smem:$0x3FB3] =	sst s10  }
0x32: {  	s10 =	sld [smem:$0x3FB1];
	_ =	sdelay $0x3  }
0x33: {  	p0 =	seq.s32 s10, $0x1;
	s10 =	sld [smem:$0x3FB3];
	_ =	sdelay $0x3  }
0x34: {  	[smem:$0x3FB3] =	sst s10  }
0x35: {  	s10 =	sld [smem:$0x3FB2];
	_ =	sdelay $0x3  }
0x36: {  	p1 =	seq.s32 s10, $0x1;
	s10 =	sld [smem:$0x3FB3];
	_ =	sdelay $0x3  }
0x37: {  	[smem:$0x3FB3] =	sst s10  }
0x38: {  	s10 =	sld [smem:$0x3FB4]  }
0x39: {  	_ = 	snop;
	(pc) =	sbr.ind lr, $3  }
0x3a: {  	_ = 	snop  }
0x3b: {  	_ = 	snop  }
0x3c: {  	p2 =	seq.s32 s10, $0x1;
	s10 =	sld [smem:$0x3FB3]  }
0x3d: {  	_ =	shalt  }
0x3e: {  	_ =	shalt  }
0x3f: {  	_ =	shalt  }
0x40: {  	_ =	shalt  }
0x41: {  	_ =	shalt  }
0x42: {  	_ =	shalt  }
0x43: {  	_ =	shalt  }
0x44: {  	_ =	shalt  }
0x45: {  	_ =	shalt  }
0x46: {  	_ =	shalt  }
0x47: {  	_ =	shalt  }
0x48: {  	_ =	shalt  }
0x49: {  	_ =	shalt  }
0x4a: {  	_ =	shalt  }
0x4b: {  	_ =	shalt  }
0x4c: {  	_ =	shalt  }
0x4d: {  	_ =	shalt  }
0x4e: {  	_ =	shalt  }
0x4f: {  	_ =	shalt  }
0x50: {  	_ =	shalt  }
0x51: {  	_ =	shalt  }
0x52: {  	_ =	shalt  }
0x53: {  	_ =	shalt  }
0x54: {  	_ =	shalt  }
0x55: {  	_ =	shalt  }
0x56: {  	_ =	shalt  }
0x57: {  	_ =	shalt  }
0x58: {  	_ =	shalt  }
0x59: {  	_ =	shalt  }
0x5a: {  	_ =	shalt  }
0x5b: {  	_ =	shalt  }
0x5c: {  	_ =	shalt  }
0x5d: {  	_ =	shalt  }
0x5e: {  	_ =	shalt  }
0x5f: {  	_ =	shalt  }
0x60: {  	_ =	shalt  }
0x61: {  	_ =	shalt  }
0x62: {  	_ =	shalt  }
0x63: {  	_ =	shalt  }
0x64: {  	_ =	shalt  }
0x65: {  	_ =	shalt  }
0x66: {  	_ =	shalt  }
0x67: {  	_ =	shalt  }
0x68: {  	_ =	shalt  }
0x69: {  	_ =	shalt  }
0x6a: {  	_ =	shalt  }
0x6b: {  	_ =	shalt  }
0x6c: {  	_ =	shalt  }
0x6d: {  	_ =	shalt  }
0x6e: {  	_ =	shalt  }
0x6f: {  	_ =	shalt  }
0x70: {  	_ =	shalt  }
0x71: {  	_ =	shalt  }
0x72: {  	_ =	shalt  }
0x73: {  	_ =	shalt  }
0x74: {  	_ =	shalt  }
0x75: {  	_ =	shalt  }
0x76: {  	_ =	shalt  }
0x77: {  	_ =	shalt  }
0x78: {  	_ =	shalt  }
0x79: {  	_ =	shalt  }
0x7a: {  	_ =	shalt  }
0x7b: {  	_ =	shalt  }
0x7c: {  	_ =	shalt  }
0x7d: {  	_ =	shalt  }
0x7e: {  	_ =	shalt  }
0x7f: {  	_ =	shalt  }
0x80: {  	_ =	shalt  }
0x81: {  	_ =	shalt  }
0x82: {  	_ =	shalt  }
0x83: {  	_ =	shalt  }
0x84: {  	_ =	shalt  }
0x85: {  	_ =	shalt  }
0x86: {  	_ =	shalt  }
0x87: {  	_ =	shalt  }
.Lfunc_end0:
.L_simem_size_0:
called_computation.3_lowered:
.L_overlay_start_0:
0x88: {  	s2 =	sld [smem:$0x3FD9]  }
0x89: {  	s3 =	sld [smem:$0x3FFE];
	_ =	sdelay $0x1  }
0x8a: {  	s1 =	srdreg.scid  }
0x8b: {  	s0 =	sand.u32 $0x1, s1  }
0x8c: {  	s16 =	sshll.u32 s0, $0xA;
	s2 =	sadd.s32 s3, s2  }
0x8d: {  	s2 =	sadd.s32 s2, s16  }
0x8e: {  	[smem:$0x3FBF] =	sst s2  }
0x8f: {  	_ = 	snop  }
0x90: {  	(tm) =	ssettm $0x1  }
0x91: {  	s17 =	sld [smem:$0x3FFB];
	_ =	sdelay $0x3  }
0x92: {  	_ =	strace s17  }
0x93: {  	s2 =	sld [smem:$0x3FFC];
	_ =	sdelay $0x3  }
0x94: {  	_ =	strace s2  }
0x95: {  	s2 =	sld [smem:$0x3FFD];
	_ =	sdelay $0x3  }
0x96: {  	_ =	strace s2  }
0x97: {  	_ =	strace $0x8FFFFFFF  }
0x98: {  	s18 =	sld [smem:$0x3FDB];
	_ =	sdelay $0x1  }
0x99: {  	s19 =	simm.s32 $_scs_section_size  }
0x9a: {  	s4 =	simm.s32 $_size__tile_overlayer_lowered;
	s5 =	simm.s32 $_tile_overlayer_lowered  }
0x9b: {  	s22 =	simm.s32 $0x1BFF;
	s21 =	sshll.u32 s5, $0x1;
	s2 =	sadd.s32 s19, s18  }
0x9c: {  	s6 =	simm.s32 $0x0;
	s20 =	sshll.u32 s4, $0x1;
	s4 =	sadd.s32 s21, s2  }
0x9d: {  	[timem:s6], [sflag:s22] =	dma.local [hbm:s4], s20  }
0x9e: {  	_ =	swait.ge [sflag:s22], s20  }
0x9f: {  	s3 =	ssub.s32 $0x0, s20;
	[sflag:s22] =	ssyncset.done $0x0  }
0xa0: {  	[sflag:s22] =	ssyncadd.s32 s3;
	_ =	sdelay $0x1  }
0xa1: {  	s23 =	simm.s32 $0x1B8B  }
0xa2: {  	_ =	swait.ge [sflag:s23], $0x1  }
0xa3: {  	[sflag:s23] =	ssyncset.done $0x0  }
0xa4: {  	s25 =	simm.s32 $0x1B8E;
	s24 =	sld [smem:$0x3FFE];
	[sflag:s23] =	ssyncadd.s32 $0xFFFFFFFF  }
0xa5: {  	s26 =	simm.s32 $execute0_lowered;
	[smem:$0x3FD2] =	sst s25  }
0xa6: {  	s4 =	sshll.u32 s26, $0x1;
	_ =	strace $0x8000004F;
	[dreg:$0x1] =	wrdreg $0xFFFFFFFF  }
0xa7: {  	s28 =	simm.s32 $_size_execute0_lowered;
	s2 =	sadd.s32 s2, s4;
	[dreg:$0x0] =	wrdreg $0x0  }
0xa8: {  	s4 =	sshll.u32 s28, $0x1;
	[dreg:$0x2] =	wrdreg s2  }
0xa9: {  	[dreg:$0x3] =	wrdreg s4  }
0xaa: {  	[dreg:$0x4] =	wrdreg $0xC0  }
0xab: {  	_ =	task [dreg:s6], $0x5FFFF  }
0xac: {  	[dreg:$0x1] =	wrdreg $0xFFFFFFFF  }
0xad: {  	[dreg:$0x0] =	wrdreg $0x60  }
0xae: {  	[dreg:$0x2] =	wrdreg s24  }
0xaf: {  	[dreg:$0x3] =	wrdreg $0x84000  }
0xb0: {  	[dreg:$0x4] =	wrdreg $0x9  }
0xb1: {  	_ =	task.clear_ibuf [dreg:s6], $0x5FFFF;
	_ =	strace $0x9000004F  }
0xb2: {  	s29 =	simm.s32 $0x9;
	_ =	strace $0x80000051  }
0xb3: {  	_ =	swait.ge [sflag:s29], $0x1  }
0xb4: {  	[sflag:s29] =	ssyncadd.s32 $0xFFFFFFFF  }
0xb5: {  	_ =	strace $0x90000051  }
0xb6: {  	_ =	sfence  }
0xb7: {  	s30 =	sld [smem:$0x0];
	_ =	sdelay $0x2  }
0xb8: {  	s31 =	sshll.u32 s1, $0xD;
	s1 =	sshrl.u32 s1, $0x2  }
0xb9: {  	s3 =	sand.u32 $0x4000, s31;
	s1 =	sadd.s32 s1, s30  }
0xba: {  	s0 =	sor.u32 s3, s0;
	s1 =	sshll.u32 s1, $0x11  }
0xbb: {  	s0 =	sor.u32 s1, s0  }
0xbc: {  	s0 =	sadd.s32 $0x8F2B, s0  }
0xbd: {  	[sflag:s0] =	ssyncadd.remote.s32 $0x1  }
0xbe: {  	_ =	sfence.sel $0xFFFF  }
0xbf: {  	[dreg:$0x0] =	wrdreg $0xFFFFFFFF;
	(pc) =	sbr.abs _section_cstart, $3  }
0xc0: {  	[dreg:$0x1] =	wrdreg $0xFFFFFFFF  }
0xc1: {  	_ =	task.clear_ibuf [dreg:s6], $0x2FFFF;
	_ =	strace $0x9FFFFFFF  }
0xc2: {  	(tm) =	ssettm $0x7FFFFFFF  }
0xc3: {  	_ =	shalt  }
tec
execute0_lowered:
.L_overlay_start_1:
0x0: {  	(tag) =	ssettag $0x1  }
0x1: {  	s0 =	rddreg [dreg:$0x0]  }
0x2: {  	s2 =	rddreg [dreg:$0x1];
	s3 =	simm.s32 $0x0  }
0x3: {  	s12 =	stileid.u32;
	s1 =	srdreg.scid;
	s28 =	simm.s32 $0x5  }
0x4: {  	s29 =	simm.s32 $0x80;
	s30 =	simm.s32 $0x3;
	s31 =	simm.s32 $0x6  }
0x5: {  	[smem:$0x7FF] =	sst s3;
	s5 =	smul.u32 $0x14000, s12;
	s1 =	sand.u32 $0x1, s1  }
0x6: {  	s4 =	sadd.s32 $0x3F400, s0;
	s8 =	sadd.s32 $0x3400, s0;
	s9 =	smul.u32 $0x50000, s12  }
0x7: {  	s16 =	sshll.u32 s12, $0x1;
	s11 =	smul.u32 $0xA000, s12;
	s18 =	sshll.u32 s12, $0x6  }
0x8: {  	_ =	strace $0x80000050;
	s6 =	smul.u32 $0x140000, s1;
	s17 =	ssub.s32 $0x2, s1  }
0x9: {  	s7 =	sshrl.u32 s5, $0x3;
	s10 =	sshrl.u32 s17, $0x1;
	s9 =	sshrl.u32 s9, $0x2  }
0xa: {  	s7 =	sadd.s32 s7, s0;
	s5 =	sadd.s32 s5, s6;
	s6 =	sor.u32 s1, s16  }
0xb: {  	s9 =	sadd.s32 s9, s2;
	s1 =	smul.u32 $0x5000, s1;
	s5 =	sshrl.u32 s5, $0x3  }
0xc: {  	s6 =	smul.u32 $0x5000, s6;
	s7 =	sadd.s32 $0x17400, s7;
	s0 =	sadd.s32 s5, s0  }
0xd: {  	s5 =	ssub.s32 s17, s10;
	[dreg:$0x3] =	wrdreg s7;
	s1 =	sadd.s32 s1, s11  }
0xe: {  	s17 =	sshrl.u32 s9, $0x3;
	s9 =	simm.s32 $0x0;
	s19 =	sshrl.u32 s6, $0x3  }
0xf: {  	s6 =	sor.u32 $0x1C07, s18;
	s22 =	sor.u32 $0x700, s1;
	s0 =	sadd.s32 $0x66600, s0  }
0x10: {  	s5 =	smax.u32 s5, $0x1;
	s24 =	sor.u32 $0x600, s1;
	s25 =	sor.u32 $0x500, s1  }
0x11: {  	s1 =	sor.u32 $0x400, s1;
	s18 =	simm.s32 $0x7;
	[dreg:$0x8] =	wrdreg s0  }
0x12: {  	s20 =	sadd.s32 s8, s19;
	s23 =	sshrl.u32 s22, $0x3;
	[dreg:$0x9] =	wrdreg s5  }
0x13: {  	s0 =	sshrl.u32 s24, $0x3;
	s26 =	sshrl.u32 s25, $0x3;
	s1 =	sshrl.u32 s1, $0x3  }
0x14: {  	s19 =	simm.s32 $0x100;
	s22 =	simm.s32 $0x1;
	s24 =	simm.s32 $0x400  }
0x15: {  	s25 =	simm.s32 $0x2;
	s5 =	simm.s32 $0x280;
	s10 =	sadd.s32 $0x20, s20  }
0x16: {  	s21 =	sadd.s32 $0x40, s20;
	[dreg:$0x4] =	wrdreg s20;
	s7 =	sadd.s32 $0x60, s20  }
.Ltmp0:
0x17: {  	s13 =	sadd.s32 s23, s8;
	s14 =	sadd.s32 s0, s8;
	(pc) =	sbr.rel .LBB2_1-.Ltmp0, $4  }
0x18: {  	s15 =	sadd.s32 s26, s8;
	s16 =	sadd.s32 s1, s8;
	s20 =	simm.s32 $0x200  }
0x19: {  	s23 =	simm.s32 $0x7D;
	s26 =	simm.s32 $0x4400;
	[dreg:$0x5] =	wrdreg s10  }
0x1a: {  	s0 =	simm.s32 $0x180;
	s1 =	simm.s32 $0x4;
	[dreg:$0x6] =	wrdreg s21  }
0x1b: {  	s8 =	simm.s32 $0x380;
	[dreg:$0x7] =	wrdreg s7;
	s21 =	simm.s32 $0x300  }
.LBB2_4:
0x1c: {  	_ =	swait.ge [sflag:s31], $0x3E80  }
0x1d: {  	[sflag:s31] =	ssyncset.done $0x0  }
0x1e: {  	[sflag:s31] =	ssyncadd.s32 $0xFFFFC180  }
0x1f: {  	[spmem:s2] =	stream.indirect.scatter.add.f32 [tilespmem:s26], [sflag:$0x7], $0x80, s8, s23, $0xb8;
	[tilespmem:$0x1C400] =	vst v63  }
0x20: {  	_ =	swait.ge [sflag:s18], $0x3E80  }
0x21: {  	[sflag:s18] =	ssyncset.done $0x0  }
0x22: {  	[sflag:s18] =	ssyncadd.s32 $0xFFFFC180  }
0x23: {  	[bflag:$0x0] =	sbarrier.arrive $0xFFFF  }
0x24: {  	s7 =	rddreg [dreg:$0x8]  }
0x25: {  	[hbm:s7], [sflag:s6] =	dma.local [spmem:s17], $0x2800  }
0x26: {  	_ =	swait.ge [sflag:s18], $0x2800  }
0x27: {  	s9 =	sadd.s32 $0x1, s9;
	s12 =	rddreg [dreg:$0x9]  }
0x28: {  	p0 =	sne.s32 s9, s12  }
.Ltmp1:
0x29: {  	_ = 	snop;
	(pc) =	sbr.rel @!p0 .LBB2_5-.Ltmp1, $3  }
0x2a: {  	_ =	sdelay $0x1  }
0x2b: {  	[sflag:s18] =	ssyncset.done $0x0  }
0x2c: {  	[sflag:s18] =	ssyncadd.s32 $0xFFFFD800  }
.LBB2_1:
0x2d: {  	s7 =	rddreg [dreg:$0x3]  }
0x2e: {  	[spmem:s17], [sflag:s6] =	dma.local [hbm:s7], $0x2800  }
0x2f: {  	_ =	swait.ge [sflag:s18], $0x2800  }
0x30: {  	[sflag:s18] =	ssyncset.done $0x0  }
0x31: {  	s12 =	rddreg [dreg:$0x4];
	[sflag:s18] =	ssyncadd.s32 $0xFFFFD800  }
0x32: {  	[tilespmem:s3], [sflag:$0x1] =	stream.linear.gather [hbm4b:s12+s3], $0x100, $0x38;
	[tilespmem:$0x1C400] =	vst v63  }
0x33: {  	s10 =	rddreg [dreg:$0x5]  }
0x34: {  	[tilespmem:s19], [sflag:$0x2] =	stream.linear.gather [hbm4b:s10+s3], $0x100, $0x38;
	[tilespmem:$0x1C400] =	vst v63  }
0x35: {  	s11 =	rddreg [dreg:$0x6]  }
0x36: {  	[tilespmem:s20], [sflag:$0x3] =	stream.linear.gather [hbm4b:s11+s3], $0x100, $0x38;
	[tilespmem:$0x1C400] =	vst v63  }
0x37: {  	s12 =	rddreg [dreg:$0x7]  }
0x38: {  	[tilespmem:s21], [sflag:$0x4] =	stream.linear.gather [hbm4b:s12+s3], $0x100, $0x38;
	[tilespmem:$0x1C400] =	vst v63  }
0x39: {  	_ =	swait.ge [sflag:s22], $0x100  }
0x3a: {  	[sflag:s22] =	ssyncset.done $0x0  }
0x3b: {  	[sflag:s22] =	ssyncadd.s32 $0xFFFFFF00  }
0x3c: {  	[tilespmem:s24], [sflag:$0x5] =	stream.indirect.gather [hbm4b:s4+s23], $0x80, s3, s23, $0xb8;
	[tilespmem:$0x1C400] =	vst v63  }
0x3d: {  	_ =	swait.ge [sflag:s25], $0x100  }
0x3e: {  	[sflag:s25] =	ssyncset.done $0x0  }
0x3f: {  	[sflag:s25] =	ssyncadd.s32 $0xFFFFFF00  }
0x40: {  	[tilespmem:s26], [sflag:$0x6] =	stream.indirect.gather [hbm4b:s4+s23], $0x80, s19, s23, $0xb8;
	[tilespmem:$0x1C400] =	vst v63  }
0x41: {  	s10 =	simm.s32 $0x0;
	[bflag:$0x0] =	sbarrier.arrive $0xFFFF  }
.LBB2_2:
0x42: {  	_ =	swait.ge [sflag:s28], $0x3E80  }
0x43: {  	[sflag:s28] =	ssyncset.done $0x0  }
0x44: {  	[sflag:s28] =	ssyncadd.s32 $0xFFFFC180  }
0x45: {  	[spmem:s2] =	stream.indirect.scatter.add.f32 [tilespmem:s24], [sflag:$0x7], $0x80, s29, s23, $0xb8;
	[tilespmem:$0x1C400] =	vst v63  }
0x46: {  	_ =	swait.ge [sflag:s18], $0x3E80  }
0x47: {  	p0 =	seq.s32 s10, $0x980;
	[sflag:s18] =	ssyncset.done $0x0  }
0x48: {  	s11 =	sadd.s32 @!p0 s10, s16;
	s12 =	simm.s32 @!p0 $0x0;
	[sflag:s18] =	ssyncadd.s32 $0xFFFFC180  }
0x49: {  	[tilespmem:s12], [sflag:$0x1] =	stream.linear.gather @!p0 [hbm4b:s11+s12], $0x100, $0x38;
	[tilespmem:$0x1C400] =	vst v63  }
0x4a: {  	_ =	swait.ge [sflag:s30], $0x100  }
0x4b: {  	[sflag:s30] =	ssyncset.done $0x0  }
0x4c: {  	[sflag:s30] =	ssyncadd.s32 $0xFFFFFF00  }
0x4d: {  	[tilespmem:s24], [sflag:$0x5] =	stream.indirect.gather [hbm4b:s4+s23], $0x80, s20, s23, $0xb8;
	[tilespmem:$0x1C400] =	vst v63  }
0x4e: {  	_ =	swait.ge [sflag:s31], $0x3E80  }
0x4f: {  	[sflag:s31] =	ssyncset.done $0x0  }
0x50: {  	[sflag:s31] =	ssyncadd.s32 $0xFFFFC180  }
0x51: {  	[spmem:s2] =	stream.indirect.scatter.add.f32 [tilespmem:s26], [sflag:$0x7], $0x80, s0, s23, $0xb8;
	[tilespmem:$0x1C400] =	vst v63  }
0x52: {  	_ =	swait.ge [sflag:s18], $0x3E80  }
0x53: {  	[sflag:s18] =	ssyncset.done $0x0  }
0x54: {  	s7 =	simm.s32 @!p0 $0x100;
	s11 =	sadd.s32 @!p0 s10, s15;
	[sflag:s18] =	ssyncadd.s32 $0xFFFFC180  }
0x55: {  	[tilespmem:s7], [sflag:$0x2] =	stream.linear.gather @!p0 [hbm4b:s11+s12], $0x100, $0x38;
	[tilespmem:$0x1C400] =	vst v63  }
0x56: {  	_ =	swait.ge [sflag:s1], $0x100  }
0x57: {  	[sflag:s1] =	ssyncset.done $0x0  }
0x58: {  	[sflag:s1] =	ssyncadd.s32 $0xFFFFFF00  }
0x59: {  	[tilespmem:s26], [sflag:$0x6] =	stream.indirect.gather [hbm4b:s4+s23], $0x80, s21, s23, $0xb8;
	[tilespmem:$0x1C400] =	vst v63  }
0x5a: {  	_ =	swait.ge [sflag:s28], $0x3E80  }
0x5b: {  	[sflag:s28] =	ssyncset.done $0x0  }
.Ltmp2:
0x5c: {  	[sflag:s28] =	ssyncadd.s32 $0xFFFFC180;
	(pc) =	sbr.rel @p0 .LBB2_4-.Ltmp2, $4  }
0x5d: {  	[spmem:s2] =	stream.indirect.scatter.add.f32 [tilespmem:s24], [sflag:$0x7], $0x80, s5, s23, $0xb8;
	[tilespmem:$0x1C400] =	vst v63  }
0x5e: {  	_ =	swait.ge [sflag:s18], $0x3E80  }
0x5f: {  	[sflag:s18] =	ssyncset.done $0x0  }
0x60: {  	[sflag:s18] =	ssyncadd.s32 $0xFFFFC180  }
0x61: {  	s7 =	sadd.s32 s10, s14  }
0x62: {  	[tilespmem:s20], [sflag:$0x3] =	stream.linear.gather [hbm4b:s7+s3], $0x100, $0x38;
	[tilespmem:$0x1C400] =	vst v63  }
0x63: {  	_ =	swait.ge [sflag:s22], $0x100  }
0x64: {  	[sflag:s22] =	ssyncset.done $0x0  }
0x65: {  	[sflag:s22] =	ssyncadd.s32 $0xFFFFFF00  }
0x66: {  	[tilespmem:s24], [sflag:$0x5] =	stream.indirect.gather [hbm4b:s4+s23], $0x80, s3, s23, $0xb8;
	[tilespmem:$0x1C400] =	vst v63  }
0x67: {  	_ =	swait.ge [sflag:s31], $0x3E80  }
0x68: {  	[sflag:s31] =	ssyncset.done $0x0  }
0x69: {  	[sflag:s31] =	ssyncadd.s32 $0xFFFFC180  }
0x6a: {  	[spmem:s2] =	stream.indirect.scatter.add.f32 [tilespmem:s26], [sflag:$0x7], $0x80, s8, s23, $0xb8;
	[tilespmem:$0x1C400] =	vst v63  }
0x6b: {  	_ =	swait.ge [sflag:s18], $0x3E80  }
0x6c: {  	[sflag:s18] =	ssyncset.done $0x0  }
0x6d: {  	s12 =	sadd.s32 s10, s13;
	[sflag:s18] =	ssyncadd.s32 $0xFFFFC180  }
0x6e: {  	[tilespmem:s21], [sflag:$0x4] =	stream.linear.gather [hbm4b:s12+s3], $0x100, $0x38;
	[tilespmem:$0x1C400] =	vst v63  }
.Ltmp3:
0x6f: {  	_ = 	snop;
	(pc) =	sbr.rel .LBB2_2-.Ltmp3, $4  }
0x70: {  	_ =	swait.ge [sflag:s25], $0x100  }
0x71: {  	[sflag:s25] =	ssyncset.done $0x0  }
0x72: {  	s10 =	sadd.s32 $0x80, s10;
	[sflag:s25] =	ssyncadd.s32 $0xFFFFFF00  }
0x73: {  	[tilespmem:s26], [sflag:$0x6] =	stream.indirect.gather [hbm4b:s4+s23], $0x80, s19, s23, $0xb8;
	[tilespmem:$0x1C400] =	vst v63  }
.LBB2_5:
0x74: {  	_ =	sfence.sel $0x180000  }
0x75: {  	[bflag:$0x0] =	sbarrier.arrive $0xFFFF  }
0x76: {  	_ =	strace $0x90000050  }
0x77: {  	s0 =	stileid.u32;
	[bflag:$0x2] =	sbarrier.arrive $0xFFFF  }
0x78: {  	p0 =	sne.s32 s0, $0x0;
	s0 =	rddreg [dreg:$0x2]  }
0x79: {  	s0 =	sadd.s32 @!p0 $0x100000, s0  }
0x7a: {  	[sflag:s0] =	ssyncadd.tile.s32 @!p0 $0x1;
	_ =	shalt  }
.Lfunc_end2:
_tile_overlayer_lowered:
.L_overlay_start_2:
0x7b: {  	(tag) =	ssettag $0x2  }
0x7c: {  	s0 =	rddreg [dreg:$0x0];
	s2 =	stileid.u32  }
0x7d: {  	s1 =	rddreg [dreg:$0x1];
	p0 =	sne.s32 s2, $0x0  }
0x7e: {  	s3 =	rddreg [dreg:$0x2];
	[bflag:$0x3] =	sbarrier.arrive $0xFFFF;
	s2 =	simm.s32 @!p0 $0x1C07  }
0x7f: {  	[timem:s3], [sflag:s2] =	dma.local @!p0 [hbm:s0], s1  }
0x80: {  	s0 =	simm.s32 @!p0 $0x7  }
0x81: {  	_ =	swait.ge @!p0 [sflag:s0], s1  }
0x82: {  	s1 =	ssub.s32 @!p0 $0x0, s1;
	[sflag:s0] =	ssyncset.done @!p0 $0x0  }
0x83: {  	[sflag:s0] =	ssyncadd.s32 @!p0 s1  }
0x84: {  	[bflag:$0x3] =	sbarrier.arrive $0xFFFF  }
0x85: {  	_ =	shalt  }

</sc_bundles>
